<compile_context>
chip_gen: v7x
topology: tpu7x:2x2x1
jax: 0.10.2.dev20260603
libtpu: 0.0.44.dev20260713+nightly
codegen_flags: <defaults>
</compile_context>

<pallas_src>
import numpy as np
import jax
import jax.numpy as jnp
from jax import lax
from jax.experimental import pallas as pl
from jax.experimental.pallas import tpu as pltpu
from jax.experimental.pallas import tpu_sc as plsc

_K = 64
_B = 128
_N = 32768
_NC = 2
_NS = 16
_NW = _NC * _NS
_RPW = _B // _NW
_NV = _N // 16
_NB = 256
_UNROLL = 8
_BANK = _NB * 16
_IMIN = np.int32(-2147483648)


def _sc_body(x_hbm, out_hbm, row_v, key_v, hist_v, suf_v):
    wid = lax.axis_index("s") * _NC + lax.axis_index("c")
    lanes = lax.iota(jnp.int32, 16)
    lane_base = lanes * _NB
    lane_bases = [lane_base + np.int32(j * _BANK) for j in range(_UNROLL)]
    ones16 = jnp.ones((16,), jnp.int32)

    def row_body(rr, _carry):
        row = wid * _RPW + rr
        pltpu.sync_copy(x_hbm.at[row], row_v)

        p_and_q = (jnp.int32(0), jnp.int32(_K))
        cnt_eq = jnp.int32(0)
        for p in range(4):
            pref, quota = p_and_q
            dshift = 24 - 8 * p
            eshift = 32 - 8 * p

            @plsc.parallel_loop(0, (_BANK * _UNROLL) // 16, unroll=8)
            def zero_body(i):
                hist_v[pl.ds(i * 16, 16)] = jnp.zeros((16,), jnp.int32)

            @plsc.parallel_loop(0, _NV, unroll=_UNROLL)
            def hist_body(i, _pref=pref, _dshift=dshift, _eshift=eshift):
                o = i * 16
                if p == 0:
                    xv = row_v[pl.ds(o, 16)]
                    bits = lax.bitcast_convert_type(xv, jnp.int32)
                    mneg = lax.shift_right_arithmetic(bits, 31)
                    u = bits ^ (mneg | _IMIN)
                    key_v[pl.ds(o, 16)] = u
                    elig = u == u
                else:
                    u = key_v[pl.ds(o, 16)]
                    elig = lax.shift_right_logical(u, _eshift) == _pref
                d = lax.shift_right_logical(u, _dshift) & jnp.int32(0xFF)
                bank = jnp.left_shift(i & jnp.int32(_UNROLL - 1),
                                      jnp.int32(12))
                plsc.addupdate_scatter(hist_v, [(lane_base + bank) + d],
                                       ones16, mask=elig)

            @plsc.parallel_loop(0, _BANK // 16, unroll=4)
            def fold_body(i):
                c16 = i * 16
                acc = hist_v[pl.ds(c16, 16)]
                for b in range(1, _UNROLL):
                    acc = acc + hist_v[pl.ds(b * _BANK + c16, 16)]
                hist_v[pl.ds(c16, 16)] = acc

            def suf_body(i, s):
                c = 15 - i
                tot = hist_v[pl.ds(c * 16, 16)]
                for l in range(1, 16):
                    tot = tot + hist_v[pl.ds(l * _NB + c * 16, 16)]
                cs = plsc.cumsum(tot)
                tchunk = jnp.sum(tot)
                suf_v[pl.ds(c * 16, 16)] = (tchunk - cs) + tot + s
                return s + tchunk

            lax.fori_loop(0, 16, suf_body, jnp.int32(0))

            def dsel_body(c, dmax, _quota=quota):
                sufc = suf_v[pl.ds(c * 16, 16)]
                cand = jnp.where(sufc >= _quota, c * 16 + lanes + 1,
                                 jnp.int32(0))
                return jnp.maximum(dmax, jnp.max(cand))

            d_star = lax.fori_loop(0, 16, dsel_body, jnp.int32(0)) - 1

            def ext_body(c, acc, _d=d_star):
                sufc = suf_v[pl.ds(c * 16, 16)]
                dd = c * 16 + lanes
                a = jnp.where(dd == _d + 1, sufc, jnp.int32(0))
                b = jnp.where(dd == _d, sufc, jnp.int32(0))
                return (jnp.maximum(acc[0], jnp.max(a)),
                        jnp.maximum(acc[1], jnp.max(b)))

            above, at_d = lax.fori_loop(
                0, 16, ext_body, (jnp.int32(0), jnp.int32(0)))
            if p == 3:
                cnt_eq = at_d - above
            p_and_q = ((pref << 8) | d_star, quota - above)

        t_pat, r = p_and_q
        t_s = t_pat ^ _IMIN

        def tie_body(i, c):
            v = key_v[pl.ds(i * 16, 16)] ^ _IMIN
            xv = row_v[pl.ds(i * 16, 16)]
            eq = v == t_s
            pre = plsc.cumsum(jnp.where(eq, jnp.int32(1), jnp.int32(0)))
            keep = (v > t_s) | (eq & ((c + pre) <= r))
            row_v[pl.ds(i * 16, 16)] = jnp.where(keep, xv, jnp.float32(0.0))
            return c + jnp.max(pre)

        def fast_fn(_):
            @plsc.parallel_loop(0, _NV, unroll=_UNROLL)
            def fast_body(i):
                o = i * 16
                v = key_v[pl.ds(o, 16)] ^ _IMIN
                xv = row_v[pl.ds(o, 16)]
                row_v[pl.ds(o, 16)] = jnp.where(
                    v >= t_s, xv, jnp.float32(0.0))

            return 0

        def tie_fn(_):
            lax.fori_loop(0, _NV, tie_body, jnp.int32(0))
            return 0

        lax.cond(cnt_eq > r, tie_fn, fast_fn, 0)
        pltpu.sync_copy(row_v, out_hbm.at[row])
        return 0

    lax.fori_loop(0, _RPW, row_body, 0)


@jax.jit
def kernel(x):
    mesh = plsc.VectorSubcoreMesh(core_axis_name="c", subcore_axis_name="s")
    return pl.kernel(
        _sc_body,
        out_type=jax.ShapeDtypeStruct((_B, _N), jnp.float32),
        mesh=mesh,
        compiler_params=pltpu.CompilerParams(needs_layout_passes=False),
        scratch_types=[
            pltpu.VMEM((_N,), jnp.float32),
            pltpu.VMEM((_N,), jnp.int32),
            pltpu.VMEM((_BANK * _UNROLL,), jnp.int32),
            pltpu.VMEM((_NB,), jnp.int32),
        ],
    )(x)

# --- scband reference (transcript-rebuilt; emitter-appended) ---
"""Pipeline reference for scband-top-ksparsity-48232482734126 (READ-ONLY COPY).

The authoritative reference and input builder live on the scoring server;
editing this copy changes nothing except your own understanding.
"""

import jax, jax.numpy as jnp
import numpy as np

TOPK = 64

def setup_inputs(seed: int = 0) -> dict:
    key = jax.random.key(seed)
    x = jax.random.normal(key, (128, 32768), dtype=jnp.float32)
    return {"x": x}

def reference(x):
    B, N = x.shape
    # top-k indices per row (detached scores, like torch detach + topk)
    _, idx = jax.lax.top_k(jax.lax.stop_gradient(x), TOPK)
    mask = jnp.zeros((B, N), dtype=bool)
    rows = jnp.arange(B)[:, None]
    mask = mask.at[rows, idx].set(True)
    y = jnp.where(mask, x, jnp.zeros_like(x))
    return y

if __name__ == "__main__":
    import jax
    _d = setup_inputs()
    print(jax.jit(kernel)(*tuple(_d.values())))

</pallas_src>

<mosaic_0001>
#map = affine_map<(d0, d1) -> (0, 0)>
module attributes {stable_mosaic.version = 14 : i64} {
  func.func @_sc_body(%arg0: i32, %arg1: i32, %arg2: memref<128x32768xf32, #tpu.memory_space<hbm>>, %arg3: memref<128x32768xf32, #tpu.memory_space<hbm>>, %arg4: memref<32768xf32, #tpu.memory_space<vmem>>, %arg5: memref<32768xi32, #tpu.memory_space<vmem>>, %arg6: memref<32768xi32, #tpu.memory_space<vmem>>, %arg7: memref<256xi32, #tpu.memory_space<vmem>>) attributes {dimension_semantics = [#tpu.dimension_semantics<core_parallel>, #tpu.dimension_semantics<subcore_parallel>], iteration_bounds = array<i64: 2, 16>, scalar_prefetch = 0 : i64, scratch_operands = 4 : i64, tpu.core_type = #tpu.core_type<sc_vector_subcore>, window_params = [{transform_indices = #map}, {transform_indices = #map}]} {
    %mul3A = arith.constant 2 : i32
    %mul3A_0 = arith.muli %arg1, %mul3A : i32
    %add3A = arith.addi %mul3A_0, %arg0 : i32
    %iota3A = tpu.iota {dimensions = array<i32: 0>} : vector<16xi32>
    %mul3A_1 = arith.constant 256 : i32
    %mul3A_2 = vector.broadcast %mul3A_1 : i32 to vector<16xi32>
    %mul3A_3 = arith.muli %iota3A, %mul3A_2 : vector<16xi32>
    %add3A_4 = arith.constant 0 : i32
    %add3A_5 = vector.broadcast %add3A_4 : i32 to vector<16xi32>
    %add3A_6 = arith.addi %mul3A_3, %add3A_5 : vector<16xi32>
    %add3A_7 = arith.constant 4096 : i32
    %add3A_8 = vector.broadcast %add3A_7 : i32 to vector<16xi32>
    %add3A_9 = arith.addi %mul3A_3, %add3A_8 : vector<16xi32>
    %add3A_10 = arith.constant 8192 : i32
    %add3A_11 = vector.broadcast %add3A_10 : i32 to vector<16xi32>
    %add3A_12 = arith.addi %mul3A_3, %add3A_11 : vector<16xi32>
    %add3A_13 = arith.constant 12288 : i32
    %add3A_14 = vector.broadcast %add3A_13 : i32 to vector<16xi32>
    %add3A_15 = arith.addi %mul3A_3, %add3A_14 : vector<16xi32>
    %add3A_16 = arith.constant 16384 : i32
    %add3A_17 = vector.broadcast %add3A_16 : i32 to vector<16xi32>
    %add3A_18 = arith.addi %mul3A_3, %add3A_17 : vector<16xi32>
    %add3A_19 = arith.constant 20480 : i32
    %add3A_20 = vector.broadcast %add3A_19 : i32 to vector<16xi32>
    %add3A_21 = arith.addi %mul3A_3, %add3A_20 : vector<16xi32>
    %add3A_22 = arith.constant 24576 : i32
    %add3A_23 = vector.broadcast %add3A_22 : i32 to vector<16xi32>
    %add3A_24 = arith.addi %mul3A_3, %add3A_23 : vector<16xi32>
    %add3A_25 = arith.constant 28672 : i32
    %add3A_26 = vector.broadcast %add3A_25 : i32 to vector<16xi32>
    %add3A_27 = arith.addi %mul3A_3, %add3A_26 : vector<16xi32>
    %broadcast_in_dim3A = arith.constant 1 : i32
    %broadcast_in_dim3A_28 = vector.broadcast %broadcast_in_dim3A : i32 to vector<16xi32>
    %scan3A = arith.constant 0 : i32
    %scan3A_29 = arith.constant 0 : i32
    %scan3A_30 = arith.constant 4 : i32
    %scan3A_31 = arith.addi %scan3A_29, %scan3A_30 : i32
    %scan3A_32 = arith.constant 1 : i32
    %scan3A_33 = scf.for %scan3A_35 = %scan3A_29 to %scan3A_31 step %scan3A_32 iter_args(%scan3A_36 = %scan3A) -> (i32)  : i32 {
      %mul3A_37 = arith.constant 4 : i32
      %mul3A_38 = arith.muli %add3A, %mul3A_37 : i32
      %add3A_39 = arith.addi %mul3A_38, %scan3A_35 : i32
      "tpu.region"() ({
        %run_scoped3A = tpu.sem_alloc : memref<!tpu.dma_semaphore, #tpu.memory_space<semaphore_mem>>
        %dma_start3A = arith.constant 0 : i32
        %dma_start3A_193 = tpu.memref_slice %arg2[%add3A_39, %dma_start3A] : memref<128x32768xf32, #tpu.memory_space<hbm>> -> memref<1x32768xf32, #tpu.memory_space<hbm>>
        %dma_start3A_194 = tpu.memref_squeeze %dma_start3A_193 : memref<1x32768xf32, #tpu.memory_space<hbm>> -> memref<32768xf32, #tpu.memory_space<hbm>>
        %dma_start3A_195 = arith.constant 0 : i32
        %dma_start3A_196 = tpu.memref_slice %arg2[%add3A_39, %dma_start3A_195] : memref<128x32768xf32, #tpu.memory_space<hbm>> -> memref<1x32768xf32, #tpu.memory_space<hbm>>
        %dma_start3A_197 = tpu.memref_squeeze %dma_start3A_196 : memref<1x32768xf32, #tpu.memory_space<hbm>> -> memref<32768xf32, #tpu.memory_space<hbm>>
        tpu.enqueue_dma source(%dma_start3A_197 : memref<32768xf32, #tpu.memory_space<hbm>>) target(%arg4 : memref<32768xf32, #tpu.memory_space<vmem>>) target_semaphore(%run_scoped3A : memref<!tpu.dma_semaphore, #tpu.memory_space<semaphore_mem>>)
        %dma_wait3A = arith.constant 0 : i32
        %dma_wait3A_198 = tpu.memref_slice %arg2[%add3A_39, %dma_wait3A] : memref<128x32768xf32, #tpu.memory_space<hbm>> -> memref<1x32768xf32, #tpu.memory_space<hbm>>
        %dma_wait3A_199 = tpu.memref_squeeze %dma_wait3A_198 : memref<1x32768xf32, #tpu.memory_space<hbm>> -> memref<32768xf32, #tpu.memory_space<hbm>>
        %dma_wait3A_200 = arith.constant 0 : i32
        %dma_wait3A_201 = tpu.memref_slice %arg2[%add3A_39, %dma_wait3A_200] : memref<128x32768xf32, #tpu.memory_space<hbm>> -> memref<1x32768xf32, #tpu.memory_space<hbm>>
        %dma_wait3A_202 = tpu.memref_squeeze %dma_wait3A_201 : memref<1x32768xf32, #tpu.memory_space<hbm>> -> memref<32768xf32, #tpu.memory_space<hbm>>
        tpu.wait_dma2 semaphore(%run_scoped3A : memref<!tpu.dma_semaphore, #tpu.memory_space<semaphore_mem>>) src(%dma_wait3A_202 : memref<32768xf32, #tpu.memory_space<hbm>>) dst(%arg4 : memref<32768xf32, #tpu.memory_space<vmem>>)
        tpu.yield
      }) : () -> ()
      %parallel_loop3A = arith.constant 0 : i32
      %parallel_loop3A_40 = arith.constant 2048 : i32
      %parallel_loop3A_41 = arith.constant 1 : i32
      scf.for %parallel_loop3A_193 = %parallel_loop3A to %parallel_loop3A_40 step %parallel_loop3A_41  : i32 {
        %parallel_loop3A_194 = arith.constant 0 : i32
        %parallel_loop3A_195 = vector.broadcast %parallel_loop3A_194 : i32 to vector<16xi32>
        %parallel_loop3A_196 = arith.constant 16 : i32
        %parallel_loop3A_197 = arith.muli %parallel_loop3A_193, %parallel_loop3A_196 : i32
        %parallel_loop3A_198 = arith.index_cast %parallel_loop3A_197 : i32 to index
        %parallel_loop3A_199 = tpu.vector_load %arg6[%parallel_loop3A_198] {strides = array<i32>} : memref<32768xi32, #tpu.memory_space<vmem>>, vector<16xi32>,
        tpu.vector_store %arg6[%parallel_loop3A_198], %parallel_loop3A_195 {strides = array<i32>} : memref<32768xi32, #tpu.memory_space<vmem>>, vector<16xi32>,
      } {sc.loop_unroll_factor = 8 : i64, sc.parallel_access}
      %parallel_loop3A_42 = arith.constant 0 : i32
      %parallel_loop3A_43 = arith.constant 2048 : i32
      %parallel_loop3A_44 = arith.constant 1 : i32
      scf.for %parallel_loop3A_193 = %parallel_loop3A_42 to %parallel_loop3A_43 step %parallel_loop3A_44  : i32 {
        %parallel_loop3A_194 = arith.constant 16 : i32
        %parallel_loop3A_195 = arith.muli %parallel_loop3A_193, %parallel_loop3A_194 : i32
        %parallel_loop3A_196 = arith.index_cast %parallel_loop3A_195 : i32 to index
        %parallel_loop3A_197 = tpu.vector_load %arg4[%parallel_loop3A_196] {strides = array<i32>} : memref<32768xf32, #tpu.memory_space<vmem>>, vector<16xf32>,
        %parallel_loop3A_198 = tpu.bitcast %parallel_loop3A_197 : vector<16xf32> -> vector<16xi32>
        %parallel_loop3A_199 = arith.constant 31 : i32
        %parallel_loop3A_200 = vector.broadcast %parallel_loop3A_199 : i32 to vector<16xi32>
        %parallel_loop3A_201 = arith.shrsi %parallel_loop3A_198, %parallel_loop3A_200 : vector<16xi32>
        %parallel_loop3A_202 = arith.constant -2147483648 : i32
        %parallel_loop3A_203 = vector.broadcast %parallel_loop3A_202 : i32 to vector<16xi32>
        %parallel_loop3A_204 = arith.ori %parallel_loop3A_201, %parallel_loop3A_203 : vector<16xi32>
        %parallel_loop3A_205 = arith.xori %parallel_loop3A_198, %parallel_loop3A_204 : vector<16xi32>
        %parallel_loop3A_206 = arith.index_cast %parallel_loop3A_195 : i32 to index
        %parallel_loop3A_207 = tpu.vector_load %arg5[%parallel_loop3A_206] {strides = array<i32>} : memref<32768xi32, #tpu.memory_space<vmem>>, vector<16xi32>,
        tpu.vector_store %arg5[%parallel_loop3A_206], %parallel_loop3A_205 {strides = array<i32>} : memref<32768xi32, #tpu.memory_space<vmem>>, vector<16xi32>,
        %parallel_loop3A_208 = arith.cmpi eq, %parallel_loop3A_205, %parallel_loop3A_205 : vector<16xi32>
        %parallel_loop3A_209 = arith.constant 24 : i32
        %parallel_loop3A_210 = vector.broadcast %parallel_loop3A_209 : i32 to vector<16xi32>
        %parallel_loop3A_211 = arith.shrui %parallel_loop3A_205, %parallel_loop3A_210 : vector<16xi32>
        %parallel_loop3A_212 = arith.constant 255 : i32
        %parallel_loop3A_213 = vector.broadcast %parallel_loop3A_212 : i32 to vector<16xi32>
        %parallel_loop3A_214 = arith.andi %parallel_loop3A_211, %parallel_loop3A_213 : vector<16xi32>
        %parallel_loop3A_215 = arith.constant 7 : i32
        %parallel_loop3A_216 = arith.andi %parallel_loop3A_193, %parallel_loop3A_215 : i32
        %parallel_loop3A_217 = arith.constant 12 : i32
        %parallel_loop3A_218 = arith.shli %parallel_loop3A_216, %parallel_loop3A_217 : i32
        %parallel_loop3A_219 = vector.broadcast %parallel_loop3A_218 : i32 to vector<16xi32>
        %parallel_loop3A_220 = arith.addi %mul3A_3, %parallel_loop3A_219 : vector<16xi32>
        %parallel_loop3A_221 = arith.addi %parallel_loop3A_220, %parallel_loop3A_214 : vector<16xi32>
        tpu.vector_store_idx %arg6[%parallel_loop3A_221], %broadcast_in_dim3A_28 masked %parallel_loop3A_208 {add = true} : memref<32768xi32, #tpu.memory_space<vmem>>[vector<16xi32>], vector<16xi32>, vector<16xi1>
      } {sc.loop_unroll_factor = 8 : i64, sc.parallel_access}
      %parallel_loop3A_45 = arith.constant 0 : i32
      %parallel_loop3A_46 = arith.constant 256 : i32
      %parallel_loop3A_47 = arith.constant 1 : i32
      scf.for %parallel_loop3A_193 = %parallel_loop3A_45 to %parallel_loop3A_46 step %parallel_loop3A_47  : i32 {
        %parallel_loop3A_194 = arith.constant 16 : i32
        %parallel_loop3A_195 = arith.muli %parallel_loop3A_193, %parallel_loop3A_194 : i32
        %parallel_loop3A_196 = arith.index_cast %parallel_loop3A_195 : i32 to index
        %parallel_loop3A_197 = tpu.vector_load %arg6[%parallel_loop3A_196] {strides = array<i32>} : memref<32768xi32, #tpu.memory_space<vmem>>, vector<16xi32>,
        %parallel_loop3A_198 = arith.constant 4096 : i32
        %parallel_loop3A_199 = arith.addi %parallel_loop3A_198, %parallel_loop3A_195 : i32
        %parallel_loop3A_200 = arith.index_cast %parallel_loop3A_199 : i32 to index
        %parallel_loop3A_201 = tpu.vector_load %arg6[%parallel_loop3A_200] {strides = array<i32>} : memref<32768xi32, #tpu.memory_space<vmem>>, vector<16xi32>,
        %parallel_loop3A_202 = arith.addi %parallel_loop3A_197, %parallel_loop3A_201 : vector<16xi32>
        %parallel_loop3A_203 = arith.constant 8192 : i32
        %parallel_loop3A_204 = arith.addi %parallel_loop3A_203, %parallel_loop3A_195 : i32
        %parallel_loop3A_205 = arith.index_cast %parallel_loop3A_204 : i32 to index
        %parallel_loop3A_206 = tpu.vector_load %arg6[%parallel_loop3A_205] {strides = array<i32>} : memref<32768xi32, #tpu.memory_space<vmem>>, vector<16xi32>,
        %parallel_loop3A_207 = arith.addi %parallel_loop3A_202, %parallel_loop3A_206 : vector<16xi32>
        %parallel_loop3A_208 = arith.constant 12288 : i32
        %parallel_loop3A_209 = arith.addi %parallel_loop3A_208, %parallel_loop3A_195 : i32
        %parallel_loop3A_210 = arith.index_cast %parallel_loop3A_209 : i32 to index
        %parallel_loop3A_211 = tpu.vector_load %arg6[%parallel_loop3A_210] {strides = array<i32>} : memref<32768xi32, #tpu.memory_space<vmem>>, vector<16xi32>,
        %parallel_loop3A_212 = arith.addi %parallel_loop3A_207, %parallel_loop3A_211 : vector<16xi32>
        %parallel_loop3A_213 = arith.constant 16384 : i32
        %parallel_loop3A_214 = arith.addi %parallel_loop3A_213, %parallel_loop3A_195 : i32
        %parallel_loop3A_215 = arith.index_cast %parallel_loop3A_214 : i32 to index
        %parallel_loop3A_216 = tpu.vector_load %arg6[%parallel_loop3A_215] {strides = array<i32>} : memref<32768xi32, #tpu.memory_space<vmem>>, vector<16xi32>,
        %parallel_loop3A_217 = arith.addi %parallel_loop3A_212, %parallel_loop3A_216 : vector<16xi32>
        %parallel_loop3A_218 = arith.constant 20480 : i32
        %parallel_loop3A_219 = arith.addi %parallel_loop3A_218, %parallel_loop3A_195 : i32
        %parallel_loop3A_220 = arith.index_cast %parallel_loop3A_219 : i32 to index
        %parallel_loop3A_221 = tpu.vector_load %arg6[%parallel_loop3A_220] {strides = array<i32>} : memref<32768xi32, #tpu.memory_space<vmem>>, vector<16xi32>,
        %parallel_loop3A_222 = arith.addi %parallel_loop3A_217, %parallel_loop3A_221 : vector<16xi32>
        %parallel_loop3A_223 = arith.constant 24576 : i32
        %parallel_loop3A_224 = arith.addi %parallel_loop3A_223, %parallel_loop3A_195 : i32
        %parallel_loop3A_225 = arith.index_cast %parallel_loop3A_224 : i32 to index
        %parallel_loop3A_226 = tpu.vector_load %arg6[%parallel_loop3A_225] {strides = array<i32>} : memref<32768xi32, #tpu.memory_space<vmem>>, vector<16xi32>,
        %parallel_loop3A_227 = arith.addi %parallel_loop3A_222, %parallel_loop3A_226 : vector<16xi32>
        %parallel_loop3A_228 = arith.constant 28672 : i32
        %parallel_loop3A_229 = arith.addi %parallel_loop3A_228, %parallel_loop3A_195 : i32
        %parallel_loop3A_230 = arith.index_cast %parallel_loop3A_229 : i32 to index
        %parallel_loop3A_231 = tpu.vector_load %arg6[%parallel_loop3A_230] {strides = array<i32>} : memref<32768xi32, #tpu.memory_space<vmem>>, vector<16xi32>,
        %parallel_loop3A_232 = arith.addi %parallel_loop3A_227, %parallel_loop3A_231 : vector<16xi32>
        %parallel_loop3A_233 = arith.index_cast %parallel_loop3A_195 : i32 to index
        %parallel_loop3A_234 = tpu.vector_load %arg6[%parallel_loop3A_233] {strides = array<i32>} : memref<32768xi32, #tpu.memory_space<vmem>>, vector<16xi32>,
        tpu.vector_store %arg6[%parallel_loop3A_233], %parallel_loop3A_232 {strides = array<i32>} : memref<32768xi32, #tpu.memory_space<vmem>>, vector<16xi32>,
      } {sc.loop_unroll_factor = 4 : i64, sc.parallel_access}
      %scan3A_48 = arith.constant 0 : i32
      %scan3A_49 = arith.constant 0 : i32
      %scan3A_50 = arith.constant 16 : i32
      %scan3A_51 = arith.addi %scan3A_49, %scan3A_50 : i32
      %scan3A_52 = arith.constant 1 : i32
      %scan3A_53 = scf.for %scan3A_193 = %scan3A_49 to %scan3A_51 step %scan3A_52 iter_args(%scan3A_194 = %scan3A_48) -> (i32)  : i32 {
        %sub3A_195 = arith.constant 15 : i32
        %sub3A_196 = arith.subi %sub3A_195, %scan3A_193 : i32
        %mul3A_197 = arith.constant 16 : i32
        %mul3A_198 = arith.muli %sub3A_196, %mul3A_197 : i32
        %get3A = arith.index_cast %mul3A_198 : i32 to index
        %get3A_199 = tpu.vector_load %arg6[%get3A] {strides = array<i32>} : memref<32768xi32, #tpu.memory_space<vmem>>, vector<16xi32>,
        %mul3A_200 = arith.constant 16 : i32
        %mul3A_201 = arith.muli %sub3A_196, %mul3A_200 : i32
        %add3A_202 = arith.constant 256 : i32
        %add3A_203 = arith.addi %add3A_202, %mul3A_201 : i32
        %get3A_204 = arith.index_cast %add3A_203 : i32 to index
        %get3A_205 = tpu.vector_load %arg6[%get3A_204] {strides = array<i32>} : memref<32768xi32, #tpu.memory_space<vmem>>, vector<16xi32>,
        %add3A_206 = arith.addi %get3A_199, %get3A_205 : vector<16xi32>
        %mul3A_207 = arith.constant 16 : i32
        %mul3A_208 = arith.muli %sub3A_196, %mul3A_207 : i32
        %add3A_209 = arith.constant 512 : i32
        %add3A_210 = arith.addi %add3A_209, %mul3A_208 : i32
        %get3A_211 = arith.index_cast %add3A_210 : i32 to index
        %get3A_212 = tpu.vector_load %arg6[%get3A_211] {strides = array<i32>} : memref<32768xi32, #tpu.memory_space<vmem>>, vector<16xi32>,
        %add3A_213 = arith.addi %add3A_206, %get3A_212 : vector<16xi32>
        %mul3A_214 = arith.constant 16 : i32
        %mul3A_215 = arith.muli %sub3A_196, %mul3A_214 : i32
        %add3A_216 = arith.constant 768 : i32
        %add3A_217 = arith.addi %add3A_216, %mul3A_215 : i32
        %get3A_218 = arith.index_cast %add3A_217 : i32 to index
        %get3A_219 = tpu.vector_load %arg6[%get3A_218] {strides = array<i32>} : memref<32768xi32, #tpu.memory_space<vmem>>, vector<16xi32>,
        %add3A_220 = arith.addi %add3A_213, %get3A_219 : vector<16xi32>
        %mul3A_221 = arith.constant 16 : i32
        %mul3A_222 = arith.muli %sub3A_196, %mul3A_221 : i32
        %add3A_223 = arith.constant 1024 : i32
        %add3A_224 = arith.addi %add3A_223, %mul3A_222 : i32
        %get3A_225 = arith.index_cast %add3A_224 : i32 to index
        %get3A_226 = tpu.vector_load %arg6[%get3A_225] {strides = array<i32>} : memref<32768xi32, #tpu.memory_space<vmem>>, vector<16xi32>,
        %add3A_227 = arith.addi %add3A_220, %get3A_226 : vector<16xi32>
        %mul3A_228 = arith.constant 16 : i32
        %mul3A_229 = arith.muli %sub3A_196, %mul3A_228 : i32
        %add3A_230 = arith.constant 1280 : i32
        %add3A_231 = arith.addi %add3A_230, %mul3A_229 : i32
        %get3A_232 = arith.index_cast %add3A_231 : i32 to index
        %get3A_233 = tpu.vector_load %arg6[%get3A_232] {strides = array<i32>} : memref<32768xi32, #tpu.memory_space<vmem>>, vector<16xi32>,
        %add3A_234 = arith.addi %add3A_227, %get3A_233 : vector<16xi32>
        %mul3A_235 = arith.constant 16 : i32
        %mul3A_236 = arith.muli %sub3A_196, %mul3A_235 : i32
        %add3A_237 = arith.constant 1536 : i32
        %add3A_238 = arith.addi %add3A_237, %mul3A_236 : i32
        %get3A_239 = arith.index_cast %add3A_238 : i32 to index
        %get3A_240 = tpu.vector_load %arg6[%get3A_239] {strides = array<i32>} : memref<32768xi32, #tpu.memory_space<vmem>>, vector<16xi32>,
        %add3A_241 = arith.addi %add3A_234, %get3A_240 : vector<16xi32>
        %mul3A_242 = arith.constant 16 : i32
        %mul3A_243 = arith.muli %sub3A_196, %mul3A_242 : i32
        %add3A_244 = arith.constant 1792 : i32
        %add3A_245 = arith.addi %add3A_244, %mul3A_243 : i32
        %get3A_246 = arith.index_cast %add3A_245 : i32 to index
        %get3A_247 = tpu.vector_load %arg6[%get3A_246] {strides = array<i32>} : memref<32768xi32, #tpu.memory_space<vmem>>, vector<16xi32>,
        %add3A_248 = arith.addi %add3A_241, %get3A_247 : vector<16xi32>
        %mul3A_249 = arith.constant 16 : i32
        %mul3A_250 = arith.muli %sub3A_196, %mul3A_249 : i32
        %add3A_251 = arith.constant 2048 : i32
        %add3A_252 = arith.addi %add3A_251, %mul3A_250 : i32
        %get3A_253 = arith.index_cast %add3A_252 : i32 to index
        %get3A_254 = tpu.vector_load %arg6[%get3A_253] {strides = array<i32>} : memref<32768xi32, #tpu.memory_space<vmem>>, vector<16xi32>,
        %add3A_255 = arith.addi %add3A_248, %get3A_254 : vector<16xi32>
        %mul3A_256 = arith.constant 16 : i32
        %mul3A_257 = arith.muli %sub3A_196, %mul3A_256 : i32
        %add3A_258 = arith.constant 2304 : i32
        %add3A_259 = arith.addi %add3A_258, %mul3A_257 : i32
        %get3A_260 = arith.index_cast %add3A_259 : i32 to index
        %get3A_261 = tpu.vector_load %arg6[%get3A_260] {strides = array<i32>} : memref<32768xi32, #tpu.memory_space<vmem>>, vector<16xi32>,
        %add3A_262 = arith.addi %add3A_255, %get3A_261 : vector<16xi32>
        %mul3A_263 = arith.constant 16 : i32
        %mul3A_264 = arith.muli %sub3A_196, %mul3A_263 : i32
        %add3A_265 = arith.constant 2560 : i32
        %add3A_266 = arith.addi %add3A_265, %mul3A_264 : i32
        %get3A_267 = arith.index_cast %add3A_266 : i32 to index
        %get3A_268 = tpu.vector_load %arg6[%get3A_267] {strides = array<i32>} : memref<32768xi32, #tpu.memory_space<vmem>>, vector<16xi32>,
        %add3A_269 = arith.addi %add3A_262, %get3A_268 : vector<16xi32>
        %mul3A_270 = arith.constant 16 : i32
        %mul3A_271 = arith.muli %sub3A_196, %mul3A_270 : i32
        %add3A_272 = arith.constant 2816 : i32
        %add3A_273 = arith.addi %add3A_272, %mul3A_271 : i32
        %get3A_274 = arith.index_cast %add3A_273 : i32 to index
        %get3A_275 = tpu.vector_load %arg6[%get3A_274] {strides = array<i32>} : memref<32768xi32, #tpu.memory_space<vmem>>, vector<16xi32>,
        %add3A_276 = arith.addi %add3A_269, %get3A_275 : vector<16xi32>
        %mul3A_277 = arith.constant 16 : i32
        %mul3A_278 = arith.muli %sub3A_196, %mul3A_277 : i32
        %add3A_279 = arith.constant 3072 : i32
        %add3A_280 = arith.addi %add3A_279, %mul3A_278 : i32
        %get3A_281 = arith.index_cast %add3A_280 : i32 to index
        %get3A_282 = tpu.vector_load %arg6[%get3A_281] {strides = array<i32>} : memref<32768xi32, #tpu.memory_space<vmem>>, vector<16xi32>,
        %add3A_283 = arith.addi %add3A_276, %get3A_282 : vector<16xi32>
        %mul3A_284 = arith.constant 16 : i32
        %mul3A_285 = arith.muli %sub3A_196, %mul3A_284 : i32
        %add3A_286 = arith.constant 3328 : i32
        %add3A_287 = arith.addi %add3A_286, %mul3A_285 : i32
        %get3A_288 = arith.index_cast %add3A_287 : i32 to index
        %get3A_289 = tpu.vector_load %arg6[%get3A_288] {strides = array<i32>} : memref<32768xi32, #tpu.memory_space<vmem>>, vector<16xi32>,
        %add3A_290 = arith.addi %add3A_283, %get3A_289 : vector<16xi32>
        %mul3A_291 = arith.constant 16 : i32
        %mul3A_292 = arith.muli %sub3A_196, %mul3A_291 : i32
        %add3A_293 = arith.constant 3584 : i32
        %add3A_294 = arith.addi %add3A_293, %mul3A_292 : i32
        %get3A_295 = arith.index_cast %add3A_294 : i32 to index
        %get3A_296 = tpu.vector_load %arg6[%get3A_295] {strides = array<i32>} : memref<32768xi32, #tpu.memory_space<vmem>>, vector<16xi32>,
        %add3A_297 = arith.addi %add3A_290, %get3A_296 : vector<16xi32>
        %mul3A_298 = arith.constant 16 : i32
        %mul3A_299 = arith.muli %sub3A_196, %mul3A_298 : i32
        %add3A_300 = arith.constant 3840 : i32
        %add3A_301 = arith.addi %add3A_300, %mul3A_299 : i32
        %get3A_302 = arith.index_cast %add3A_301 : i32 to index
        %get3A_303 = tpu.vector_load %arg6[%get3A_302] {strides = array<i32>} : memref<32768xi32, #tpu.memory_space<vmem>>, vector<16xi32>,
        %add3A_304 = arith.addi %add3A_297, %get3A_303 : vector<16xi32>
        %broadcast_in_dim3A_305 = arith.constant true
        %broadcast_in_dim3A_306 = vector.broadcast %broadcast_in_dim3A_305 : i1 to vector<16xi1>
        %masked_cumsum3A = tpu.scan <sum>, %add3A_304 masked %broadcast_in_dim3A_306 : vector<16xi32>, vector<16xi1> -> vector<16xi32>
        %reduce_sum3A = arith.constant true
        %reduce_sum3A_307 = vector.broadcast %reduce_sum3A : i1 to vector<16xi1>
        %reduce_sum3A_308 = tpu.scan <sum>, %add3A_304 masked %reduce_sum3A_307 : vector<16xi32>, vector<16xi1> -> vector<16xi32>
        %reduce_sum3A_309 = vector.extract %reduce_sum3A_308[15] : i32 from vector<16xi32>
        %sub3A_310 = vector.broadcast %reduce_sum3A_309 : i32 to vector<16xi32>
        %sub3A_311 = arith.subi %sub3A_310, %masked_cumsum3A : vector<16xi32>
        %add3A_312 = arith.addi %sub3A_311, %add3A_304 : vector<16xi32>
        %add3A_313 = vector.broadcast %scan3A_194 : i32 to vector<16xi32>
        %add3A_314 = arith.addi %add3A_312, %add3A_313 : vector<16xi32>
        %mul3A_315 = arith.constant 16 : i32
        %mul3A_316 = arith.muli %sub3A_196, %mul3A_315 : i32
        %swap3A = arith.index_cast %mul3A_316 : i32 to index
        %swap3A_317 = tpu.vector_load %arg7[%swap3A] {strides = array<i32>} : memref<256xi32, #tpu.memory_space<vmem>>, vector<16xi32>,
        tpu.vector_store %arg7[%swap3A], %add3A_314 {strides = array<i32>} : memref<256xi32, #tpu.memory_space<vmem>>, vector<16xi32>,
        %add3A_318 = arith.addi %scan3A_194, %reduce_sum3A_309 : i32
        scf.yield %add3A_318 : i32
      }
      %scan3A_54 = arith.constant 16 : i32
      %scan3A_55 = arith.constant 64 : i32
      %scan3A_56 = arith.constant 0 : i32
      %scan3A_57 = arith.constant 0 : i32
      %scan3A_58 = arith.constant 16 : i32
      %scan3A_59 = arith.addi %scan3A_57, %scan3A_58 : i32
      %scan3A_60 = arith.constant 1 : i32
      %scan3A_61 = scf.for %scan3A_193 = %scan3A_57 to %scan3A_59 step %scan3A_60 iter_args(%scan3A_194 = %scan3A_56) -> (i32)  : i32 {
        %mul3A_195 = arith.constant 16 : i32
        %mul3A_196 = arith.muli %scan3A_193, %mul3A_195 : i32
        %get3A = arith.index_cast %mul3A_196 : i32 to index
        %get3A_197 = tpu.vector_load %arg7[%get3A] {strides = array<i32>} : memref<256xi32, #tpu.memory_space<vmem>>, vector<16xi32>,
        %ge3A = vector.broadcast %scan3A_55 : i32 to vector<16xi32>
        %ge3A_198 = arith.cmpi sge, %get3A_197, %ge3A : vector<16xi32>
        %mul3A_199 = arith.constant 16 : i32
        %mul3A_200 = arith.muli %scan3A_193, %mul3A_199 : i32
        %add3A_201 = vector.broadcast %mul3A_200 : i32 to vector<16xi32>
        %add3A_202 = arith.addi %add3A_201, %iota3A : vector<16xi32>
        %add3A_203 = arith.constant 1 : i32
        %add3A_204 = vector.broadcast %add3A_203 : i32 to vector<16xi32>
        %add3A_205 = arith.addi %add3A_202, %add3A_204 : vector<16xi32>
        %jit3A = arith.constant 0 : i32
        %broadcast_in_dim3A_206 = vector.broadcast %jit3A : i32 to vector<16xi32>
        %select_n3A = arith.select %ge3A_198, %add3A_205, %broadcast_in_dim3A_206 : vector<16xi1>, vector<16xi32>
        %reduce_max3A = arith.constant true
        %reduce_max3A_207 = vector.broadcast %reduce_max3A : i1 to vector<16xi1>
        %reduce_max3A_208 = arith.constant -2147483648 : i32
        %reduce_max3A_209 = vector.broadcast %reduce_max3A_208 : i32 to vector<16xi32>
        %reduce_max3A_210 = arith.xori %select_n3A, %reduce_max3A_209 : vector<16xi32>
        %reduce_max3A_211 = tpu.scan <max>, %reduce_max3A_210 masked %reduce_max3A_207 : vector<16xi32>, vector<16xi1> -> vector<16xi32>
        %reduce_max3A_212 = arith.xori %reduce_max3A_211, %reduce_max3A_209 : vector<16xi32>
        %reduce_max3A_213 = vector.extract %reduce_max3A_212[15] : i32 from vector<16xi32>
        %max3A = arith.maxsi %scan3A_194, %reduce_max3A_213 : i32
        scf.yield %max3A : i32
      }
      %scan3A_62 = arith.constant 16 : i32
      %sub3A = arith.constant 1 : i32
      %sub3A_63 = arith.subi %scan3A_61, %sub3A : i32
      %scan3A_64 = arith.constant 0 : i32
      %scan3A_65 = arith.constant 0 : i32
      %scan3A_66 = arith.constant 0 : i32
      %scan3A_67 = arith.constant 16 : i32
      %scan3A_68 = arith.addi %scan3A_66, %scan3A_67 : i32
      %scan3A_69 = arith.constant 1 : i32
      %scan3A_70:2 = scf.for %scan3A_193 = %scan3A_66 to %scan3A_68 step %scan3A_69 iter_args(%scan3A_194 = %scan3A_64, %scan3A_195 = %scan3A_65) -> (i32, i32)  : i32 {
        %mul3A_196 = arith.constant 16 : i32
        %mul3A_197 = arith.muli %scan3A_193, %mul3A_196 : i32
        %get3A = arith.index_cast %mul3A_197 : i32 to index
        %get3A_198 = tpu.vector_load %arg7[%get3A] {strides = array<i32>} : memref<256xi32, #tpu.memory_space<vmem>>, vector<16xi32>,
        %mul3A_199 = arith.constant 16 : i32
        %mul3A_200 = arith.muli %scan3A_193, %mul3A_199 : i32
        %add3A_201 = vector.broadcast %mul3A_200 : i32 to vector<16xi32>
        %add3A_202 = arith.addi %add3A_201, %iota3A : vector<16xi32>
        %add3A_203 = arith.constant 1 : i32
        %add3A_204 = arith.addi %sub3A_63, %add3A_203 : i32
        %eq3A = vector.broadcast %add3A_204 : i32 to vector<16xi32>
        %eq3A_205 = arith.cmpi eq, %add3A_202, %eq3A : vector<16xi32>
        %jit3A = arith.constant 0 : i32
        %broadcast_in_dim3A_206 = vector.broadcast %jit3A : i32 to vector<16xi32>
        %select_n3A = arith.select %eq3A_205, %get3A_198, %broadcast_in_dim3A_206 : vector<16xi1>, vector<16xi32>
        %eq3A_207 = vector.broadcast %sub3A_63 : i32 to vector<16xi32>
        %eq3A_208 = arith.cmpi eq, %add3A_202, %eq3A_207 : vector<16xi32>
        %jit3A_209 = arith.constant 0 : i32
        %broadcast_in_dim3A_210 = vector.broadcast %jit3A_209 : i32 to vector<16xi32>
        %select_n3A_211 = arith.select %eq3A_208, %get3A_198, %broadcast_in_dim3A_210 : vector<16xi1>, vector<16xi32>
        %reduce_max3A = arith.constant true
        %reduce_max3A_212 = vector.broadcast %reduce_max3A : i1 to vector<16xi1>
        %reduce_max3A_213 = arith.constant -2147483648 : i32
        %reduce_max3A_214 = vector.broadcast %reduce_max3A_213 : i32 to vector<16xi32>
        %reduce_max3A_215 = arith.xori %select_n3A, %reduce_max3A_214 : vector<16xi32>
        %reduce_max3A_216 = tpu.scan <max>, %reduce_max3A_215 masked %reduce_max3A_212 : vector<16xi32>, vector<16xi1> -> vector<16xi32>
        %reduce_max3A_217 = arith.xori %reduce_max3A_216, %reduce_max3A_214 : vector<16xi32>
        %reduce_max3A_218 = vector.extract %reduce_max3A_217[15] : i32 from vector<16xi32>
        %max3A = arith.maxsi %scan3A_194, %reduce_max3A_218 : i32
        %reduce_max3A_219 = arith.constant true
        %reduce_max3A_220 = vector.broadcast %reduce_max3A_219 : i1 to vector<16xi1>
        %reduce_max3A_221 = arith.constant -2147483648 : i32
        %reduce_max3A_222 = vector.broadcast %reduce_max3A_221 : i32 to vector<16xi32>
        %reduce_max3A_223 = arith.xori %select_n3A_211, %reduce_max3A_222 : vector<16xi32>
        %reduce_max3A_224 = tpu.scan <max>, %reduce_max3A_223 masked %reduce_max3A_220 : vector<16xi32>, vector<16xi1> -> vector<16xi32>
        %reduce_max3A_225 = arith.xori %reduce_max3A_224, %reduce_max3A_222 : vector<16xi32>
        %reduce_max3A_226 = vector.extract %reduce_max3A_225[15] : i32 from vector<16xi32>
        %max3A_227 = arith.maxsi %scan3A_195, %reduce_max3A_226 : i32
        scf.yield %max3A, %max3A_227 : i32, i32
      }
      %scan3A_71 = arith.constant 16 : i32
      %shift_left3A = arith.constant 0 : i32
      %shift_left3A_72 = arith.constant 8 : i32
      %shift_left3A_73 = arith.shli %shift_left3A, %shift_left3A_72 : i32
      %or3A = arith.ori %shift_left3A_73, %sub3A_63 : i32
      %sub3A_74 = arith.constant 64 : i32
      %sub3A_75 = arith.subi %sub3A_74, %scan3A_70#0 : i32
      %parallel_loop3A_76 = arith.constant 0 : i32
      %parallel_loop3A_77 = arith.constant 2048 : i32
      %parallel_loop3A_78 = arith.constant 1 : i32
      scf.for %parallel_loop3A_193 = %parallel_loop3A_76 to %parallel_loop3A_77 step %parallel_loop3A_78  : i32 {
        %parallel_loop3A_194 = arith.constant 0 : i32
        %parallel_loop3A_195 = vector.broadcast %parallel_loop3A_194 : i32 to vector<16xi32>
        %parallel_loop3A_196 = arith.constant 16 : i32
        %parallel_loop3A_197 = arith.muli %parallel_loop3A_193, %parallel_loop3A_196 : i32
        %parallel_loop3A_198 = arith.index_cast %parallel_loop3A_197 : i32 to index
        %parallel_loop3A_199 = tpu.vector_load %arg6[%parallel_loop3A_198] {strides = array<i32>} : memref<32768xi32, #tpu.memory_space<vmem>>, vector<16xi32>,
        tpu.vector_store %arg6[%parallel_loop3A_198], %parallel_loop3A_195 {strides = array<i32>} : memref<32768xi32, #tpu.memory_space<vmem>>, vector<16xi32>,
      } {sc.loop_unroll_factor = 8 : i64, sc.parallel_access}
      %parallel_loop3A_79 = arith.constant 0 : i32
      %parallel_loop3A_80 = arith.constant 2048 : i32
      %parallel_loop3A_81 = arith.constant 1 : i32
      scf.for %parallel_loop3A_193 = %parallel_loop3A_79 to %parallel_loop3A_80 step %parallel_loop3A_81  : i32 {
        %parallel_loop3A_194 = arith.constant 16 : i32
        %parallel_loop3A_195 = arith.muli %parallel_loop3A_193, %parallel_loop3A_194 : i32
        %parallel_loop3A_196 = arith.index_cast %parallel_loop3A_195 : i32 to index
        %parallel_loop3A_197 = tpu.vector_load %arg5[%parallel_loop3A_196] {strides = array<i32>} : memref<32768xi32, #tpu.memory_space<vmem>>, vector<16xi32>,
        %parallel_loop3A_198 = arith.constant 24 : i32
        %parallel_loop3A_199 = vector.broadcast %parallel_loop3A_198 : i32 to vector<16xi32>
        %parallel_loop3A_200 = arith.shrui %parallel_loop3A_197, %parallel_loop3A_199 : vector<16xi32>
        %parallel_loop3A_201 = vector.broadcast %or3A : i32 to vector<16xi32>
        %parallel_loop3A_202 = arith.cmpi eq, %parallel_loop3A_200, %parallel_loop3A_201 : vector<16xi32>
        %parallel_loop3A_203 = arith.constant 16 : i32
        %parallel_loop3A_204 = vector.broadcast %parallel_loop3A_203 : i32 to vector<16xi32>
        %parallel_loop3A_205 = arith.shrui %parallel_loop3A_197, %parallel_loop3A_204 : vector<16xi32>
        %parallel_loop3A_206 = arith.constant 255 : i32
        %parallel_loop3A_207 = vector.broadcast %parallel_loop3A_206 : i32 to vector<16xi32>
        %parallel_loop3A_208 = arith.andi %parallel_loop3A_205, %parallel_loop3A_207 : vector<16xi32>
        %parallel_loop3A_209 = arith.constant 7 : i32
        %parallel_loop3A_210 = arith.andi %parallel_loop3A_193, %parallel_loop3A_209 : i32
        %parallel_loop3A_211 = arith.constant 12 : i32
        %parallel_loop3A_212 = arith.shli %parallel_loop3A_210, %parallel_loop3A_211 : i32
        %parallel_loop3A_213 = vector.broadcast %parallel_loop3A_212 : i32 to vector<16xi32>
        %parallel_loop3A_214 = arith.addi %mul3A_3, %parallel_loop3A_213 : vector<16xi32>
        %parallel_loop3A_215 = arith.addi %parallel_loop3A_214, %parallel_loop3A_208 : vector<16xi32>
        tpu.vector_store_idx %arg6[%parallel_loop3A_215], %broadcast_in_dim3A_28 masked %parallel_loop3A_202 {add = true} : memref<32768xi32, #tpu.memory_space<vmem>>[vector<16xi32>], vector<16xi32>, vector<16xi1>
      } {sc.loop_unroll_factor = 8 : i64, sc.parallel_access}
      %parallel_loop3A_82 = arith.constant 0 : i32
      %parallel_loop3A_83 = arith.constant 256 : i32
      %parallel_loop3A_84 = arith.constant 1 : i32
      scf.for %parallel_loop3A_193 = %parallel_loop3A_82 to %parallel_loop3A_83 step %parallel_loop3A_84  : i32 {
        %parallel_loop3A_194 = arith.constant 16 : i32
        %parallel_loop3A_195 = arith.muli %parallel_loop3A_193, %parallel_loop3A_194 : i32
        %parallel_loop3A_196 = arith.index_cast %parallel_loop3A_195 : i32 to index
        %parallel_loop3A_197 = tpu.vector_load %arg6[%parallel_loop3A_196] {strides = array<i32>} : memref<32768xi32, #tpu.memory_space<vmem>>, vector<16xi32>,
        %parallel_loop3A_198 = arith.constant 4096 : i32
        %parallel_loop3A_199 = arith.addi %parallel_loop3A_198, %parallel_loop3A_195 : i32
        %parallel_loop3A_200 = arith.index_cast %parallel_loop3A_199 : i32 to index
        %parallel_loop3A_201 = tpu.vector_load %arg6[%parallel_loop3A_200] {strides = array<i32>} : memref<32768xi32, #tpu.memory_space<vmem>>, vector<16xi32>,
        %parallel_loop3A_202 = arith.addi %parallel_loop3A_197, %parallel_loop3A_201 : vector<16xi32>
        %parallel_loop3A_203 = arith.constant 8192 : i32
        %parallel_loop3A_204 = arith.addi %parallel_loop3A_203, %parallel_loop3A_195 : i32
        %parallel_loop3A_205 = arith.index_cast %parallel_loop3A_204 : i32 to index
        %parallel_loop3A_206 = tpu.vector_load %arg6[%parallel_loop3A_205] {strides = array<i32>} : memref<32768xi32, #tpu.memory_space<vmem>>, vector<16xi32>,
        %parallel_loop3A_207 = arith.addi %parallel_loop3A_202, %parallel_loop3A_206 : vector<16xi32>
        %parallel_loop3A_208 = arith.constant 12288 : i32
        %parallel_loop3A_209 = arith.addi %parallel_loop3A_208, %parallel_loop3A_195 : i32
        %parallel_loop3A_210 = arith.index_cast %parallel_loop3A_209 : i32 to index
        %parallel_loop3A_211 = tpu.vector_load %arg6[%parallel_loop3A_210] {strides = array<i32>} : memref<32768xi32, #tpu.memory_space<vmem>>, vector<16xi32>,
        %parallel_loop3A_212 = arith.addi %parallel_loop3A_207, %parallel_loop3A_211 : vector<16xi32>
        %parallel_loop3A_213 = arith.constant 16384 : i32
        %parallel_loop3A_214 = arith.addi %parallel_loop3A_213, %parallel_loop3A_195 : i32
        %parallel_loop3A_215 = arith.index_cast %parallel_loop3A_214 : i32 to index
        %parallel_loop3A_216 = tpu.vector_load %arg6[%parallel_loop3A_215] {strides = array<i32>} : memref<32768xi32, #tpu.memory_space<vmem>>, vector<16xi32>,
        %parallel_loop3A_217 = arith.addi %parallel_loop3A_212, %parallel_loop3A_216 : vector<16xi32>
        %parallel_loop3A_218 = arith.constant 20480 : i32
        %parallel_loop3A_219 = arith.addi %parallel_loop3A_218, %parallel_loop3A_195 : i32
        %parallel_loop3A_220 = arith.index_cast %parallel_loop3A_219 : i32 to index
        %parallel_loop3A_221 = tpu.vector_load %arg6[%parallel_loop3A_220] {strides = array<i32>} : memref<32768xi32, #tpu.memory_space<vmem>>, vector<16xi32>,
        %parallel_loop3A_222 = arith.addi %parallel_loop3A_217, %parallel_loop3A_221 : vector<16xi32>
        %parallel_loop3A_223 = arith.constant 24576 : i32
        %parallel_loop3A_224 = arith.addi %parallel_loop3A_223, %parallel_loop3A_195 : i32
        %parallel_loop3A_225 = arith.index_cast %parallel_loop3A_224 : i32 to index
        %parallel_loop3A_226 = tpu.vector_load %arg6[%parallel_loop3A_225] {strides = array<i32>} : memref<32768xi32, #tpu.memory_space<vmem>>, vector<16xi32>,
        %parallel_loop3A_227 = arith.addi %parallel_loop3A_222, %parallel_loop3A_226 : vector<16xi32>
        %parallel_loop3A_228 = arith.constant 28672 : i32
        %parallel_loop3A_229 = arith.addi %parallel_loop3A_228, %parallel_loop3A_195 : i32
        %parallel_loop3A_230 = arith.index_cast %parallel_loop3A_229 : i32 to index
        %parallel_loop3A_231 = tpu.vector_load %arg6[%parallel_loop3A_230] {strides = array<i32>} : memref<32768xi32, #tpu.memory_space<vmem>>, vector<16xi32>,
        %parallel_loop3A_232 = arith.addi %parallel_loop3A_227, %parallel_loop3A_231 : vector<16xi32>
        %parallel_loop3A_233 = arith.index_cast %parallel_loop3A_195 : i32 to index
        %parallel_loop3A_234 = tpu.vector_load %arg6[%parallel_loop3A_233] {strides = array<i32>} : memref<32768xi32, #tpu.memory_space<vmem>>, vector<16xi32>,
        tpu.vector_store %arg6[%parallel_loop3A_233], %parallel_loop3A_232 {strides = array<i32>} : memref<32768xi32, #tpu.memory_space<vmem>>, vector<16xi32>,
      } {sc.loop_unroll_factor = 4 : i64, sc.parallel_access}
      %scan3A_85 = arith.constant 0 : i32
      %scan3A_86 = arith.constant 0 : i32
      %scan3A_87 = arith.constant 16 : i32
      %scan3A_88 = arith.addi %scan3A_86, %scan3A_87 : i32
      %scan3A_89 = arith.constant 1 : i32
      %scan3A_90 = scf.for %scan3A_193 = %scan3A_86 to %scan3A_88 step %scan3A_89 iter_args(%scan3A_194 = %scan3A_85) -> (i32)  : i32 {
        %sub3A_195 = arith.constant 15 : i32
        %sub3A_196 = arith.subi %sub3A_195, %scan3A_193 : i32
        %mul3A_197 = arith.constant 16 : i32
        %mul3A_198 = arith.muli %sub3A_196, %mul3A_197 : i32
        %get3A = arith.index_cast %mul3A_198 : i32 to index
        %get3A_199 = tpu.vector_load %arg6[%get3A] {strides = array<i32>} : memref<32768xi32, #tpu.memory_space<vmem>>, vector<16xi32>,
        %mul3A_200 = arith.constant 16 : i32
        %mul3A_201 = arith.muli %sub3A_196, %mul3A_200 : i32
        %add3A_202 = arith.constant 256 : i32
        %add3A_203 = arith.addi %add3A_202, %mul3A_201 : i32
        %get3A_204 = arith.index_cast %add3A_203 : i32 to index
        %get3A_205 = tpu.vector_load %arg6[%get3A_204] {strides = array<i32>} : memref<32768xi32, #tpu.memory_space<vmem>>, vector<16xi32>,
        %add3A_206 = arith.addi %get3A_199, %get3A_205 : vector<16xi32>
        %mul3A_207 = arith.constant 16 : i32
        %mul3A_208 = arith.muli %sub3A_196, %mul3A_207 : i32
        %add3A_209 = arith.constant 512 : i32
        %add3A_210 = arith.addi %add3A_209, %mul3A_208 : i32
        %get3A_211 = arith.index_cast %add3A_210 : i32 to index
        %get3A_212 = tpu.vector_load %arg6[%get3A_211] {strides = array<i32>} : memref<32768xi32, #tpu.memory_space<vmem>>, vector<16xi32>,
        %add3A_213 = arith.addi %add3A_206, %get3A_212 : vector<16xi32>
        %mul3A_214 = arith.constant 16 : i32
        %mul3A_215 = arith.muli %sub3A_196, %mul3A_214 : i32
        %add3A_216 = arith.constant 768 : i32
        %add3A_217 = arith.addi %add3A_216, %mul3A_215 : i32
        %get3A_218 = arith.index_cast %add3A_217 : i32 to index
        %get3A_219 = tpu.vector_load %arg6[%get3A_218] {strides = array<i32>} : memref<32768xi32, #tpu.memory_space<vmem>>, vector<16xi32>,
        %add3A_220 = arith.addi %add3A_213, %get3A_219 : vector<16xi32>
        %mul3A_221 = arith.constant 16 : i32
        %mul3A_222 = arith.muli %sub3A_196, %mul3A_221 : i32
        %add3A_223 = arith.constant 1024 : i32
        %add3A_224 = arith.addi %add3A_223, %mul3A_222 : i32
        %get3A_225 = arith.index_cast %add3A_224 : i32 to index
        %get3A_226 = tpu.vector_load %arg6[%get3A_225] {strides = array<i32>} : memref<32768xi32, #tpu.memory_space<vmem>>, vector<16xi32>,
        %add3A_227 = arith.addi %add3A_220, %get3A_226 : vector<16xi32>
        %mul3A_228 = arith.constant 16 : i32
        %mul3A_229 = arith.muli %sub3A_196, %mul3A_228 : i32
        %add3A_230 = arith.constant 1280 : i32
        %add3A_231 = arith.addi %add3A_230, %mul3A_229 : i32
        %get3A_232 = arith.index_cast %add3A_231 : i32 to index
        %get3A_233 = tpu.vector_load %arg6[%get3A_232] {strides = array<i32>} : memref<32768xi32, #tpu.memory_space<vmem>>, vector<16xi32>,
        %add3A_234 = arith.addi %add3A_227, %get3A_233 : vector<16xi32>
        %mul3A_235 = arith.constant 16 : i32
        %mul3A_236 = arith.muli %sub3A_196, %mul3A_235 : i32
        %add3A_237 = arith.constant 1536 : i32
        %add3A_238 = arith.addi %add3A_237, %mul3A_236 : i32
        %get3A_239 = arith.index_cast %add3A_238 : i32 to index
        %get3A_240 = tpu.vector_load %arg6[%get3A_239] {strides = array<i32>} : memref<32768xi32, #tpu.memory_space<vmem>>, vector<16xi32>,
        %add3A_241 = arith.addi %add3A_234, %get3A_240 : vector<16xi32>
        %mul3A_242 = arith.constant 16 : i32
        %mul3A_243 = arith.muli %sub3A_196, %mul3A_242 : i32
        %add3A_244 = arith.constant 1792 : i32
        %add3A_245 = arith.addi %add3A_244, %mul3A_243 : i32
        %get3A_246 = arith.index_cast %add3A_245 : i32 to index
        %get3A_247 = tpu.vector_load %arg6[%get3A_246] {strides = array<i32>} : memref<32768xi32, #tpu.memory_space<vmem>>, vector<16xi32>,
        %add3A_248 = arith.addi %add3A_241, %get3A_247 : vector<16xi32>
        %mul3A_249 = arith.constant 16 : i32
        %mul3A_250 = arith.muli %sub3A_196, %mul3A_249 : i32
        %add3A_251 = arith.constant 2048 : i32
        %add3A_252 = arith.addi %add3A_251, %mul3A_250 : i32
        %get3A_253 = arith.index_cast %add3A_252 : i32 to index
        %get3A_254 = tpu.vector_load %arg6[%get3A_253] {strides = array<i32>} : memref<32768xi32, #tpu.memory_space<vmem>>, vector<16xi32>,
        %add3A_255 = arith.addi %add3A_248, %get3A_254 : vector<16xi32>
        %mul3A_256 = arith.constant 16 : i32
        %mul3A_257 = arith.muli %sub3A_196, %mul3A_256 : i32
        %add3A_258 = arith.constant 2304 : i32
        %add3A_259 = arith.addi %add3A_258, %mul3A_257 : i32
        %get3A_260 = arith.index_cast %add3A_259 : i32 to index
        %get3A_261 = tpu.vector_load %arg6[%get3A_260] {strides = array<i32>} : memref<32768xi32, #tpu.memory_space<vmem>>, vector<16xi32>,
        %add3A_262 = arith.addi %add3A_255, %get3A_261 : vector<16xi32>
        %mul3A_263 = arith.constant 16 : i32
        %mul3A_264 = arith.muli %sub3A_196, %mul3A_263 : i32
        %add3A_265 = arith.constant 2560 : i32
        %add3A_266 = arith.addi %add3A_265, %mul3A_264 : i32
        %get3A_267 = arith.index_cast %add3A_266 : i32 to index
        %get3A_268 = tpu.vector_load %arg6[%get3A_267] {strides = array<i32>} : memref<32768xi32, #tpu.memory_space<vmem>>, vector<16xi32>,
        %add3A_269 = arith.addi %add3A_262, %get3A_268 : vector<16xi32>
        %mul3A_270 = arith.constant 16 : i32
        %mul3A_271 = arith.muli %sub3A_196, %mul3A_270 : i32
        %add3A_272 = arith.constant 2816 : i32
        %add3A_273 = arith.addi %add3A_272, %mul3A_271 : i32
        %get3A_274 = arith.index_cast %add3A_273 : i32 to index
        %get3A_275 = tpu.vector_load %arg6[%get3A_274] {strides = array<i32>} : memref<32768xi32, #tpu.memory_space<vmem>>, vector<16xi32>,
        %add3A_276 = arith.addi %add3A_269, %get3A_275 : vector<16xi32>
        %mul3A_277 = arith.constant 16 : i32
        %mul3A_278 = arith.muli %sub3A_196, %mul3A_277 : i32
        %add3A_279 = arith.constant 3072 : i32
        %add3A_280 = arith.addi %add3A_279, %mul3A_278 : i32
        %get3A_281 = arith.index_cast %add3A_280 : i32 to index
        %get3A_282 = tpu.vector_load %arg6[%get3A_281] {strides = array<i32>} : memref<32768xi32, #tpu.memory_space<vmem>>, vector<16xi32>,
        %add3A_283 = arith.addi %add3A_276, %get3A_282 : vector<16xi32>
        %mul3A_284 = arith.constant 16 : i32
        %mul3A_285 = arith.muli %sub3A_196, %mul3A_284 : i32
        %add3A_286 = arith.constant 3328 : i32
        %add3A_287 = arith.addi %add3A_286, %mul3A_285 : i32
        %get3A_288 = arith.index_cast %add3A_287 : i32 to index
        %get3A_289 = tpu.vector_load %arg6[%get3A_288] {strides = array<i32>} : memref<32768xi32, #tpu.memory_space<vmem>>, vector<16xi32>,
        %add3A_290 = arith.addi %add3A_283, %get3A_289 : vector<16xi32>
        %mul3A_291 = arith.constant 16 : i32
        %mul3A_292 = arith.muli %sub3A_196, %mul3A_291 : i32
        %add3A_293 = arith.constant 3584 : i32
        %add3A_294 = arith.addi %add3A_293, %mul3A_292 : i32
        %get3A_295 = arith.index_cast %add3A_294 : i32 to index
        %get3A_296 = tpu.vector_load %arg6[%get3A_295] {strides = array<i32>} : memref<32768xi32, #tpu.memory_space<vmem>>, vector<16xi32>,
        %add3A_297 = arith.addi %add3A_290, %get3A_296 : vector<16xi32>
        %mul3A_298 = arith.constant 16 : i32
        %mul3A_299 = arith.muli %sub3A_196, %mul3A_298 : i32
        %add3A_300 = arith.constant 3840 : i32
        %add3A_301 = arith.addi %add3A_300, %mul3A_299 : i32
        %get3A_302 = arith.index_cast %add3A_301 : i32 to index
        %get3A_303 = tpu.vector_load %arg6[%get3A_302] {strides = array<i32>} : memref<32768xi32, #tpu.memory_space<vmem>>, vector<16xi32>,
        %add3A_304 = arith.addi %add3A_297, %get3A_303 : vector<16xi32>
        %broadcast_in_dim3A_305 = arith.constant true
        %broadcast_in_dim3A_306 = vector.broadcast %broadcast_in_dim3A_305 : i1 to vector<16xi1>
        %masked_cumsum3A = tpu.scan <sum>, %add3A_304 masked %broadcast_in_dim3A_306 : vector<16xi32>, vector<16xi1> -> vector<16xi32>
        %reduce_sum3A = arith.constant true
        %reduce_sum3A_307 = vector.broadcast %reduce_sum3A : i1 to vector<16xi1>
        %reduce_sum3A_308 = tpu.scan <sum>, %add3A_304 masked %reduce_sum3A_307 : vector<16xi32>, vector<16xi1> -> vector<16xi32>
        %reduce_sum3A_309 = vector.extract %reduce_sum3A_308[15] : i32 from vector<16xi32>
        %sub3A_310 = vector.broadcast %reduce_sum3A_309 : i32 to vector<16xi32>
        %sub3A_311 = arith.subi %sub3A_310, %masked_cumsum3A : vector<16xi32>
        %add3A_312 = arith.addi %sub3A_311, %add3A_304 : vector<16xi32>
        %add3A_313 = vector.broadcast %scan3A_194 : i32 to vector<16xi32>
        %add3A_314 = arith.addi %add3A_312, %add3A_313 : vector<16xi32>
        %mul3A_315 = arith.constant 16 : i32
        %mul3A_316 = arith.muli %sub3A_196, %mul3A_315 : i32
        %swap3A = arith.index_cast %mul3A_316 : i32 to index
        %swap3A_317 = tpu.vector_load %arg7[%swap3A] {strides = array<i32>} : memref<256xi32, #tpu.memory_space<vmem>>, vector<16xi32>,
        tpu.vector_store %arg7[%swap3A], %add3A_314 {strides = array<i32>} : memref<256xi32, #tpu.memory_space<vmem>>, vector<16xi32>,
        %add3A_318 = arith.addi %scan3A_194, %reduce_sum3A_309 : i32
        scf.yield %add3A_318 : i32
      }
      %scan3A_91 = arith.constant 16 : i32
      %scan3A_92 = arith.constant 0 : i32
      %scan3A_93 = arith.constant 0 : i32
      %scan3A_94 = arith.constant 16 : i32
      %scan3A_95 = arith.addi %scan3A_93, %scan3A_94 : i32
      %scan3A_96 = arith.constant 1 : i32
      %scan3A_97 = scf.for %scan3A_193 = %scan3A_93 to %scan3A_95 step %scan3A_96 iter_args(%scan3A_194 = %scan3A_92) -> (i32)  : i32 {
        %mul3A_195 = arith.constant 16 : i32
        %mul3A_196 = arith.muli %scan3A_193, %mul3A_195 : i32
        %get3A = arith.index_cast %mul3A_196 : i32 to index
        %get3A_197 = tpu.vector_load %arg7[%get3A] {strides = array<i32>} : memref<256xi32, #tpu.memory_space<vmem>>, vector<16xi32>,
        %ge3A = vector.broadcast %sub3A_75 : i32 to vector<16xi32>
        %ge3A_198 = arith.cmpi sge, %get3A_197, %ge3A : vector<16xi32>
        %mul3A_199 = arith.constant 16 : i32
        %mul3A_200 = arith.muli %scan3A_193, %mul3A_199 : i32
        %add3A_201 = vector.broadcast %mul3A_200 : i32 to vector<16xi32>
        %add3A_202 = arith.addi %add3A_201, %iota3A : vector<16xi32>
        %add3A_203 = arith.constant 1 : i32
        %add3A_204 = vector.broadcast %add3A_203 : i32 to vector<16xi32>
        %add3A_205 = arith.addi %add3A_202, %add3A_204 : vector<16xi32>
        %jit3A = arith.constant 0 : i32
        %broadcast_in_dim3A_206 = vector.broadcast %jit3A : i32 to vector<16xi32>
        %select_n3A = arith.select %ge3A_198, %add3A_205, %broadcast_in_dim3A_206 : vector<16xi1>, vector<16xi32>
        %reduce_max3A = arith.constant true
        %reduce_max3A_207 = vector.broadcast %reduce_max3A : i1 to vector<16xi1>
        %reduce_max3A_208 = arith.constant -2147483648 : i32
        %reduce_max3A_209 = vector.broadcast %reduce_max3A_208 : i32 to vector<16xi32>
        %reduce_max3A_210 = arith.xori %select_n3A, %reduce_max3A_209 : vector<16xi32>
        %reduce_max3A_211 = tpu.scan <max>, %reduce_max3A_210 masked %reduce_max3A_207 : vector<16xi32>, vector<16xi1> -> vector<16xi32>
        %reduce_max3A_212 = arith.xori %reduce_max3A_211, %reduce_max3A_209 : vector<16xi32>
        %reduce_max3A_213 = vector.extract %reduce_max3A_212[15] : i32 from vector<16xi32>
        %max3A = arith.maxsi %scan3A_194, %reduce_max3A_213 : i32
        scf.yield %max3A : i32
      }
      %scan3A_98 = arith.constant 16 : i32
      %sub3A_99 = arith.constant 1 : i32
      %sub3A_100 = arith.subi %scan3A_97, %sub3A_99 : i32
      %scan3A_101 = arith.constant 0 : i32
      %scan3A_102 = arith.constant 0 : i32
      %scan3A_103 = arith.constant 0 : i32
      %scan3A_104 = arith.constant 16 : i32
      %scan3A_105 = arith.addi %scan3A_103, %scan3A_104 : i32
      %scan3A_106 = arith.constant 1 : i32
      %scan3A_107:2 = scf.for %scan3A_193 = %scan3A_103 to %scan3A_105 step %scan3A_106 iter_args(%scan3A_194 = %scan3A_101, %scan3A_195 = %scan3A_102) -> (i32, i32)  : i32 {
        %mul3A_196 = arith.constant 16 : i32
        %mul3A_197 = arith.muli %scan3A_193, %mul3A_196 : i32
        %get3A = arith.index_cast %mul3A_197 : i32 to index
        %get3A_198 = tpu.vector_load %arg7[%get3A] {strides = array<i32>} : memref<256xi32, #tpu.memory_space<vmem>>, vector<16xi32>,
        %mul3A_199 = arith.constant 16 : i32
        %mul3A_200 = arith.muli %scan3A_193, %mul3A_199 : i32
        %add3A_201 = vector.broadcast %mul3A_200 : i32 to vector<16xi32>
        %add3A_202 = arith.addi %add3A_201, %iota3A : vector<16xi32>
        %add3A_203 = arith.constant 1 : i32
        %add3A_204 = arith.addi %sub3A_100, %add3A_203 : i32
        %eq3A = vector.broadcast %add3A_204 : i32 to vector<16xi32>
        %eq3A_205 = arith.cmpi eq, %add3A_202, %eq3A : vector<16xi32>
        %jit3A = arith.constant 0 : i32
        %broadcast_in_dim3A_206 = vector.broadcast %jit3A : i32 to vector<16xi32>
        %select_n3A = arith.select %eq3A_205, %get3A_198, %broadcast_in_dim3A_206 : vector<16xi1>, vector<16xi32>
        %eq3A_207 = vector.broadcast %sub3A_100 : i32 to vector<16xi32>
        %eq3A_208 = arith.cmpi eq, %add3A_202, %eq3A_207 : vector<16xi32>
        %jit3A_209 = arith.constant 0 : i32
        %broadcast_in_dim3A_210 = vector.broadcast %jit3A_209 : i32 to vector<16xi32>
        %select_n3A_211 = arith.select %eq3A_208, %get3A_198, %broadcast_in_dim3A_210 : vector<16xi1>, vector<16xi32>
        %reduce_max3A = arith.constant true
        %reduce_max3A_212 = vector.broadcast %reduce_max3A : i1 to vector<16xi1>
        %reduce_max3A_213 = arith.constant -2147483648 : i32
        %reduce_max3A_214 = vector.broadcast %reduce_max3A_213 : i32 to vector<16xi32>
        %reduce_max3A_215 = arith.xori %select_n3A, %reduce_max3A_214 : vector<16xi32>
        %reduce_max3A_216 = tpu.scan <max>, %reduce_max3A_215 masked %reduce_max3A_212 : vector<16xi32>, vector<16xi1> -> vector<16xi32>
        %reduce_max3A_217 = arith.xori %reduce_max3A_216, %reduce_max3A_214 : vector<16xi32>
        %reduce_max3A_218 = vector.extract %reduce_max3A_217[15] : i32 from vector<16xi32>
        %max3A = arith.maxsi %scan3A_194, %reduce_max3A_218 : i32
        %reduce_max3A_219 = arith.constant true
        %reduce_max3A_220 = vector.broadcast %reduce_max3A_219 : i1 to vector<16xi1>
        %reduce_max3A_221 = arith.constant -2147483648 : i32
        %reduce_max3A_222 = vector.broadcast %reduce_max3A_221 : i32 to vector<16xi32>
        %reduce_max3A_223 = arith.xori %select_n3A_211, %reduce_max3A_222 : vector<16xi32>
        %reduce_max3A_224 = tpu.scan <max>, %reduce_max3A_223 masked %reduce_max3A_220 : vector<16xi32>, vector<16xi1> -> vector<16xi32>
        %reduce_max3A_225 = arith.xori %reduce_max3A_224, %reduce_max3A_222 : vector<16xi32>
        %reduce_max3A_226 = vector.extract %reduce_max3A_225[15] : i32 from vector<16xi32>
        %max3A_227 = arith.maxsi %scan3A_195, %reduce_max3A_226 : i32
        scf.yield %max3A, %max3A_227 : i32, i32
      }
      %scan3A_108 = arith.constant 16 : i32
      %shift_left3A_109 = arith.constant 8 : i32
      %shift_left3A_110 = arith.shli %or3A, %shift_left3A_109 : i32
      %or3A_111 = arith.ori %shift_left3A_110, %sub3A_100 : i32
      %sub3A_112 = arith.subi %sub3A_75, %scan3A_107#0 : i32
      %parallel_loop3A_113 = arith.constant 0 : i32
      %parallel_loop3A_114 = arith.constant 2048 : i32
      %parallel_loop3A_115 = arith.constant 1 : i32
      scf.for %parallel_loop3A_193 = %parallel_loop3A_113 to %parallel_loop3A_114 step %parallel_loop3A_115  : i32 {
        %parallel_loop3A_194 = arith.constant 0 : i32
        %parallel_loop3A_195 = vector.broadcast %parallel_loop3A_194 : i32 to vector<16xi32>
        %parallel_loop3A_196 = arith.constant 16 : i32
        %parallel_loop3A_197 = arith.muli %parallel_loop3A_193, %parallel_loop3A_196 : i32
        %parallel_loop3A_198 = arith.index_cast %parallel_loop3A_197 : i32 to index
        %parallel_loop3A_199 = tpu.vector_load %arg6[%parallel_loop3A_198] {strides = array<i32>} : memref<32768xi32, #tpu.memory_space<vmem>>, vector<16xi32>,
        tpu.vector_store %arg6[%parallel_loop3A_198], %parallel_loop3A_195 {strides = array<i32>} : memref<32768xi32, #tpu.memory_space<vmem>>, vector<16xi32>,
      } {sc.loop_unroll_factor = 8 : i64, sc.parallel_access}
      %parallel_loop3A_116 = arith.constant 0 : i32
      %parallel_loop3A_117 = arith.constant 2048 : i32
      %parallel_loop3A_118 = arith.constant 1 : i32
      scf.for %parallel_loop3A_193 = %parallel_loop3A_116 to %parallel_loop3A_117 step %parallel_loop3A_118  : i32 {
        %parallel_loop3A_194 = arith.constant 16 : i32
        %parallel_loop3A_195 = arith.muli %parallel_loop3A_193, %parallel_loop3A_194 : i32
        %parallel_loop3A_196 = arith.index_cast %parallel_loop3A_195 : i32 to index
        %parallel_loop3A_197 = tpu.vector_load %arg5[%parallel_loop3A_196] {strides = array<i32>} : memref<32768xi32, #tpu.memory_space<vmem>>, vector<16xi32>,
        %parallel_loop3A_198 = arith.constant 16 : i32
        %parallel_loop3A_199 = vector.broadcast %parallel_loop3A_198 : i32 to vector<16xi32>
        %parallel_loop3A_200 = arith.shrui %parallel_loop3A_197, %parallel_loop3A_199 : vector<16xi32>
        %parallel_loop3A_201 = vector.broadcast %or3A_111 : i32 to vector<16xi32>
        %parallel_loop3A_202 = arith.cmpi eq, %parallel_loop3A_200, %parallel_loop3A_201 : vector<16xi32>
        %parallel_loop3A_203 = arith.constant 8 : i32
        %parallel_loop3A_204 = vector.broadcast %parallel_loop3A_203 : i32 to vector<16xi32>
        %parallel_loop3A_205 = arith.shrui %parallel_loop3A_197, %parallel_loop3A_204 : vector<16xi32>
        %parallel_loop3A_206 = arith.constant 255 : i32
        %parallel_loop3A_207 = vector.broadcast %parallel_loop3A_206 : i32 to vector<16xi32>
        %parallel_loop3A_208 = arith.andi %parallel_loop3A_205, %parallel_loop3A_207 : vector<16xi32>
        %parallel_loop3A_209 = arith.constant 7 : i32
        %parallel_loop3A_210 = arith.andi %parallel_loop3A_193, %parallel_loop3A_209 : i32
        %parallel_loop3A_211 = arith.constant 12 : i32
        %parallel_loop3A_212 = arith.shli %parallel_loop3A_210, %parallel_loop3A_211 : i32
        %parallel_loop3A_213 = vector.broadcast %parallel_loop3A_212 : i32 to vector<16xi32>
        %parallel_loop3A_214 = arith.addi %mul3A_3, %parallel_loop3A_213 : vector<16xi32>
        %parallel_loop3A_215 = arith.addi %parallel_loop3A_214, %parallel_loop3A_208 : vector<16xi32>
        tpu.vector_store_idx %arg6[%parallel_loop3A_215], %broadcast_in_dim3A_28 masked %parallel_loop3A_202 {add = true} : memref<32768xi32, #tpu.memory_space<vmem>>[vector<16xi32>], vector<16xi32>, vector<16xi1>
      } {sc.loop_unroll_factor = 8 : i64, sc.parallel_access}
      %parallel_loop3A_119 = arith.constant 0 : i32
      %parallel_loop3A_120 = arith.constant 256 : i32
      %parallel_loop3A_121 = arith.constant 1 : i32
      scf.for %parallel_loop3A_193 = %parallel_loop3A_119 to %parallel_loop3A_120 step %parallel_loop3A_121  : i32 {
        %parallel_loop3A_194 = arith.constant 16 : i32
        %parallel_loop3A_195 = arith.muli %parallel_loop3A_193, %parallel_loop3A_194 : i32
        %parallel_loop3A_196 = arith.index_cast %parallel_loop3A_195 : i32 to index
        %parallel_loop3A_197 = tpu.vector_load %arg6[%parallel_loop3A_196] {strides = array<i32>} : memref<32768xi32, #tpu.memory_space<vmem>>, vector<16xi32>,
        %parallel_loop3A_198 = arith.constant 4096 : i32
        %parallel_loop3A_199 = arith.addi %parallel_loop3A_198, %parallel_loop3A_195 : i32
        %parallel_loop3A_200 = arith.index_cast %parallel_loop3A_199 : i32 to index
        %parallel_loop3A_201 = tpu.vector_load %arg6[%parallel_loop3A_200] {strides = array<i32>} : memref<32768xi32, #tpu.memory_space<vmem>>, vector<16xi32>,
        %parallel_loop3A_202 = arith.addi %parallel_loop3A_197, %parallel_loop3A_201 : vector<16xi32>
        %parallel_loop3A_203 = arith.constant 8192 : i32
        %parallel_loop3A_204 = arith.addi %parallel_loop3A_203, %parallel_loop3A_195 : i32
        %parallel_loop3A_205 = arith.index_cast %parallel_loop3A_204 : i32 to index
        %parallel_loop3A_206 = tpu.vector_load %arg6[%parallel_loop3A_205] {strides = array<i32>} : memref<32768xi32, #tpu.memory_space<vmem>>, vector<16xi32>,
        %parallel_loop3A_207 = arith.addi %parallel_loop3A_202, %parallel_loop3A_206 : vector<16xi32>
        %parallel_loop3A_208 = arith.constant 12288 : i32
        %parallel_loop3A_209 = arith.addi %parallel_loop3A_208, %parallel_loop3A_195 : i32
        %parallel_loop3A_210 = arith.index_cast %parallel_loop3A_209 : i32 to index
        %parallel_loop3A_211 = tpu.vector_load %arg6[%parallel_loop3A_210] {strides = array<i32>} : memref<32768xi32, #tpu.memory_space<vmem>>, vector<16xi32>,
        %parallel_loop3A_212 = arith.addi %parallel_loop3A_207, %parallel_loop3A_211 : vector<16xi32>
        %parallel_loop3A_213 = arith.constant 16384 : i32
        %parallel_loop3A_214 = arith.addi %parallel_loop3A_213, %parallel_loop3A_195 : i32
        %parallel_loop3A_215 = arith.index_cast %parallel_loop3A_214 : i32 to index
        %parallel_loop3A_216 = tpu.vector_load %arg6[%parallel_loop3A_215] {strides = array<i32>} : memref<32768xi32, #tpu.memory_space<vmem>>, vector<16xi32>,
        %parallel_loop3A_217 = arith.addi %parallel_loop3A_212, %parallel_loop3A_216 : vector<16xi32>
        %parallel_loop3A_218 = arith.constant 20480 : i32
        %parallel_loop3A_219 = arith.addi %parallel_loop3A_218, %parallel_loop3A_195 : i32
        %parallel_loop3A_220 = arith.index_cast %parallel_loop3A_219 : i32 to index
        %parallel_loop3A_221 = tpu.vector_load %arg6[%parallel_loop3A_220] {strides = array<i32>} : memref<32768xi32, #tpu.memory_space<vmem>>, vector<16xi32>,
        %parallel_loop3A_222 = arith.addi %parallel_loop3A_217, %parallel_loop3A_221 : vector<16xi32>
        %parallel_loop3A_223 = arith.constant 24576 : i32
        %parallel_loop3A_224 = arith.addi %parallel_loop3A_223, %parallel_loop3A_195 : i32
        %parallel_loop3A_225 = arith.index_cast %parallel_loop3A_224 : i32 to index
        %parallel_loop3A_226 = tpu.vector_load %arg6[%parallel_loop3A_225] {strides = array<i32>} : memref<32768xi32, #tpu.memory_space<vmem>>, vector<16xi32>,
        %parallel_loop3A_227 = arith.addi %parallel_loop3A_222, %parallel_loop3A_226 : vector<16xi32>
        %parallel_loop3A_228 = arith.constant 28672 : i32
        %parallel_loop3A_229 = arith.addi %parallel_loop3A_228, %parallel_loop3A_195 : i32
        %parallel_loop3A_230 = arith.index_cast %parallel_loop3A_229 : i32 to index
        %parallel_loop3A_231 = tpu.vector_load %arg6[%parallel_loop3A_230] {strides = array<i32>} : memref<32768xi32, #tpu.memory_space<vmem>>, vector<16xi32>,
        %parallel_loop3A_232 = arith.addi %parallel_loop3A_227, %parallel_loop3A_231 : vector<16xi32>
        %parallel_loop3A_233 = arith.index_cast %parallel_loop3A_195 : i32 to index
        %parallel_loop3A_234 = tpu.vector_load %arg6[%parallel_loop3A_233] {strides = array<i32>} : memref<32768xi32, #tpu.memory_space<vmem>>, vector<16xi32>,
        tpu.vector_store %arg6[%parallel_loop3A_233], %parallel_loop3A_232 {strides = array<i32>} : memref<32768xi32, #tpu.memory_space<vmem>>, vector<16xi32>,
      } {sc.loop_unroll_factor = 4 : i64, sc.parallel_access}
      %scan3A_122 = arith.constant 0 : i32
      %scan3A_123 = arith.constant 0 : i32
      %scan3A_124 = arith.constant 16 : i32
      %scan3A_125 = arith.addi %scan3A_123, %scan3A_124 : i32
      %scan3A_126 = arith.constant 1 : i32
      %scan3A_127 = scf.for %scan3A_193 = %scan3A_123 to %scan3A_125 step %scan3A_126 iter_args(%scan3A_194 = %scan3A_122) -> (i32)  : i32 {
        %sub3A_195 = arith.constant 15 : i32
        %sub3A_196 = arith.subi %sub3A_195, %scan3A_193 : i32
        %mul3A_197 = arith.constant 16 : i32
        %mul3A_198 = arith.muli %sub3A_196, %mul3A_197 : i32
        %get3A = arith.index_cast %mul3A_198 : i32 to index
        %get3A_199 = tpu.vector_load %arg6[%get3A] {strides = array<i32>} : memref<32768xi32, #tpu.memory_space<vmem>>, vector<16xi32>,
        %mul3A_200 = arith.constant 16 : i32
        %mul3A_201 = arith.muli %sub3A_196, %mul3A_200 : i32
        %add3A_202 = arith.constant 256 : i32
        %add3A_203 = arith.addi %add3A_202, %mul3A_201 : i32
        %get3A_204 = arith.index_cast %add3A_203 : i32 to index
        %get3A_205 = tpu.vector_load %arg6[%get3A_204] {strides = array<i32>} : memref<32768xi32, #tpu.memory_space<vmem>>, vector<16xi32>,
        %add3A_206 = arith.addi %get3A_199, %get3A_205 : vector<16xi32>
        %mul3A_207 = arith.constant 16 : i32
        %mul3A_208 = arith.muli %sub3A_196, %mul3A_207 : i32
        %add3A_209 = arith.constant 512 : i32
        %add3A_210 = arith.addi %add3A_209, %mul3A_208 : i32
        %get3A_211 = arith.index_cast %add3A_210 : i32 to index
        %get3A_212 = tpu.vector_load %arg6[%get3A_211] {strides = array<i32>} : memref<32768xi32, #tpu.memory_space<vmem>>, vector<16xi32>,
        %add3A_213 = arith.addi %add3A_206, %get3A_212 : vector<16xi32>
        %mul3A_214 = arith.constant 16 : i32
        %mul3A_215 = arith.muli %sub3A_196, %mul3A_214 : i32
        %add3A_216 = arith.constant 768 : i32
        %add3A_217 = arith.addi %add3A_216, %mul3A_215 : i32
        %get3A_218 = arith.index_cast %add3A_217 : i32 to index
        %get3A_219 = tpu.vector_load %arg6[%get3A_218] {strides = array<i32>} : memref<32768xi32, #tpu.memory_space<vmem>>, vector<16xi32>,
        %add3A_220 = arith.addi %add3A_213, %get3A_219 : vector<16xi32>
        %mul3A_221 = arith.constant 16 : i32
        %mul3A_222 = arith.muli %sub3A_196, %mul3A_221 : i32
        %add3A_223 = arith.constant 1024 : i32
        %add3A_224 = arith.addi %add3A_223, %mul3A_222 : i32
        %get3A_225 = arith.index_cast %add3A_224 : i32 to index
        %get3A_226 = tpu.vector_load %arg6[%get3A_225] {strides = array<i32>} : memref<32768xi32, #tpu.memory_space<vmem>>, vector<16xi32>,
        %add3A_227 = arith.addi %add3A_220, %get3A_226 : vector<16xi32>
        %mul3A_228 = arith.constant 16 : i32
        %mul3A_229 = arith.muli %sub3A_196, %mul3A_228 : i32
        %add3A_230 = arith.constant 1280 : i32
        %add3A_231 = arith.addi %add3A_230, %mul3A_229 : i32
        %get3A_232 = arith.index_cast %add3A_231 : i32 to index
        %get3A_233 = tpu.vector_load %arg6[%get3A_232] {strides = array<i32>} : memref<32768xi32, #tpu.memory_space<vmem>>, vector<16xi32>,
        %add3A_234 = arith.addi %add3A_227, %get3A_233 : vector<16xi32>
        %mul3A_235 = arith.constant 16 : i32
        %mul3A_236 = arith.muli %sub3A_196, %mul3A_235 : i32
        %add3A_237 = arith.constant 1536 : i32
        %add3A_238 = arith.addi %add3A_237, %mul3A_236 : i32
        %get3A_239 = arith.index_cast %add3A_238 : i32 to index
        %get3A_240 = tpu.vector_load %arg6[%get3A_239] {strides = array<i32>} : memref<32768xi32, #tpu.memory_space<vmem>>, vector<16xi32>,
        %add3A_241 = arith.addi %add3A_234, %get3A_240 : vector<16xi32>
        %mul3A_242 = arith.constant 16 : i32
        %mul3A_243 = arith.muli %sub3A_196, %mul3A_242 : i32
        %add3A_244 = arith.constant 1792 : i32
        %add3A_245 = arith.addi %add3A_244, %mul3A_243 : i32
        %get3A_246 = arith.index_cast %add3A_245 : i32 to index
        %get3A_247 = tpu.vector_load %arg6[%get3A_246] {strides = array<i32>} : memref<32768xi32, #tpu.memory_space<vmem>>, vector<16xi32>,
        %add3A_248 = arith.addi %add3A_241, %get3A_247 : vector<16xi32>
        %mul3A_249 = arith.constant 16 : i32
        %mul3A_250 = arith.muli %sub3A_196, %mul3A_249 : i32
        %add3A_251 = arith.constant 2048 : i32
        %add3A_252 = arith.addi %add3A_251, %mul3A_250 : i32
        %get3A_253 = arith.index_cast %add3A_252 : i32 to index
        %get3A_254 = tpu.vector_load %arg6[%get3A_253] {strides = array<i32>} : memref<32768xi32, #tpu.memory_space<vmem>>, vector<16xi32>,
        %add3A_255 = arith.addi %add3A_248, %get3A_254 : vector<16xi32>
        %mul3A_256 = arith.constant 16 : i32
        %mul3A_257 = arith.muli %sub3A_196, %mul3A_256 : i32
        %add3A_258 = arith.constant 2304 : i32
        %add3A_259 = arith.addi %add3A_258, %mul3A_257 : i32
        %get3A_260 = arith.index_cast %add3A_259 : i32 to index
        %get3A_261 = tpu.vector_load %arg6[%get3A_260] {strides = array<i32>} : memref<32768xi32, #tpu.memory_space<vmem>>, vector<16xi32>,
        %add3A_262 = arith.addi %add3A_255, %get3A_261 : vector<16xi32>
        %mul3A_263 = arith.constant 16 : i32
        %mul3A_264 = arith.muli %sub3A_196, %mul3A_263 : i32
        %add3A_265 = arith.constant 2560 : i32
        %add3A_266 = arith.addi %add3A_265, %mul3A_264 : i32
        %get3A_267 = arith.index_cast %add3A_266 : i32 to index
        %get3A_268 = tpu.vector_load %arg6[%get3A_267] {strides = array<i32>} : memref<32768xi32, #tpu.memory_space<vmem>>, vector<16xi32>,
        %add3A_269 = arith.addi %add3A_262, %get3A_268 : vector<16xi32>
        %mul3A_270 = arith.constant 16 : i32
        %mul3A_271 = arith.muli %sub3A_196, %mul3A_270 : i32
        %add3A_272 = arith.constant 2816 : i32
        %add3A_273 = arith.addi %add3A_272, %mul3A_271 : i32
        %get3A_274 = arith.index_cast %add3A_273 : i32 to index
        %get3A_275 = tpu.vector_load %arg6[%get3A_274] {strides = array<i32>} : memref<32768xi32, #tpu.memory_space<vmem>>, vector<16xi32>,
        %add3A_276 = arith.addi %add3A_269, %get3A_275 : vector<16xi32>
        %mul3A_277 = arith.constant 16 : i32
        %mul3A_278 = arith.muli %sub3A_196, %mul3A_277 : i32
        %add3A_279 = arith.constant 3072 : i32
        %add3A_280 = arith.addi %add3A_279, %mul3A_278 : i32
        %get3A_281 = arith.index_cast %add3A_280 : i32 to index
        %get3A_282 = tpu.vector_load %arg6[%get3A_281] {strides = array<i32>} : memref<32768xi32, #tpu.memory_space<vmem>>, vector<16xi32>,
        %add3A_283 = arith.addi %add3A_276, %get3A_282 : vector<16xi32>
        %mul3A_284 = arith.constant 16 : i32
        %mul3A_285 = arith.muli %sub3A_196, %mul3A_284 : i32
        %add3A_286 = arith.constant 3328 : i32
        %add3A_287 = arith.addi %add3A_286, %mul3A_285 : i32
        %get3A_288 = arith.index_cast %add3A_287 : i32 to index
        %get3A_289 = tpu.vector_load %arg6[%get3A_288] {strides = array<i32>} : memref<32768xi32, #tpu.memory_space<vmem>>, vector<16xi32>,
        %add3A_290 = arith.addi %add3A_283, %get3A_289 : vector<16xi32>
        %mul3A_291 = arith.constant 16 : i32
        %mul3A_292 = arith.muli %sub3A_196, %mul3A_291 : i32
        %add3A_293 = arith.constant 3584 : i32
        %add3A_294 = arith.addi %add3A_293, %mul3A_292 : i32
        %get3A_295 = arith.index_cast %add3A_294 : i32 to index
        %get3A_296 = tpu.vector_load %arg6[%get3A_295] {strides = array<i32>} : memref<32768xi32, #tpu.memory_space<vmem>>, vector<16xi32>,
        %add3A_297 = arith.addi %add3A_290, %get3A_296 : vector<16xi32>
        %mul3A_298 = arith.constant 16 : i32
        %mul3A_299 = arith.muli %sub3A_196, %mul3A_298 : i32
        %add3A_300 = arith.constant 3840 : i32
        %add3A_301 = arith.addi %add3A_300, %mul3A_299 : i32
        %get3A_302 = arith.index_cast %add3A_301 : i32 to index
        %get3A_303 = tpu.vector_load %arg6[%get3A_302] {strides = array<i32>} : memref<32768xi32, #tpu.memory_space<vmem>>, vector<16xi32>,
        %add3A_304 = arith.addi %add3A_297, %get3A_303 : vector<16xi32>
        %broadcast_in_dim3A_305 = arith.constant true
        %broadcast_in_dim3A_306 = vector.broadcast %broadcast_in_dim3A_305 : i1 to vector<16xi1>
        %masked_cumsum3A = tpu.scan <sum>, %add3A_304 masked %broadcast_in_dim3A_306 : vector<16xi32>, vector<16xi1> -> vector<16xi32>
        %reduce_sum3A = arith.constant true
        %reduce_sum3A_307 = vector.broadcast %reduce_sum3A : i1 to vector<16xi1>
        %reduce_sum3A_308 = tpu.scan <sum>, %add3A_304 masked %reduce_sum3A_307 : vector<16xi32>, vector<16xi1> -> vector<16xi32>
        %reduce_sum3A_309 = vector.extract %reduce_sum3A_308[15] : i32 from vector<16xi32>
        %sub3A_310 = vector.broadcast %reduce_sum3A_309 : i32 to vector<16xi32>
        %sub3A_311 = arith.subi %sub3A_310, %masked_cumsum3A : vector<16xi32>
        %add3A_312 = arith.addi %sub3A_311, %add3A_304 : vector<16xi32>
        %add3A_313 = vector.broadcast %scan3A_194 : i32 to vector<16xi32>
        %add3A_314 = arith.addi %add3A_312, %add3A_313 : vector<16xi32>
        %mul3A_315 = arith.constant 16 : i32
        %mul3A_316 = arith.muli %sub3A_196, %mul3A_315 : i32
        %swap3A = arith.index_cast %mul3A_316 : i32 to index
        %swap3A_317 = tpu.vector_load %arg7[%swap3A] {strides = array<i32>} : memref<256xi32, #tpu.memory_space<vmem>>, vector<16xi32>,
        tpu.vector_store %arg7[%swap3A], %add3A_314 {strides = array<i32>} : memref<256xi32, #tpu.memory_space<vmem>>, vector<16xi32>,
        %add3A_318 = arith.addi %scan3A_194, %reduce_sum3A_309 : i32
        scf.yield %add3A_318 : i32
      }
      %scan3A_128 = arith.constant 16 : i32
      %scan3A_129 = arith.constant 0 : i32
      %scan3A_130 = arith.constant 0 : i32
      %scan3A_131 = arith.constant 16 : i32
      %scan3A_132 = arith.addi %scan3A_130, %scan3A_131 : i32
      %scan3A_133 = arith.constant 1 : i32
      %scan3A_134 = scf.for %scan3A_193 = %scan3A_130 to %scan3A_132 step %scan3A_133 iter_args(%scan3A_194 = %scan3A_129) -> (i32)  : i32 {
        %mul3A_195 = arith.constant 16 : i32
        %mul3A_196 = arith.muli %scan3A_193, %mul3A_195 : i32
        %get3A = arith.index_cast %mul3A_196 : i32 to index
        %get3A_197 = tpu.vector_load %arg7[%get3A] {strides = array<i32>} : memref<256xi32, #tpu.memory_space<vmem>>, vector<16xi32>,
        %ge3A = vector.broadcast %sub3A_112 : i32 to vector<16xi32>
        %ge3A_198 = arith.cmpi sge, %get3A_197, %ge3A : vector<16xi32>
        %mul3A_199 = arith.constant 16 : i32
        %mul3A_200 = arith.muli %scan3A_193, %mul3A_199 : i32
        %add3A_201 = vector.broadcast %mul3A_200 : i32 to vector<16xi32>
        %add3A_202 = arith.addi %add3A_201, %iota3A : vector<16xi32>
        %add3A_203 = arith.constant 1 : i32
        %add3A_204 = vector.broadcast %add3A_203 : i32 to vector<16xi32>
        %add3A_205 = arith.addi %add3A_202, %add3A_204 : vector<16xi32>
        %jit3A = arith.constant 0 : i32
        %broadcast_in_dim3A_206 = vector.broadcast %jit3A : i32 to vector<16xi32>
        %select_n3A = arith.select %ge3A_198, %add3A_205, %broadcast_in_dim3A_206 : vector<16xi1>, vector<16xi32>
        %reduce_max3A = arith.constant true
        %reduce_max3A_207 = vector.broadcast %reduce_max3A : i1 to vector<16xi1>
        %reduce_max3A_208 = arith.constant -2147483648 : i32
        %reduce_max3A_209 = vector.broadcast %reduce_max3A_208 : i32 to vector<16xi32>
        %reduce_max3A_210 = arith.xori %select_n3A, %reduce_max3A_209 : vector<16xi32>
        %reduce_max3A_211 = tpu.scan <max>, %reduce_max3A_210 masked %reduce_max3A_207 : vector<16xi32>, vector<16xi1> -> vector<16xi32>
        %reduce_max3A_212 = arith.xori %reduce_max3A_211, %reduce_max3A_209 : vector<16xi32>
        %reduce_max3A_213 = vector.extract %reduce_max3A_212[15] : i32 from vector<16xi32>
        %max3A = arith.maxsi %scan3A_194, %reduce_max3A_213 : i32
        scf.yield %max3A : i32
      }
      %scan3A_135 = arith.constant 16 : i32
      %sub3A_136 = arith.constant 1 : i32
      %sub3A_137 = arith.subi %scan3A_134, %sub3A_136 : i32
      %scan3A_138 = arith.constant 0 : i32
      %scan3A_139 = arith.constant 0 : i32
      %scan3A_140 = arith.constant 0 : i32
      %scan3A_141 = arith.constant 16 : i32
      %scan3A_142 = arith.addi %scan3A_140, %scan3A_141 : i32
      %scan3A_143 = arith.constant 1 : i32
      %scan3A_144:2 = scf.for %scan3A_193 = %scan3A_140 to %scan3A_142 step %scan3A_143 iter_args(%scan3A_194 = %scan3A_138, %scan3A_195 = %scan3A_139) -> (i32, i32)  : i32 {
        %mul3A_196 = arith.constant 16 : i32
        %mul3A_197 = arith.muli %scan3A_193, %mul3A_196 : i32
        %get3A = arith.index_cast %mul3A_197 : i32 to index
        %get3A_198 = tpu.vector_load %arg7[%get3A] {strides = array<i32>} : memref<256xi32, #tpu.memory_space<vmem>>, vector<16xi32>,
        %mul3A_199 = arith.constant 16 : i32
        %mul3A_200 = arith.muli %scan3A_193, %mul3A_199 : i32
        %add3A_201 = vector.broadcast %mul3A_200 : i32 to vector<16xi32>
        %add3A_202 = arith.addi %add3A_201, %iota3A : vector<16xi32>
        %add3A_203 = arith.constant 1 : i32
        %add3A_204 = arith.addi %sub3A_137, %add3A_203 : i32
        %eq3A = vector.broadcast %add3A_204 : i32 to vector<16xi32>
        %eq3A_205 = arith.cmpi eq, %add3A_202, %eq3A : vector<16xi32>
        %jit3A = arith.constant 0 : i32
        %broadcast_in_dim3A_206 = vector.broadcast %jit3A : i32 to vector<16xi32>
        %select_n3A = arith.select %eq3A_205, %get3A_198, %broadcast_in_dim3A_206 : vector<16xi1>, vector<16xi32>
        %eq3A_207 = vector.broadcast %sub3A_137 : i32 to vector<16xi32>
        %eq3A_208 = arith.cmpi eq, %add3A_202, %eq3A_207 : vector<16xi32>
        %jit3A_209 = arith.constant 0 : i32
        %broadcast_in_dim3A_210 = vector.broadcast %jit3A_209 : i32 to vector<16xi32>
        %select_n3A_211 = arith.select %eq3A_208, %get3A_198, %broadcast_in_dim3A_210 : vector<16xi1>, vector<16xi32>
        %reduce_max3A = arith.constant true
        %reduce_max3A_212 = vector.broadcast %reduce_max3A : i1 to vector<16xi1>
        %reduce_max3A_213 = arith.constant -2147483648 : i32
        %reduce_max3A_214 = vector.broadcast %reduce_max3A_213 : i32 to vector<16xi32>
        %reduce_max3A_215 = arith.xori %select_n3A, %reduce_max3A_214 : vector<16xi32>
        %reduce_max3A_216 = tpu.scan <max>, %reduce_max3A_215 masked %reduce_max3A_212 : vector<16xi32>, vector<16xi1> -> vector<16xi32>
        %reduce_max3A_217 = arith.xori %reduce_max3A_216, %reduce_max3A_214 : vector<16xi32>
        %reduce_max3A_218 = vector.extract %reduce_max3A_217[15] : i32 from vector<16xi32>
        %max3A = arith.maxsi %scan3A_194, %reduce_max3A_218 : i32
        %reduce_max3A_219 = arith.constant true
        %reduce_max3A_220 = vector.broadcast %reduce_max3A_219 : i1 to vector<16xi1>
        %reduce_max3A_221 = arith.constant -2147483648 : i32
        %reduce_max3A_222 = vector.broadcast %reduce_max3A_221 : i32 to vector<16xi32>
        %reduce_max3A_223 = arith.xori %select_n3A_211, %reduce_max3A_222 : vector<16xi32>
        %reduce_max3A_224 = tpu.scan <max>, %reduce_max3A_223 masked %reduce_max3A_220 : vector<16xi32>, vector<16xi1> -> vector<16xi32>
        %reduce_max3A_225 = arith.xori %reduce_max3A_224, %reduce_max3A_222 : vector<16xi32>
        %reduce_max3A_226 = vector.extract %reduce_max3A_225[15] : i32 from vector<16xi32>
        %max3A_227 = arith.maxsi %scan3A_195, %reduce_max3A_226 : i32
        scf.yield %max3A, %max3A_227 : i32, i32
      }
      %scan3A_145 = arith.constant 16 : i32
      %shift_left3A_146 = arith.constant 8 : i32
      %shift_left3A_147 = arith.shli %or3A_111, %shift_left3A_146 : i32
      %or3A_148 = arith.ori %shift_left3A_147, %sub3A_137 : i32
      %sub3A_149 = arith.subi %sub3A_112, %scan3A_144#0 : i32
      %parallel_loop3A_150 = arith.constant 0 : i32
      %parallel_loop3A_151 = arith.constant 2048 : i32
      %parallel_loop3A_152 = arith.constant 1 : i32
      scf.for %parallel_loop3A_193 = %parallel_loop3A_150 to %parallel_loop3A_151 step %parallel_loop3A_152  : i32 {
        %parallel_loop3A_194 = arith.constant 0 : i32
        %parallel_loop3A_195 = vector.broadcast %parallel_loop3A_194 : i32 to vector<16xi32>
        %parallel_loop3A_196 = arith.constant 16 : i32
        %parallel_loop3A_197 = arith.muli %parallel_loop3A_193, %parallel_loop3A_196 : i32
        %parallel_loop3A_198 = arith.index_cast %parallel_loop3A_197 : i32 to index
        %parallel_loop3A_199 = tpu.vector_load %arg6[%parallel_loop3A_198] {strides = array<i32>} : memref<32768xi32, #tpu.memory_space<vmem>>, vector<16xi32>,
        tpu.vector_store %arg6[%parallel_loop3A_198], %parallel_loop3A_195 {strides = array<i32>} : memref<32768xi32, #tpu.memory_space<vmem>>, vector<16xi32>,
      } {sc.loop_unroll_factor = 8 : i64, sc.parallel_access}
      %parallel_loop3A_153 = arith.constant 0 : i32
      %parallel_loop3A_154 = arith.constant 2048 : i32
      %parallel_loop3A_155 = arith.constant 1 : i32
      scf.for %parallel_loop3A_193 = %parallel_loop3A_153 to %parallel_loop3A_154 step %parallel_loop3A_155  : i32 {
        %parallel_loop3A_194 = arith.constant 16 : i32
        %parallel_loop3A_195 = arith.muli %parallel_loop3A_193, %parallel_loop3A_194 : i32
        %parallel_loop3A_196 = arith.index_cast %parallel_loop3A_195 : i32 to index
        %parallel_loop3A_197 = tpu.vector_load %arg5[%parallel_loop3A_196] {strides = array<i32>} : memref<32768xi32, #tpu.memory_space<vmem>>, vector<16xi32>,
        %parallel_loop3A_198 = arith.constant 8 : i32
        %parallel_loop3A_199 = vector.broadcast %parallel_loop3A_198 : i32 to vector<16xi32>
        %parallel_loop3A_200 = arith.shrui %parallel_loop3A_197, %parallel_loop3A_199 : vector<16xi32>
        %parallel_loop3A_201 = vector.broadcast %or3A_148 : i32 to vector<16xi32>
        %parallel_loop3A_202 = arith.cmpi eq, %parallel_loop3A_200, %parallel_loop3A_201 : vector<16xi32>
        %parallel_loop3A_203 = arith.constant 0 : i32
        %parallel_loop3A_204 = vector.broadcast %parallel_loop3A_203 : i32 to vector<16xi32>
        %parallel_loop3A_205 = arith.shrui %parallel_loop3A_197, %parallel_loop3A_204 : vector<16xi32>
        %parallel_loop3A_206 = arith.constant 255 : i32
        %parallel_loop3A_207 = vector.broadcast %parallel_loop3A_206 : i32 to vector<16xi32>
        %parallel_loop3A_208 = arith.andi %parallel_loop3A_205, %parallel_loop3A_207 : vector<16xi32>
        %parallel_loop3A_209 = arith.constant 7 : i32
        %parallel_loop3A_210 = arith.andi %parallel_loop3A_193, %parallel_loop3A_209 : i32
        %parallel_loop3A_211 = arith.constant 12 : i32
        %parallel_loop3A_212 = arith.shli %parallel_loop3A_210, %parallel_loop3A_211 : i32
        %parallel_loop3A_213 = vector.broadcast %parallel_loop3A_212 : i32 to vector<16xi32>
        %parallel_loop3A_214 = arith.addi %mul3A_3, %parallel_loop3A_213 : vector<16xi32>
        %parallel_loop3A_215 = arith.addi %parallel_loop3A_214, %parallel_loop3A_208 : vector<16xi32>
        tpu.vector_store_idx %arg6[%parallel_loop3A_215], %broadcast_in_dim3A_28 masked %parallel_loop3A_202 {add = true} : memref<32768xi32, #tpu.memory_space<vmem>>[vector<16xi32>], vector<16xi32>, vector<16xi1>
      } {sc.loop_unroll_factor = 8 : i64, sc.parallel_access}
      %parallel_loop3A_156 = arith.constant 0 : i32
      %parallel_loop3A_157 = arith.constant 256 : i32
      %parallel_loop3A_158 = arith.constant 1 : i32
      scf.for %parallel_loop3A_193 = %parallel_loop3A_156 to %parallel_loop3A_157 step %parallel_loop3A_158  : i32 {
        %parallel_loop3A_194 = arith.constant 16 : i32
        %parallel_loop3A_195 = arith.muli %parallel_loop3A_193, %parallel_loop3A_194 : i32
        %parallel_loop3A_196 = arith.index_cast %parallel_loop3A_195 : i32 to index
        %parallel_loop3A_197 = tpu.vector_load %arg6[%parallel_loop3A_196] {strides = array<i32>} : memref<32768xi32, #tpu.memory_space<vmem>>, vector<16xi32>,
        %parallel_loop3A_198 = arith.constant 4096 : i32
        %parallel_loop3A_199 = arith.addi %parallel_loop3A_198, %parallel_loop3A_195 : i32
        %parallel_loop3A_200 = arith.index_cast %parallel_loop3A_199 : i32 to index
        %parallel_loop3A_201 = tpu.vector_load %arg6[%parallel_loop3A_200] {strides = array<i32>} : memref<32768xi32, #tpu.memory_space<vmem>>, vector<16xi32>,
        %parallel_loop3A_202 = arith.addi %parallel_loop3A_197, %parallel_loop3A_201 : vector<16xi32>
        %parallel_loop3A_203 = arith.constant 8192 : i32
        %parallel_loop3A_204 = arith.addi %parallel_loop3A_203, %parallel_loop3A_195 : i32
        %parallel_loop3A_205 = arith.index_cast %parallel_loop3A_204 : i32 to index
        %parallel_loop3A_206 = tpu.vector_load %arg6[%parallel_loop3A_205] {strides = array<i32>} : memref<32768xi32, #tpu.memory_space<vmem>>, vector<16xi32>,
        %parallel_loop3A_207 = arith.addi %parallel_loop3A_202, %parallel_loop3A_206 : vector<16xi32>
        %parallel_loop3A_208 = arith.constant 12288 : i32
        %parallel_loop3A_209 = arith.addi %parallel_loop3A_208, %parallel_loop3A_195 : i32
        %parallel_loop3A_210 = arith.index_cast %parallel_loop3A_209 : i32 to index
        %parallel_loop3A_211 = tpu.vector_load %arg6[%parallel_loop3A_210] {strides = array<i32>} : memref<32768xi32, #tpu.memory_space<vmem>>, vector<16xi32>,
        %parallel_loop3A_212 = arith.addi %parallel_loop3A_207, %parallel_loop3A_211 : vector<16xi32>
        %parallel_loop3A_213 = arith.constant 16384 : i32
        %parallel_loop3A_214 = arith.addi %parallel_loop3A_213, %parallel_loop3A_195 : i32
        %parallel_loop3A_215 = arith.index_cast %parallel_loop3A_214 : i32 to index
        %parallel_loop3A_216 = tpu.vector_load %arg6[%parallel_loop3A_215] {strides = array<i32>} : memref<32768xi32, #tpu.memory_space<vmem>>, vector<16xi32>,
        %parallel_loop3A_217 = arith.addi %parallel_loop3A_212, %parallel_loop3A_216 : vector<16xi32>
        %parallel_loop3A_218 = arith.constant 20480 : i32
        %parallel_loop3A_219 = arith.addi %parallel_loop3A_218, %parallel_loop3A_195 : i32
        %parallel_loop3A_220 = arith.index_cast %parallel_loop3A_219 : i32 to index
        %parallel_loop3A_221 = tpu.vector_load %arg6[%parallel_loop3A_220] {strides = array<i32>} : memref<32768xi32, #tpu.memory_space<vmem>>, vector<16xi32>,
        %parallel_loop3A_222 = arith.addi %parallel_loop3A_217, %parallel_loop3A_221 : vector<16xi32>
        %parallel_loop3A_223 = arith.constant 24576 : i32
        %parallel_loop3A_224 = arith.addi %parallel_loop3A_223, %parallel_loop3A_195 : i32
        %parallel_loop3A_225 = arith.index_cast %parallel_loop3A_224 : i32 to index
        %parallel_loop3A_226 = tpu.vector_load %arg6[%parallel_loop3A_225] {strides = array<i32>} : memref<32768xi32, #tpu.memory_space<vmem>>, vector<16xi32>,
        %parallel_loop3A_227 = arith.addi %parallel_loop3A_222, %parallel_loop3A_226 : vector<16xi32>
        %parallel_loop3A_228 = arith.constant 28672 : i32
        %parallel_loop3A_229 = arith.addi %parallel_loop3A_228, %parallel_loop3A_195 : i32
        %parallel_loop3A_230 = arith.index_cast %parallel_loop3A_229 : i32 to index
        %parallel_loop3A_231 = tpu.vector_load %arg6[%parallel_loop3A_230] {strides = array<i32>} : memref<32768xi32, #tpu.memory_space<vmem>>, vector<16xi32>,
        %parallel_loop3A_232 = arith.addi %parallel_loop3A_227, %parallel_loop3A_231 : vector<16xi32>
        %parallel_loop3A_233 = arith.index_cast %parallel_loop3A_195 : i32 to index
        %parallel_loop3A_234 = tpu.vector_load %arg6[%parallel_loop3A_233] {strides = array<i32>} : memref<32768xi32, #tpu.memory_space<vmem>>, vector<16xi32>,
        tpu.vector_store %arg6[%parallel_loop3A_233], %parallel_loop3A_232 {strides = array<i32>} : memref<32768xi32, #tpu.memory_space<vmem>>, vector<16xi32>,
      } {sc.loop_unroll_factor = 4 : i64, sc.parallel_access}
      %scan3A_159 = arith.constant 0 : i32
      %scan3A_160 = arith.constant 0 : i32
      %scan3A_161 = arith.constant 16 : i32
      %scan3A_162 = arith.addi %scan3A_160, %scan3A_161 : i32
      %scan3A_163 = arith.constant 1 : i32
      %scan3A_164 = scf.for %scan3A_193 = %scan3A_160 to %scan3A_162 step %scan3A_163 iter_args(%scan3A_194 = %scan3A_159) -> (i32)  : i32 {
        %sub3A_195 = arith.constant 15 : i32
        %sub3A_196 = arith.subi %sub3A_195, %scan3A_193 : i32
        %mul3A_197 = arith.constant 16 : i32
        %mul3A_198 = arith.muli %sub3A_196, %mul3A_197 : i32
        %get3A = arith.index_cast %mul3A_198 : i32 to index
        %get3A_199 = tpu.vector_load %arg6[%get3A] {strides = array<i32>} : memref<32768xi32, #tpu.memory_space<vmem>>, vector<16xi32>,
        %mul3A_200 = arith.constant 16 : i32
        %mul3A_201 = arith.muli %sub3A_196, %mul3A_200 : i32
        %add3A_202 = arith.constant 256 : i32
        %add3A_203 = arith.addi %add3A_202, %mul3A_201 : i32
        %get3A_204 = arith.index_cast %add3A_203 : i32 to index
        %get3A_205 = tpu.vector_load %arg6[%get3A_204] {strides = array<i32>} : memref<32768xi32, #tpu.memory_space<vmem>>, vector<16xi32>,
        %add3A_206 = arith.addi %get3A_199, %get3A_205 : vector<16xi32>
        %mul3A_207 = arith.constant 16 : i32
        %mul3A_208 = arith.muli %sub3A_196, %mul3A_207 : i32
        %add3A_209 = arith.constant 512 : i32
        %add3A_210 = arith.addi %add3A_209, %mul3A_208 : i32
        %get3A_211 = arith.index_cast %add3A_210 : i32 to index
        %get3A_212 = tpu.vector_load %arg6[%get3A_211] {strides = array<i32>} : memref<32768xi32, #tpu.memory_space<vmem>>, vector<16xi32>,
        %add3A_213 = arith.addi %add3A_206, %get3A_212 : vector<16xi32>
        %mul3A_214 = arith.constant 16 : i32
        %mul3A_215 = arith.muli %sub3A_196, %mul3A_214 : i32
        %add3A_216 = arith.constant 768 : i32
        %add3A_217 = arith.addi %add3A_216, %mul3A_215 : i32
        %get3A_218 = arith.index_cast %add3A_217 : i32 to index
        %get3A_219 = tpu.vector_load %arg6[%get3A_218] {strides = array<i32>} : memref<32768xi32, #tpu.memory_space<vmem>>, vector<16xi32>,
        %add3A_220 = arith.addi %add3A_213, %get3A_219 : vector<16xi32>
        %mul3A_221 = arith.constant 16 : i32
        %mul3A_222 = arith.muli %sub3A_196, %mul3A_221 : i32
        %add3A_223 = arith.constant 1024 : i32
        %add3A_224 = arith.addi %add3A_223, %mul3A_222 : i32
        %get3A_225 = arith.index_cast %add3A_224 : i32 to index
        %get3A_226 = tpu.vector_load %arg6[%get3A_225] {strides = array<i32>} : memref<32768xi32, #tpu.memory_space<vmem>>, vector<16xi32>,
        %add3A_227 = arith.addi %add3A_220, %get3A_226 : vector<16xi32>
        %mul3A_228 = arith.constant 16 : i32
        %mul3A_229 = arith.muli %sub3A_196, %mul3A_228 : i32
        %add3A_230 = arith.constant 1280 : i32
        %add3A_231 = arith.addi %add3A_230, %mul3A_229 : i32
        %get3A_232 = arith.index_cast %add3A_231 : i32 to index
        %get3A_233 = tpu.vector_load %arg6[%get3A_232] {strides = array<i32>} : memref<32768xi32, #tpu.memory_space<vmem>>, vector<16xi32>,
        %add3A_234 = arith.addi %add3A_227, %get3A_233 : vector<16xi32>
        %mul3A_235 = arith.constant 16 : i32
        %mul3A_236 = arith.muli %sub3A_196, %mul3A_235 : i32
        %add3A_237 = arith.constant 1536 : i32
        %add3A_238 = arith.addi %add3A_237, %mul3A_236 : i32
        %get3A_239 = arith.index_cast %add3A_238 : i32 to index
        %get3A_240 = tpu.vector_load %arg6[%get3A_239] {strides = array<i32>} : memref<32768xi32, #tpu.memory_space<vmem>>, vector<16xi32>,
        %add3A_241 = arith.addi %add3A_234, %get3A_240 : vector<16xi32>
        %mul3A_242 = arith.constant 16 : i32
        %mul3A_243 = arith.muli %sub3A_196, %mul3A_242 : i32
        %add3A_244 = arith.constant 1792 : i32
        %add3A_245 = arith.addi %add3A_244, %mul3A_243 : i32
        %get3A_246 = arith.index_cast %add3A_245 : i32 to index
        %get3A_247 = tpu.vector_load %arg6[%get3A_246] {strides = array<i32>} : memref<32768xi32, #tpu.memory_space<vmem>>, vector<16xi32>,
        %add3A_248 = arith.addi %add3A_241, %get3A_247 : vector<16xi32>
        %mul3A_249 = arith.constant 16 : i32
        %mul3A_250 = arith.muli %sub3A_196, %mul3A_249 : i32
        %add3A_251 = arith.constant 2048 : i32
        %add3A_252 = arith.addi %add3A_251, %mul3A_250 : i32
        %get3A_253 = arith.index_cast %add3A_252 : i32 to index
        %get3A_254 = tpu.vector_load %arg6[%get3A_253] {strides = array<i32>} : memref<32768xi32, #tpu.memory_space<vmem>>, vector<16xi32>,
        %add3A_255 = arith.addi %add3A_248, %get3A_254 : vector<16xi32>
        %mul3A_256 = arith.constant 16 : i32
        %mul3A_257 = arith.muli %sub3A_196, %mul3A_256 : i32
        %add3A_258 = arith.constant 2304 : i32
        %add3A_259 = arith.addi %add3A_258, %mul3A_257 : i32
        %get3A_260 = arith.index_cast %add3A_259 : i32 to index
        %get3A_261 = tpu.vector_load %arg6[%get3A_260] {strides = array<i32>} : memref<32768xi32, #tpu.memory_space<vmem>>, vector<16xi32>,
        %add3A_262 = arith.addi %add3A_255, %get3A_261 : vector<16xi32>
        %mul3A_263 = arith.constant 16 : i32
        %mul3A_264 = arith.muli %sub3A_196, %mul3A_263 : i32
        %add3A_265 = arith.constant 2560 : i32
        %add3A_266 = arith.addi %add3A_265, %mul3A_264 : i32
        %get3A_267 = arith.index_cast %add3A_266 : i32 to index
        %get3A_268 = tpu.vector_load %arg6[%get3A_267] {strides = array<i32>} : memref<32768xi32, #tpu.memory_space<vmem>>, vector<16xi32>,
        %add3A_269 = arith.addi %add3A_262, %get3A_268 : vector<16xi32>
        %mul3A_270 = arith.constant 16 : i32
        %mul3A_271 = arith.muli %sub3A_196, %mul3A_270 : i32
        %add3A_272 = arith.constant 2816 : i32
        %add3A_273 = arith.addi %add3A_272, %mul3A_271 : i32
        %get3A_274 = arith.index_cast %add3A_273 : i32 to index
        %get3A_275 = tpu.vector_load %arg6[%get3A_274] {strides = array<i32>} : memref<32768xi32, #tpu.memory_space<vmem>>, vector<16xi32>,
        %add3A_276 = arith.addi %add3A_269, %get3A_275 : vector<16xi32>
        %mul3A_277 = arith.constant 16 : i32
        %mul3A_278 = arith.muli %sub3A_196, %mul3A_277 : i32
        %add3A_279 = arith.constant 3072 : i32
        %add3A_280 = arith.addi %add3A_279, %mul3A_278 : i32
        %get3A_281 = arith.index_cast %add3A_280 : i32 to index
        %get3A_282 = tpu.vector_load %arg6[%get3A_281] {strides = array<i32>} : memref<32768xi32, #tpu.memory_space<vmem>>, vector<16xi32>,
        %add3A_283 = arith.addi %add3A_276, %get3A_282 : vector<16xi32>
        %mul3A_284 = arith.constant 16 : i32
        %mul3A_285 = arith.muli %sub3A_196, %mul3A_284 : i32
        %add3A_286 = arith.constant 3328 : i32
        %add3A_287 = arith.addi %add3A_286, %mul3A_285 : i32
        %get3A_288 = arith.index_cast %add3A_287 : i32 to index
        %get3A_289 = tpu.vector_load %arg6[%get3A_288] {strides = array<i32>} : memref<32768xi32, #tpu.memory_space<vmem>>, vector<16xi32>,
        %add3A_290 = arith.addi %add3A_283, %get3A_289 : vector<16xi32>
        %mul3A_291 = arith.constant 16 : i32
        %mul3A_292 = arith.muli %sub3A_196, %mul3A_291 : i32
        %add3A_293 = arith.constant 3584 : i32
        %add3A_294 = arith.addi %add3A_293, %mul3A_292 : i32
        %get3A_295 = arith.index_cast %add3A_294 : i32 to index
        %get3A_296 = tpu.vector_load %arg6[%get3A_295] {strides = array<i32>} : memref<32768xi32, #tpu.memory_space<vmem>>, vector<16xi32>,
        %add3A_297 = arith.addi %add3A_290, %get3A_296 : vector<16xi32>
        %mul3A_298 = arith.constant 16 : i32
        %mul3A_299 = arith.muli %sub3A_196, %mul3A_298 : i32
        %add3A_300 = arith.constant 3840 : i32
        %add3A_301 = arith.addi %add3A_300, %mul3A_299 : i32
        %get3A_302 = arith.index_cast %add3A_301 : i32 to index
        %get3A_303 = tpu.vector_load %arg6[%get3A_302] {strides = array<i32>} : memref<32768xi32, #tpu.memory_space<vmem>>, vector<16xi32>,
        %add3A_304 = arith.addi %add3A_297, %get3A_303 : vector<16xi32>
        %broadcast_in_dim3A_305 = arith.constant true
        %broadcast_in_dim3A_306 = vector.broadcast %broadcast_in_dim3A_305 : i1 to vector<16xi1>
        %masked_cumsum3A = tpu.scan <sum>, %add3A_304 masked %broadcast_in_dim3A_306 : vector<16xi32>, vector<16xi1> -> vector<16xi32>
        %reduce_sum3A = arith.constant true
        %reduce_sum3A_307 = vector.broadcast %reduce_sum3A : i1 to vector<16xi1>
        %reduce_sum3A_308 = tpu.scan <sum>, %add3A_304 masked %reduce_sum3A_307 : vector<16xi32>, vector<16xi1> -> vector<16xi32>
        %reduce_sum3A_309 = vector.extract %reduce_sum3A_308[15] : i32 from vector<16xi32>
        %sub3A_310 = vector.broadcast %reduce_sum3A_309 : i32 to vector<16xi32>
        %sub3A_311 = arith.subi %sub3A_310, %masked_cumsum3A : vector<16xi32>
        %add3A_312 = arith.addi %sub3A_311, %add3A_304 : vector<16xi32>
        %add3A_313 = vector.broadcast %scan3A_194 : i32 to vector<16xi32>
        %add3A_314 = arith.addi %add3A_312, %add3A_313 : vector<16xi32>
        %mul3A_315 = arith.constant 16 : i32
        %mul3A_316 = arith.muli %sub3A_196, %mul3A_315 : i32
        %swap3A = arith.index_cast %mul3A_316 : i32 to index
        %swap3A_317 = tpu.vector_load %arg7[%swap3A] {strides = array<i32>} : memref<256xi32, #tpu.memory_space<vmem>>, vector<16xi32>,
        tpu.vector_store %arg7[%swap3A], %add3A_314 {strides = array<i32>} : memref<256xi32, #tpu.memory_space<vmem>>, vector<16xi32>,
        %add3A_318 = arith.addi %scan3A_194, %reduce_sum3A_309 : i32
        scf.yield %add3A_318 : i32
      }
      %scan3A_165 = arith.constant 16 : i32
      %scan3A_166 = arith.constant 0 : i32
      %scan3A_167 = arith.constant 0 : i32
      %scan3A_168 = arith.constant 16 : i32
      %scan3A_169 = arith.addi %scan3A_167, %scan3A_168 : i32
      %scan3A_170 = arith.constant 1 : i32
      %scan3A_171 = scf.for %scan3A_193 = %scan3A_167 to %scan3A_169 step %scan3A_170 iter_args(%scan3A_194 = %scan3A_166) -> (i32)  : i32 {
        %mul3A_195 = arith.constant 16 : i32
        %mul3A_196 = arith.muli %scan3A_193, %mul3A_195 : i32
        %get3A = arith.index_cast %mul3A_196 : i32 to index
        %get3A_197 = tpu.vector_load %arg7[%get3A] {strides = array<i32>} : memref<256xi32, #tpu.memory_space<vmem>>, vector<16xi32>,
        %ge3A = vector.broadcast %sub3A_149 : i32 to vector<16xi32>
        %ge3A_198 = arith.cmpi sge, %get3A_197, %ge3A : vector<16xi32>
        %mul3A_199 = arith.constant 16 : i32
        %mul3A_200 = arith.muli %scan3A_193, %mul3A_199 : i32
        %add3A_201 = vector.broadcast %mul3A_200 : i32 to vector<16xi32>
        %add3A_202 = arith.addi %add3A_201, %iota3A : vector<16xi32>
        %add3A_203 = arith.constant 1 : i32
        %add3A_204 = vector.broadcast %add3A_203 : i32 to vector<16xi32>
        %add3A_205 = arith.addi %add3A_202, %add3A_204 : vector<16xi32>
        %jit3A = arith.constant 0 : i32
        %broadcast_in_dim3A_206 = vector.broadcast %jit3A : i32 to vector<16xi32>
        %select_n3A = arith.select %ge3A_198, %add3A_205, %broadcast_in_dim3A_206 : vector<16xi1>, vector<16xi32>
        %reduce_max3A = arith.constant true
        %reduce_max3A_207 = vector.broadcast %reduce_max3A : i1 to vector<16xi1>
        %reduce_max3A_208 = arith.constant -2147483648 : i32
        %reduce_max3A_209 = vector.broadcast %reduce_max3A_208 : i32 to vector<16xi32>
        %reduce_max3A_210 = arith.xori %select_n3A, %reduce_max3A_209 : vector<16xi32>
        %reduce_max3A_211 = tpu.scan <max>, %reduce_max3A_210 masked %reduce_max3A_207 : vector<16xi32>, vector<16xi1> -> vector<16xi32>
        %reduce_max3A_212 = arith.xori %reduce_max3A_211, %reduce_max3A_209 : vector<16xi32>
        %reduce_max3A_213 = vector.extract %reduce_max3A_212[15] : i32 from vector<16xi32>
        %max3A = arith.maxsi %scan3A_194, %reduce_max3A_213 : i32
        scf.yield %max3A : i32
      }
      %scan3A_172 = arith.constant 16 : i32
      %sub3A_173 = arith.constant 1 : i32
      %sub3A_174 = arith.subi %scan3A_171, %sub3A_173 : i32
      %scan3A_175 = arith.constant 0 : i32
      %scan3A_176 = arith.constant 0 : i32
      %scan3A_177 = arith.constant 0 : i32
      %scan3A_178 = arith.constant 16 : i32
      %scan3A_179 = arith.addi %scan3A_177, %scan3A_178 : i32
      %scan3A_180 = arith.constant 1 : i32
      %scan3A_181:2 = scf.for %scan3A_193 = %scan3A_177 to %scan3A_179 step %scan3A_180 iter_args(%scan3A_194 = %scan3A_175, %scan3A_195 = %scan3A_176) -> (i32, i32)  : i32 {
        %mul3A_196 = arith.constant 16 : i32
        %mul3A_197 = arith.muli %scan3A_193, %mul3A_196 : i32
        %get3A = arith.index_cast %mul3A_197 : i32 to index
        %get3A_198 = tpu.vector_load %arg7[%get3A] {strides = array<i32>} : memref<256xi32, #tpu.memory_space<vmem>>, vector<16xi32>,
        %mul3A_199 = arith.constant 16 : i32
        %mul3A_200 = arith.muli %scan3A_193, %mul3A_199 : i32
        %add3A_201 = vector.broadcast %mul3A_200 : i32 to vector<16xi32>
        %add3A_202 = arith.addi %add3A_201, %iota3A : vector<16xi32>
        %add3A_203 = arith.constant 1 : i32
        %add3A_204 = arith.addi %sub3A_174, %add3A_203 : i32
        %eq3A = vector.broadcast %add3A_204 : i32 to vector<16xi32>
        %eq3A_205 = arith.cmpi eq, %add3A_202, %eq3A : vector<16xi32>
        %jit3A = arith.constant 0 : i32
        %broadcast_in_dim3A_206 = vector.broadcast %jit3A : i32 to vector<16xi32>
        %select_n3A = arith.select %eq3A_205, %get3A_198, %broadcast_in_dim3A_206 : vector<16xi1>, vector<16xi32>
        %eq3A_207 = vector.broadcast %sub3A_174 : i32 to vector<16xi32>
        %eq3A_208 = arith.cmpi eq, %add3A_202, %eq3A_207 : vector<16xi32>
        %jit3A_209 = arith.constant 0 : i32
        %broadcast_in_dim3A_210 = vector.broadcast %jit3A_209 : i32 to vector<16xi32>
        %select_n3A_211 = arith.select %eq3A_208, %get3A_198, %broadcast_in_dim3A_210 : vector<16xi1>, vector<16xi32>
        %reduce_max3A = arith.constant true
        %reduce_max3A_212 = vector.broadcast %reduce_max3A : i1 to vector<16xi1>
        %reduce_max3A_213 = arith.constant -2147483648 : i32
        %reduce_max3A_214 = vector.broadcast %reduce_max3A_213 : i32 to vector<16xi32>
        %reduce_max3A_215 = arith.xori %select_n3A, %reduce_max3A_214 : vector<16xi32>
        %reduce_max3A_216 = tpu.scan <max>, %reduce_max3A_215 masked %reduce_max3A_212 : vector<16xi32>, vector<16xi1> -> vector<16xi32>
        %reduce_max3A_217 = arith.xori %reduce_max3A_216, %reduce_max3A_214 : vector<16xi32>
        %reduce_max3A_218 = vector.extract %reduce_max3A_217[15] : i32 from vector<16xi32>
        %max3A = arith.maxsi %scan3A_194, %reduce_max3A_218 : i32
        %reduce_max3A_219 = arith.constant true
        %reduce_max3A_220 = vector.broadcast %reduce_max3A_219 : i1 to vector<16xi1>
        %reduce_max3A_221 = arith.constant -2147483648 : i32
        %reduce_max3A_222 = vector.broadcast %reduce_max3A_221 : i32 to vector<16xi32>
        %reduce_max3A_223 = arith.xori %select_n3A_211, %reduce_max3A_222 : vector<16xi32>
        %reduce_max3A_224 = tpu.scan <max>, %reduce_max3A_223 masked %reduce_max3A_220 : vector<16xi32>, vector<16xi1> -> vector<16xi32>
        %reduce_max3A_225 = arith.xori %reduce_max3A_224, %reduce_max3A_222 : vector<16xi32>
        %reduce_max3A_226 = vector.extract %reduce_max3A_225[15] : i32 from vector<16xi32>
        %max3A_227 = arith.maxsi %scan3A_195, %reduce_max3A_226 : i32
        scf.yield %max3A, %max3A_227 : i32, i32
      }
      %scan3A_182 = arith.constant 16 : i32
      %sub3A_183 = arith.subi %scan3A_181#1, %scan3A_181#0 : i32
      %shift_left3A_184 = arith.constant 8 : i32
      %shift_left3A_185 = arith.shli %or3A_148, %shift_left3A_184 : i32
      %or3A_186 = arith.ori %shift_left3A_185, %sub3A_174 : i32
      %sub3A_187 = arith.subi %sub3A_149, %scan3A_181#0 : i32
      %xor3A = arith.constant -2147483648 : i32
      %xor3A_188 = arith.xori %or3A_186, %xor3A : i32
      %gt3A = arith.cmpi sgt, %sub3A_183, %sub3A_187 : i32
      %convert_element_type3A = arith.extui %gt3A : i1 to i32
      %cond3A = arith.constant 0 : i32
      %cond3A_189 = arith.constant 0 : i32
      %cond3A_190 = arith.cmpi ne, %convert_element_type3A, %cond3A_189 : i32
      %cond3A_191 = scf.if %cond3A_190 -> (i32) {
        %scan3A_193 = arith.constant 0 : i32
        %scan3A_194 = arith.constant 0 : i32
        %scan3A_195 = arith.constant 2048 : i32
        %scan3A_196 = arith.addi %scan3A_194, %scan3A_195 : i32
        %scan3A_197 = arith.constant 1 : i32
        %scan3A_198 = scf.for %scan3A_201 = %scan3A_194 to %scan3A_196 step %scan3A_197 iter_args(%scan3A_202 = %scan3A_193) -> (i32)  : i32 {
          %mul3A_203 = arith.constant 16 : i32
          %mul3A_204 = arith.muli %scan3A_201, %mul3A_203 : i32
          %get3A = arith.index_cast %mul3A_204 : i32 to index
          %get3A_205 = tpu.vector_load %arg5[%get3A] {strides = array<i32>} : memref<32768xi32, #tpu.memory_space<vmem>>, vector<16xi32>,
          %xor3A_206 = arith.constant -2147483648 : i32
          %xor3A_207 = vector.broadcast %xor3A_206 : i32 to vector<16xi32>
          %xor3A_208 = arith.xori %get3A_205, %xor3A_207 : vector<16xi32>
          %mul3A_209 = arith.constant 16 : i32
          %mul3A_210 = arith.muli %scan3A_201, %mul3A_209 : i32
          %get3A_211 = arith.index_cast %mul3A_210 : i32 to index
          %get3A_212 = tpu.vector_load %arg4[%get3A_211] {strides = array<i32>} : memref<32768xf32, #tpu.memory_space<vmem>>, vector<16xf32>,
          %eq3A = vector.broadcast %xor3A_188 : i32 to vector<16xi32>
          %eq3A_213 = arith.cmpi eq, %xor3A_208, %eq3A : vector<16xi32>
          %jit3A = arith.constant 1 : i32
          %jit3A_214 = arith.constant 0 : i32
          %broadcast_in_dim3A_215 = vector.broadcast %jit3A : i32 to vector<16xi32>
          %broadcast_in_dim3A_216 = vector.broadcast %jit3A_214 : i32 to vector<16xi32>
          %select_n3A = arith.select %eq3A_213, %broadcast_in_dim3A_215, %broadcast_in_dim3A_216 : vector<16xi1>, vector<16xi32>
          %broadcast_in_dim3A_217 = arith.constant true
          %broadcast_in_dim3A_218 = vector.broadcast %broadcast_in_dim3A_217 : i1 to vector<16xi1>
          %masked_cumsum3A = tpu.scan <sum>, %select_n3A masked %broadcast_in_dim3A_218 : vector<16xi32>, vector<16xi1> -> vector<16xi32>
          %gt3A_219 = vector.broadcast %xor3A_188 : i32 to vector<16xi32>
          %gt3A_220 = arith.cmpi sgt, %xor3A_208, %gt3A_219 : vector<16xi32>
          %add3A_221 = vector.broadcast %scan3A_202 : i32 to vector<16xi32>
          %add3A_222 = arith.addi %add3A_221, %masked_cumsum3A : vector<16xi32>
          %le3A = vector.broadcast %sub3A_187 : i32 to vector<16xi32>
          %le3A_223 = arith.cmpi sle, %add3A_222, %le3A : vector<16xi32>
          %and3A = arith.andi %eq3A_213, %le3A_223 : vector<16xi1>
          %or3A_224 = arith.ori %gt3A_220, %and3A : vector<16xi1>
          %jit3A_225 = arith.constant 0.000000e+00 : f32
          %broadcast_in_dim3A_226 = vector.broadcast %jit3A_225 : f32 to vector<16xf32>
          %select_n3A_227 = arith.select %or3A_224, %get3A_212, %broadcast_in_dim3A_226 : vector<16xi1>, vector<16xf32>
          %mul3A_228 = arith.constant 16 : i32
          %mul3A_229 = arith.muli %scan3A_201, %mul3A_228 : i32
          %swap3A = arith.index_cast %mul3A_229 : i32 to index
          %swap3A_230 = tpu.vector_load %arg4[%swap3A] {strides = array<i32>} : memref<32768xf32, #tpu.memory_space<vmem>>, vector<16xf32>,
          tpu.vector_store %arg4[%swap3A], %select_n3A_227 {strides = array<i32>} : memref<32768xf32, #tpu.memory_space<vmem>>, vector<16xf32>,
          %reduce_max3A = arith.constant true
          %reduce_max3A_231 = vector.broadcast %reduce_max3A : i1 to vector<16xi1>
          %reduce_max3A_232 = arith.constant -2147483648 : i32
          %reduce_max3A_233 = vector.broadcast %reduce_max3A_232 : i32 to vector<16xi32>
          %reduce_max3A_234 = arith.xori %masked_cumsum3A, %reduce_max3A_233 : vector<16xi32>
          %reduce_max3A_235 = tpu.scan <max>, %reduce_max3A_234 masked %reduce_max3A_231 : vector<16xi32>, vector<16xi1> -> vector<16xi32>
          %reduce_max3A_236 = arith.xori %reduce_max3A_235, %reduce_max3A_233 : vector<16xi32>
          %reduce_max3A_237 = vector.extract %reduce_max3A_236[15] : i32 from vector<16xi32>
          %add3A_238 = arith.addi %scan3A_202, %reduce_max3A_237 : i32
          scf.yield %add3A_238 : i32
        }
        %scan3A_199 = arith.constant 2048 : i32
        %cond3A_200 = arith.constant 0 : i32
        scf.yield %cond3A_200 : i32
      } else {
        %parallel_loop3A_193 = arith.constant 0 : i32
        %parallel_loop3A_194 = arith.constant 2048 : i32
        %parallel_loop3A_195 = arith.constant 1 : i32
        scf.for %parallel_loop3A_197 = %parallel_loop3A_193 to %parallel_loop3A_194 step %parallel_loop3A_195  : i32 {
          %parallel_loop3A_198 = arith.constant 16 : i32
          %parallel_loop3A_199 = arith.muli %parallel_loop3A_197, %parallel_loop3A_198 : i32
          %parallel_loop3A_200 = arith.index_cast %parallel_loop3A_199 : i32 to index
          %parallel_loop3A_201 = tpu.vector_load %arg5[%parallel_loop3A_200] {strides = array<i32>} : memref<32768xi32, #tpu.memory_space<vmem>>, vector<16xi32>,
          %parallel_loop3A_202 = arith.constant -2147483648 : i32
          %parallel_loop3A_203 = vector.broadcast %parallel_loop3A_202 : i32 to vector<16xi32>
          %parallel_loop3A_204 = arith.xori %parallel_loop3A_201, %parallel_loop3A_203 : vector<16xi32>
          %parallel_loop3A_205 = arith.index_cast %parallel_loop3A_199 : i32 to index
          %parallel_loop3A_206 = tpu.vector_load %arg4[%parallel_loop3A_205] {strides = array<i32>} : memref<32768xf32, #tpu.memory_space<vmem>>, vector<16xf32>,
          %parallel_loop3A_207 = vector.broadcast %xor3A_188 : i32 to vector<16xi32>
          %parallel_loop3A_208 = arith.cmpi sge, %parallel_loop3A_204, %parallel_loop3A_207 : vector<16xi32>
          %parallel_loop3A_209 = arith.constant 0.000000e+00 : f32
          %parallel_loop3A_210 = vector.broadcast %parallel_loop3A_209 : f32 to vector<16xf32>
          %parallel_loop3A_211 = arith.select %parallel_loop3A_208, %parallel_loop3A_206, %parallel_loop3A_210 : vector<16xi1>, vector<16xf32>
          %parallel_loop3A_212 = arith.index_cast %parallel_loop3A_199 : i32 to index
          %parallel_loop3A_213 = tpu.vector_load %arg4[%parallel_loop3A_212] {strides = array<i32>} : memref<32768xf32, #tpu.memory_space<vmem>>, vector<16xf32>,
          tpu.vector_store %arg4[%parallel_loop3A_212], %parallel_loop3A_211 {strides = array<i32>} : memref<32768xf32, #tpu.memory_space<vmem>>, vector<16xf32>,
        } {sc.loop_unroll_factor = 8 : i64, sc.parallel_access}
        %cond3A_196 = arith.constant 0 : i32
        scf.yield %cond3A_196 : i32
      }
      "tpu.region"() ({
        %run_scoped3A = tpu.sem_alloc : memref<!tpu.dma_semaphore, #tpu.memory_space<semaphore_mem>>
        %dma_start3A = arith.constant 0 : i32
        %dma_start3A_193 = tpu.memref_slice %arg3[%add3A_39, %dma_start3A] : memref<128x32768xf32, #tpu.memory_space<hbm>> -> memref<1x32768xf32, #tpu.memory_space<hbm>>
        %dma_start3A_194 = tpu.memref_squeeze %dma_start3A_193 : memref<1x32768xf32, #tpu.memory_space<hbm>> -> memref<32768xf32, #tpu.memory_space<hbm>>
        %dma_start3A_195 = arith.constant 0 : i32
        %dma_start3A_196 = tpu.memref_slice %arg3[%add3A_39, %dma_start3A_195] : memref<128x32768xf32, #tpu.memory_space<hbm>> -> memref<1x32768xf32, #tpu.memory_space<hbm>>
        %dma_start3A_197 = tpu.memref_squeeze %dma_start3A_196 : memref<1x32768xf32, #tpu.memory_space<hbm>> -> memref<32768xf32, #tpu.memory_space<hbm>>
        tpu.enqueue_dma source(%arg4 : memref<32768xf32, #tpu.memory_space<vmem>>) target(%dma_start3A_197 : memref<32768xf32, #tpu.memory_space<hbm>>) target_semaphore(%run_scoped3A : memref<!tpu.dma_semaphore, #tpu.memory_space<semaphore_mem>>)
        %dma_wait3A = arith.constant 0 : i32
        %dma_wait3A_198 = tpu.memref_slice %arg3[%add3A_39, %dma_wait3A] : memref<128x32768xf32, #tpu.memory_space<hbm>> -> memref<1x32768xf32, #tpu.memory_space<hbm>>
        %dma_wait3A_199 = tpu.memref_squeeze %dma_wait3A_198 : memref<1x32768xf32, #tpu.memory_space<hbm>> -> memref<32768xf32, #tpu.memory_space<hbm>>
        %dma_wait3A_200 = arith.constant 0 : i32
        %dma_wait3A_201 = tpu.memref_slice %arg3[%add3A_39, %dma_wait3A_200] : memref<128x32768xf32, #tpu.memory_space<hbm>> -> memref<1x32768xf32, #tpu.memory_space<hbm>>
        %dma_wait3A_202 = tpu.memref_squeeze %dma_wait3A_201 : memref<1x32768xf32, #tpu.memory_space<hbm>> -> memref<32768xf32, #tpu.memory_space<hbm>>
        tpu.wait_dma2 semaphore(%run_scoped3A : memref<!tpu.dma_semaphore, #tpu.memory_space<semaphore_mem>>) src(%arg4 : memref<32768xf32, #tpu.memory_space<vmem>>) dst(%dma_wait3A_202 : memref<32768xf32, #tpu.memory_space<hbm>>)
        tpu.yield
      }) : () -> ()
      %scan3A_192 = arith.constant 0 : i32
      scf.yield %scan3A_192 : i32
    }
    %scan3A_34 = arith.constant 4 : i32
    return
  }
}

</mosaic_0001>

<sc_bundles>
// kernel: kernel.3.cloned.1.call-start
scs
__scs_entry_jumppad:
0x0: {  	(pc) =	sbr.rel $0x88, $3  }
0x1: {  	(tag) =	ssettag $0x0;
	lr =	simm.s32 $0x1  }
0x2: {  	[smem:$0x3FA0] =	sst lr;
	_ =	strace $0xD0000000  }
0x3: {  	_ = 	snop  }
0x4: {  	_ = 	snop  }
0x5: {  	_ = 	snop  }
0x6: {  	_ = 	snop  }
0x7: {  	_ = 	snop  }
__scs_overlays_trampoline_lowered:
0x8: {  	[smem:$0x3FAF] =	sst s0  }
0x9: {  	[smem:$0x3FB0] =	sst s1  }
0xa: {  	[smem:$0x3FB1] =	sst s2  }
0xb: {  	[smem:$0x3FB2] =	sst s3  }
0xc: {  	[smem:$0x3FB3] =	sst s4  }
0xd: {  	[smem:$0x3FB4] =	sst s5  }
0xe: {  	[smem:$0x3FB5] =	sst s6  }
0xf: {  	[smem:$0x3FB6] =	sst s7  }
0x10: {  	[smem:$0x3FB7] =	sst s8  }
0x11: {  	[smem:$0x3FB8] =	sst s9;
	s0 =	simm.s32 @!p0 $0x0  }
0x12: {  	s1 =	sld [smem:$0x3F9E];
	s0 =	simm.s32 @p0 $0x1  }
0x13: {  	[smem:$0x3FB9] =	sst s0;
	s0 =	simm.s32 @!p1 $0x0  }
0x14: {  	s2 =	sld [smem:$0x3F9D];
	s0 =	simm.s32 @p1 $0x1  }
0x15: {  	[smem:$0x3FBA] =	sst s0;
	s0 =	simm.s32 @!p2 $0x0  }
0x16: {  	s3 =	sld [smem:$0x3FDB];
	s0 =	simm.s32 @p2 $0x1  }
0x17: {  	s4 =	simm.s32 $0x1BF5;
	[smem:$0x3FBC] =	sst s0  }
0x18: {  	s0 =	sld [smem:$0x3F9F];
	_ =	swait.ge [sflag:s4], $0x0  }
0x19: {  	s7 =	sld [smem:$0x3FA0]  }
0x1a: {  	s8 =	sadd.s32 $0xFFFFE003, lr  }
0x1b: {  	s9 =	sadd.s32 $0xFFFFFEF7, lr;
	s5 =	simm.s32 $0xFFFFFFFF;
	p2 =	slt.u32 s8, $0xFFFFF086  }
0x1c: {  	p1 =	slt.u32 s9, $0xF7A;
	s5 =	simm.s32 @!p2 $0x0  }
0x1d: {  	s5 =	simm.s32 @p1 $0x1;
	p0 =	seq.s32 s7, s2  }
0x1e: {  	s7 =	smul.u32 @!p0 $0xF7A, s2;
	p2 =	seq.s32 @!p0 s5, $0x0  }
0x1f: {  	s9 =	smul.u32 $0xF7A, s1;
	s8 =	simm.s32 @!p0 $0x1BF5;
	p2 =	por !p2, p0  }
0x20: {  	[sflag:s8] =	ssyncset.s32 @!p0 $0xFFFFF086;
	s6 =	sadd.s32 @!p0 s3, s7;
	s7 =	simm.s32 @!p0 $0x108  }
0x21: {  	s3 =	sadd.s32 s3, s9;
	s6 =	sadd.s32 @!p0 $0x88, s6;
	s7 =	simm.s32 @p2 $0x1082  }
0x22: {  	[simem:s7], [sflag:s8] =	dma.local @!p0 [hbm:s6], $0xF7A  }
0x23: {  	s9 =	sor.u32 $0xD0000000, s2;
	s6 =	simm.s32 $0x108;
	_ =	swait.ge @!p0 [sflag:s8], $0x0  }
0x24: {  	s3 =	sadd.s32 $0x88, s3;
	s6 =	simm.s32 @!p1 $0x1082;
	[sflag:s4] =	ssyncset.s32 $0xFFFFF086  }
0x25: {  	[simem:s6], [sflag:s4] =	dma.local [hbm:s3], $0xF7A  }
0x26: {  	[smem:$0x3FA0] =	sst s1;
	(tag) =	ssettag s2;
	_ =	strace s9  }
0x27: {  	s1 =	sld [smem:$0x3FB0]  }
0x28: {  	s2 =	sld [smem:$0x3FB1]  }
0x29: {  	s4 =	sld [smem:$0x3FB3]  }
0x2a: {  	p0 =	seq.s32 s5, $0x0;
	s5 =	sld [smem:$0x3FB4]  }
0x2b: {  	s6 =	sld [smem:$0x3FB5]  }
0x2c: {  	s7 =	sld [smem:$0x3FB6]  }
0x2d: {  	s3 =	simm.s32 $0x108;
	s8 =	sld [smem:$0x3FB7]  }
0x2e: {  	s3 =	simm.s32 @!p0 $0x1082;
	s9 =	sld [smem:$0x3FB8]  }
0x2f: {  	lr =	sadd.s32 s0, s3;
	s0 =	sld [smem:$0x3FAF]  }
0x30: {  	s3 =	sld [smem:$0x3FB2]  }
0x31: {  	[smem:$0x3FBB] =	sst s10  }
0x32: {  	s10 =	sld [smem:$0x3FB9];
	_ =	sdelay $0x3  }
0x33: {  	p0 =	seq.s32 s10, $0x1;
	s10 =	sld [smem:$0x3FBB];
	_ =	sdelay $0x3  }
0x34: {  	[smem:$0x3FBB] =	sst s10  }
0x35: {  	s10 =	sld [smem:$0x3FBA];
	_ =	sdelay $0x3  }
0x36: {  	p1 =	seq.s32 s10, $0x1;
	s10 =	sld [smem:$0x3FBB];
	_ =	sdelay $0x3  }
0x37: {  	[smem:$0x3FBB] =	sst s10  }
0x38: {  	s10 =	sld [smem:$0x3FBC]  }
0x39: {  	_ = 	snop;
	(pc) =	sbr.ind lr, $3  }
0x3a: {  	_ = 	snop  }
0x3b: {  	_ = 	snop  }
0x3c: {  	p2 =	seq.s32 s10, $0x1;
	s10 =	sld [smem:$0x3FBB]  }
0x3d: {  	_ =	shalt  }
0x3e: {  	_ =	shalt  }
0x3f: {  	_ =	shalt  }
0x40: {  	_ =	shalt  }
0x41: {  	_ =	shalt  }
0x42: {  	_ =	shalt  }
0x43: {  	_ =	shalt  }
0x44: {  	_ =	shalt  }
0x45: {  	_ =	shalt  }
0x46: {  	_ =	shalt  }
0x47: {  	_ =	shalt  }
0x48: {  	_ =	shalt  }
0x49: {  	_ =	shalt  }
0x4a: {  	_ =	shalt  }
0x4b: {  	_ =	shalt  }
0x4c: {  	_ =	shalt  }
0x4d: {  	_ =	shalt  }
0x4e: {  	_ =	shalt  }
0x4f: {  	_ =	shalt  }
0x50: {  	_ =	shalt  }
0x51: {  	_ =	shalt  }
0x52: {  	_ =	shalt  }
0x53: {  	_ =	shalt  }
0x54: {  	_ =	shalt  }
0x55: {  	_ =	shalt  }
0x56: {  	_ =	shalt  }
0x57: {  	_ =	shalt  }
0x58: {  	_ =	shalt  }
0x59: {  	_ =	shalt  }
0x5a: {  	_ =	shalt  }
0x5b: {  	_ =	shalt  }
0x5c: {  	_ =	shalt  }
0x5d: {  	_ =	shalt  }
0x5e: {  	_ =	shalt  }
0x5f: {  	_ =	shalt  }
0x60: {  	_ =	shalt  }
0x61: {  	_ =	shalt  }
0x62: {  	_ =	shalt  }
0x63: {  	_ =	shalt  }
0x64: {  	_ =	shalt  }
0x65: {  	_ =	shalt  }
0x66: {  	_ =	shalt  }
0x67: {  	_ =	shalt  }
0x68: {  	_ =	shalt  }
0x69: {  	_ =	shalt  }
0x6a: {  	_ =	shalt  }
0x6b: {  	_ =	shalt  }
0x6c: {  	_ =	shalt  }
0x6d: {  	_ =	shalt  }
0x6e: {  	_ =	shalt  }
0x6f: {  	_ =	shalt  }
0x70: {  	_ =	shalt  }
0x71: {  	_ =	shalt  }
0x72: {  	_ =	shalt  }
0x73: {  	_ =	shalt  }
0x74: {  	_ =	shalt  }
0x75: {  	_ =	shalt  }
0x76: {  	_ =	shalt  }
0x77: {  	_ =	shalt  }
0x78: {  	_ =	shalt  }
0x79: {  	_ =	shalt  }
0x7a: {  	_ =	shalt  }
0x7b: {  	_ =	shalt  }
0x7c: {  	_ =	shalt  }
0x7d: {  	_ =	shalt  }
0x7e: {  	_ =	shalt  }
0x7f: {  	_ =	shalt  }
0x80: {  	_ =	shalt  }
0x81: {  	_ =	shalt  }
0x82: {  	_ =	shalt  }
0x83: {  	_ =	shalt  }
0x84: {  	_ =	shalt  }
0x85: {  	_ =	shalt  }
0x86: {  	_ =	shalt  }
0x87: {  	_ =	shalt  }
.Lfunc_end0:
.L_simem_size_0:
called_computation_lowered:
.L_overlay_start_0:
0x88: {  	s2 =	sld [smem:$0x3FD9]  }
0x89: {  	s3 =	sld [smem:$0x3FFE];
	_ =	sdelay $0x1  }
0x8a: {  	s1 =	srdreg.scid  }
0x8b: {  	s0 =	sand.u32 $0x1, s1  }
0x8c: {  	s18 =	sshll.u32 s0, $0xA;
	s2 =	sadd.s32 s3, s2  }
0x8d: {  	s2 =	sadd.s32 s2, s18  }
0x8e: {  	[smem:$0x3FC7] =	sst s2  }
0x8f: {  	_ = 	snop  }
0x90: {  	s2 =	sld [smem:$0x3FC9]  }
0x91: {  	s19 =	sld [smem:$0x3FD0];
	(tm) =	ssettm $0x1  }
0x92: {  	s4 =	sld [smem:$0x3FFB];
	_ =	sdelay $0x3  }
0x93: {  	_ =	strace s4  }
0x94: {  	s4 =	sld [smem:$0x3FFC];
	_ =	sdelay $0x3  }
0x95: {  	_ =	strace s4  }
0x96: {  	s4 =	sld [smem:$0x3FFD];
	_ =	sdelay $0x3  }
0x97: {  	_ =	strace s4  }
0x98: {  	_ =	strace $0x8FFFFFFF  }
0x99: {  	s20 =	sld [smem:$0x3FDB];
	_ =	sdelay $0x1  }
0x9a: {  	s5 =	simm.s32 $_scs_section_size  }
0x9b: {  	s6 =	simm.s32 $_size__tile_overlayer_lowered;
	s7 =	simm.s32 $_tile_overlayer_lowered  }
0x9c: {  	s23 =	simm.s32 $0x1BFF;
	s22 =	sshll.u32 s7, $0x1;
	s4 =	sadd.s32 s5, s20  }
0x9d: {  	s8 =	simm.s32 $0x0;
	s21 =	sshll.u32 s6, $0x1;
	s6 =	sadd.s32 s22, s4  }
0x9e: {  	[timem:s8], [sflag:s23] =	dma.local [hbm:s6], s21  }
0x9f: {  	_ =	swait.ge [sflag:s23], s21  }
0xa0: {  	s5 =	ssub.s32 $0x0, s21;
	[sflag:s23] =	ssyncset.done $0x0  }
0xa1: {  	[sflag:s23] =	ssyncadd.s32 s5;
	_ =	sdelay $0x1  }
0xa2: {  	s24 =	simm.s32 $0x1B8B  }
0xa3: {  	_ =	swait.ge [sflag:s24], $0x1  }
0xa4: {  	[sflag:s24] =	ssyncset.done $0x0  }
0xa5: {  	s25 =	simm.s32 $0x1B8E;
	[sflag:s24] =	ssyncadd.s32 $0xFFFFFFFF  }
0xa6: {  	s26 =	simm.s32 $execute0_lowered;
	[smem:$0x3FD2] =	sst s25  }
0xa7: {  	s5 =	sshll.u32 s26, $0x1;
	_ =	strace $0x80000046;
	[dreg:$0x1] =	wrdreg $0xFFFFFFFF  }
0xa8: {  	s28 =	simm.s32 $_size_execute0_lowered;
	s4 =	sadd.s32 s4, s5;
	[dreg:$0x0] =	wrdreg $0x0  }
0xa9: {  	s5 =	sshll.u32 s28, $0x1;
	[dreg:$0x2] =	wrdreg s4  }
0xaa: {  	[dreg:$0x3] =	wrdreg s5  }
0xab: {  	[dreg:$0x4] =	wrdreg $0xC0  }
0xac: {  	_ =	task [dreg:s8], $0x5FFFF  }
0xad: {  	[dreg:$0x1] =	wrdreg $0xFFFFFFFF  }
0xae: {  	[dreg:$0x0] =	wrdreg $0x60  }
0xaf: {  	[dreg:$0x2] =	wrdreg s2  }
0xb0: {  	[dreg:$0x3] =	wrdreg s19  }
0xb1: {  	[dreg:$0x4] =	wrdreg $0x9  }
0xb2: {  	_ =	task.clear_ibuf [dreg:s8], $0x5FFFF;
	_ =	strace $0x90000046  }
0xb3: {  	s29 =	simm.s32 $0x9;
	_ =	strace $0x80000048  }
0xb4: {  	_ =	swait.ge [sflag:s29], $0x1  }
0xb5: {  	[sflag:s29] =	ssyncadd.s32 $0xFFFFFFFF  }
0xb6: {  	_ =	strace $0x90000048  }
0xb7: {  	_ =	sfence  }
0xb8: {  	s30 =	sld [smem:$0x0];
	_ =	sdelay $0x2  }
0xb9: {  	s31 =	sshll.u32 s1, $0xD;
	s1 =	sshrl.u32 s1, $0x2  }
0xba: {  	s3 =	sand.u32 $0x4000, s31;
	s1 =	sadd.s32 s1, s30  }
0xbb: {  	s0 =	sor.u32 s3, s0;
	s1 =	sshll.u32 s1, $0x11  }
0xbc: {  	s0 =	sor.u32 s1, s0  }
0xbd: {  	s0 =	sadd.s32 $0x8F2B, s0  }
0xbe: {  	[sflag:s0] =	ssyncadd.remote.s32 $0x1  }
0xbf: {  	_ =	sfence.sel $0xFFFF  }
0xc0: {  	[dreg:$0x0] =	wrdreg $0xFFFFFFFF;
	(pc) =	sbr.abs _section_cstart, $3  }
0xc1: {  	[dreg:$0x1] =	wrdreg $0xFFFFFFFF  }
0xc2: {  	_ =	task.clear_ibuf [dreg:s8], $0x2FFFF;
	_ =	strace $0x9FFFFFFF  }
0xc3: {  	(tm) =	ssettm $0x7FFFFFFF  }
tec
execute0_lowered:
.L_overlay_start_1:
0x0: {  	(tag) =	ssettag $0x1  }
0x1: {  	s1 =	rddreg [dreg:$0x0]  }
0x2: {  	s2 =	rddreg [dreg:$0x1]  }
0x3: {  	s3 =	srdreg.scid;
	s0 =	rddreg [dreg:$0x2]  }
0x4: {  	s4 =	simm.s32 $0x0;
	v0 =	vlaneseq.u32;
	s9 =	simm.s32 $0x1;
	s10 =	simm.s32 $0x10000  }
.Ltmp0:
0x5: {  	s11 =	simm.s32 $0x0;
	s5 =	sand.u32 $0x1, s3;
	v1 =	vmul.u32 $0x100, v0;
	(pc) =	sbr.rel .LBB2_1-.Ltmp0, $4  }
0x6: {  	v2 =	vimm.s32 $0x0;
	[smem:$0x7FF] =	sst s4;
	s3 =	stileid.u32;
	s6 =	ssub.s32 $0x2, s5  }
0x7: {  	v10 =	vimm.s32 $0x1;
	v11 =	vadd.s32 $0x80000001, v0;
	s8 =	sshll.u32 s3, $0xF;
	s5 =	sshll.u32 s5, $0x6;
	s7 =	sshrl.u32 s6, $0x1;
	v3 =	vor.u32 $0x7000, v1  }
0x8: {  	_ =	strace $0x80000047;
	s5 =	sor.u32 s8, s5;
	v4 =	vor.u32 $0x6000, v1;
	v5 =	vor.u32 $0x5000, v1;
	v6 =	vor.u32 $0x4000, v1;
	s6 =	ssub.s32 s6, s7  }
0x9: {  	s8 =	simm.s32 $0x400;
	v7 =	vor.u32 $0x3000, v1;
	v8 =	vor.u32 $0x2000, v1;
	v9 =	vor.u32 $0x1000, v1;
	s7 =	simm.s32 $0x80;
	s6 =	smax.u32 s6, $0x1  }
.LBB2_88:
0xa: {  	s11 =	sadd.s32 $0x1, s11  }
0xb: {  	p0 =	sne.s32 s11, s6  }
.Ltmp1:
0xc: {  	_ = 	snop;
	(pc) =	sbr.rel @!p0 .LBB2_89-.Ltmp1, $1  }
0xd: {  	_ =	sdelay $0x3  }
.LBB2_1:
.Ltmp2:
0xe: {  	(pc) =	sbr.rel .LBB2_2-.Ltmp2, $2  }
0xf: {  	_ =	sdelay $0x2  }
0x10: {  	s12 =	simm.s32 $0x0  }
.LBB2_87:
0x11: {  	s12 =	sadd.s32 $0x1, s12  }
0x12: {  	p0 =	sne.s32 s12, $0x4  }
.Ltmp3:
0x13: {  	s13 =	sadd.s32 s2, s13;
	(pc) =	sbr.rel @!p0 .LBB2_88-.Ltmp3, $4  }
0x14: {  	[hbm4b:s13+s7] =	stream.strided.scatter [tilespmem:s4], [sflag:$0x1], $0x8000, s8, s7, $0x38;
	[tilespmem:$0x18100] =	vst v63  }
0x15: {  	_ =	swait.ge [sflag:s9], $0x8000  }
0x16: {  	[sflag:s9] =	ssyncset.done $0x0  }
0x17: {  	[sflag:s9] =	ssyncadd.s32 $0xFFFF8000  }
.LBB2_2:
0x18: {  	s13 =	sshll.u32 s12, $0x4  }
0x19: {  	s13 =	sadd.s32 s5, s13  }
0x1a: {  	s14 =	sadd.s32 s1, s13  }
0x1b: {  	[tilespmem:s4], [sflag:$0x1] =	stream.strided.gather [hbm4b:s14+s7], $0x8000, s8, s7, $0x38;
	[tilespmem:$0x18100] =	vst v63  }
0x1c: {  	_ =	swait.ge [sflag:s9], $0x8000  }
0x1d: {  	[sflag:s9] =	ssyncset.done $0x0  }
0x1e: {  	s14 =	simm.s32 $0x10040;
	[sflag:s9] =	ssyncadd.s32 $0xFFFF8000  }
0x1f: {  	[tilespmem:s14+$0xFFFFFFC0] =	vst v2  }
0x20: {  	[tilespmem:s14+$0x30] =	vst v2  }
0x21: {  	[tilespmem:s14+$0x20] =	vst v2  }
0x22: {  	[tilespmem:s14+$0x10] =	vst v2  }
0x23: {  	[tilespmem:s14+$0x0] =	vst v2  }
0x24: {  	[tilespmem:s14+$0xFFFFFFF0] =	vst v2  }
0x25: {  	s17 =	simm.s32 $0x0;
	s16 =	simm.s32 $0x8040;
	[tilespmem:s14+$0xFFFFFFE0] =	vst v2  }
.LBB2_3:
0x26: {  	s17 =	sadd.s32 $0x8, s17;
	[tilespmem:s14+$0xFFFFFFD0] =	vst v2;
	s14 =	sadd.s32 $0x80, s14;
	s15 =	simm.s32 $0x40  }
0x27: {  	[tilespmem:s14+$0xFFFFFFC0] =	vst v2;
	p0 =	slt.u32 s17, $0x7F8  }
0x28: {  	[tilespmem:s14+$0x30] =	vst v2  }
.Ltmp4:
0x29: {  	[tilespmem:s14+$0x20] =	vst v2;
	(pc) =	sbr.rel @p0 .LBB2_3-.Ltmp4, $4  }
0x2a: {  	[tilespmem:s14+$0x10] =	vst v2  }
0x2b: {  	[tilespmem:s14+$0x0] =	vst v2  }
0x2c: {  	[tilespmem:s14+$0xFFFFFFF0] =	vst v2  }
0x2d: {  	[tilespmem:s14+$0xFFFFFFE0] =	vst v2  }
0x2e: {  	[tilespmem:s14+$0xFFFFFFD0] =	vst v2  }
0x2f: {  	v12 =	vld [tilespmem:s15+$0x30]  }
0x30: {  	v13 =	vld [tilespmem:s15+$0xFFFFFFD0]  }
0x31: {  	v14 =	vld [tilespmem:s15+$0xFFFFFFE0]  }
0x32: {  	v16 =	vld [tilespmem:s15+$0x0]  }
0x33: {  	v17 =	vld [tilespmem:s15+$0x10]  }
0x34: {  	v20 =	vld [tilespmem:s15+$0x20];
	_ =	sdelay $0x2  }
0x35: {  	v15 =	vld [tilespmem:s15+$0xFFFFFFF0]  }
0x36: {  	v18 =	vshra.s32 v12, $0x1F;
	v19 =	vshra.s32 v13, $0x1F;
	v22 =	vshra.s32 v14, $0x1F  }
0x37: {  	v24 =	vshra.s32 v16, $0x1F;
	v26 =	vshra.s32 v17, $0x1F;
	v27 =	vshra.s32 v20, $0x1F  }
0x38: {  	v18 =	vor.u32 $0x80000000, v18;
	v19 =	vor.u32 $0x80000000, v19;
	v24 =	vor.u32 $0x80000000, v24  }
0x39: {  	v26 =	vor.u32 $0x80000000, v26;
	v27 =	vor.u32 $0x80000000, v27;
	v18 =	vxor.u32 v12, v18  }
0x3a: {  	v21 =	vld [tilespmem:s15+$0xFFFFFFC0];
	v12 =	vor.u32 $0x80000000, v22;
	v22 =	vshra.s32 v15, $0x1F;
	v28 =	vxor.u32 v13, v19  }
0x3b: {  	v13 =	vxor.u32 v17, v26;
	v23 =	vshrl.u32 v18, $0x18;
	v22 =	vor.u32 $0x80000000, v22  }
0x3c: {  	v29 =	vxor.u32 v14, v12;
	v14 =	vxor.u32 v16, v24;
	v12 =	vxor.u32 v20, v27  }
0x3d: {  	v16 =	vshrl.u32 v13, $0x18;
	v25 =	vand.u32 $0x80, v23;
	v23 =	vand.u32 $0x7F, v23  }
0x3e: {  	v30 =	vxor.u32 v15, v22;
	v20 =	vshrl.u32 v29, $0x18;
	v25 =	vor.u32 v3, v25  }
0x3f: {  	v17 =	vshrl.u32 v14, $0x18;
	v23 =	vor.u32 v23, v25;
	v25 =	vshra.s32 v21, $0x1F  }
0x40: {  	[tilespmem:s16+$0x30] =	vst v18;
	v15 =	vshrl.u32 v12, $0x18;
	v27 =	vand.u32 $0x80, v16;
	v25 =	vor.u32 $0x80000000, v25  }
0x41: {  	[tilespmem:s16+$0xFFFFFFD0] =	vst v28;
	v18 =	vshrl.u32 v30, $0x18;
	v32 =	vand.u32 $0x80, v17;
	v25 =	vxor.u32 v21, v25  }
0x42: {  	[tilespmem:s16+$0xFFFFFFE0] =	vst v29;
	v31 =	vand.u32 $0x80, v18;
	v21 =	vshrl.u32 v28, $0x18;
	v19 =	vshrl.u32 v25, $0x18  }
0x43: {  	v28 =	vand.u32 $0x80, v15;
	[tilespmem:s16+$0xFFFFFFC0] =	vst v25;
	v25 =	vand.u32 $0x80, v20;
	v22 =	vand.u32 $0x80, v19  }
0x44: {  	v26 =	vor.u32 v8, v25;
	v25 =	vor.u32 v7, v31;
	[tilespmem:v23+s10+$0x0] =	vst.idx.add.s32.msk $0xffff, v10;
	v23 =	vand.u32 $0x80, v21  }
0x45: {  	s17 =	simm.s32 $0x0;
	s18 =	simm.s32 $0xC0;
	s15 =	simm.s32 $0x17030;
	[tilespmem:s16+$0xFFFFFFF0] =	vst v30;
	v24 =	vor.u32 v1, v22;
	v22 =	vor.u32 v9, v23;
	v23 =	vor.u32 v6, v32  }
.LBB2_5:
0x46: {  	v29 =	vld [tilespmem:s18+$0x30];
	s17 =	sadd.s32 $0x8, s17;
	v19 =	vand.u32 $0x7F, v19;
	[tilespmem:s16+$0x0] =	vst v14;
	v14 =	vor.u32 v5, v27;
	v27 =	vor.u32 v4, v28  }
0x47: {  	v21 =	vand.u32 $0x7F, v21;
	v20 =	vand.u32 $0x7F, v20;
	v18 =	vand.u32 $0x7F, v18;
	v28 =	vld [tilespmem:s18+$0xFFFFFFD0];
	p0 =	slt.u32 s17, $0x7F8;
	[tilespmem:s16+$0x10] =	vst v13  }
0x48: {  	v17 =	vand.u32 $0x7F, v17;
	v16 =	vand.u32 $0x7F, v16;
	v13 =	vld [tilespmem:s18+$0xFFFFFFE0];
	[tilespmem:s16+$0x20] =	vst v12;
	v12 =	vand.u32 $0x7F, v15  }
0x49: {  	v19 =	vor.u32 v19, v24;
	v21 =	vor.u32 v21, v22;
	v20 =	vor.u32 v20, v26;
	v15 =	vld [tilespmem:s18+$0xFFFFFFF0]  }
0x4a: {  	v18 =	vor.u32 v18, v25;
	v17 =	vor.u32 v17, v23;
	v14 =	vor.u32 v16, v14;
	v22 =	vld [tilespmem:s18+$0x0]  }
0x4b: {  	v24 =	vor.u32 v12, v27;
	v16 =	vld [tilespmem:s18+$0x10];
	v23 =	vshra.s32 v29, $0x1F  }
0x4c: {  	v12 =	vshra.s32 v28, $0x1F;
	v25 =	vld [tilespmem:s18+$0x20];
	v23 =	vor.u32 $0x80000000, v23  }
0x4d: {  	v26 =	vld [tilespmem:s18+$0xFFFFFFC0];
	v12 =	vor.u32 $0x80000000, v12;
	v27 =	vshra.s32 v13, $0x1F;
	v23 =	vxor.u32 v29, v23  }
0x4e: {  	v27 =	vor.u32 $0x80000000, v27;
	v29 =	vshra.s32 v15, $0x1F;
	v30 =	vshrl.u32 v23, $0x18;
	[tilespmem:v19+s10+$0x0] =	vst.idx.add.s32.msk $0xffff, v10  }
0x4f: {  	v19 =	vor.u32 $0x80000000, v29;
	v29 =	vshra.s32 v22, $0x1F;
	v31 =	vand.u32 $0x80, v30;
	[tilespmem:v21+s10+$0x0] =	vst.idx.add.s32.msk $0xffff, v10  }
0x50: {  	v30 =	vand.u32 $0x7F, v30;
	v21 =	vshra.s32 v16, $0x1F;
	v31 =	vor.u32 v3, v31;
	[tilespmem:v20+s10+$0x0] =	vst.idx.add.s32.msk $0xffff, v10  }
0x51: {  	v20 =	vor.u32 $0x80000000, v29;
	v29 =	vshra.s32 v25, $0x1F;
	v30 =	vor.u32 v30, v31;
	[tilespmem:v18+s10+$0x0] =	vst.idx.add.s32.msk $0xffff, v10  }
0x52: {  	v21 =	vor.u32 $0x80000000, v21;
	v18 =	vshra.s32 v26, $0x1F;
	v29 =	vor.u32 $0x80000000, v29;
	[tilespmem:v17+s10+$0x0] =	vst.idx.add.s32.msk $0xffff, v10  }
0x53: {  	v28 =	vxor.u32 v28, v12;
	v31 =	vxor.u32 v13, v27;
	v17 =	vor.u32 $0x80000000, v18;
	[tilespmem:v14+s10+$0x0] =	vst.idx.add.s32.msk $0xffff, v10  }
0x54: {  	s16 =	sadd.s32 $0x80, s16;
	v32 =	vxor.u32 v15, v19;
	v14 =	vxor.u32 v22, v20;
	v26 =	vxor.u32 v26, v17  }
0x55: {  	v13 =	vxor.u32 v16, v21;
	v12 =	vxor.u32 v25, v29;
	v19 =	vshrl.u32 v26, $0x18;
	[tilespmem:s16+$0x30] =	vst v23  }
0x56: {  	s14 =	simm.s32 $0x0;
	v21 =	vshrl.u32 v28, $0x18;
	v20 =	vshrl.u32 v31, $0x18;
	v18 =	vshrl.u32 v32, $0x18;
	[tilespmem:v30+s10+$0x0] =	vst.idx.add.s32.msk $0xffff, v10  }
.Ltmp5:
0x57: {  	v16 =	vshrl.u32 v13, $0x18;
	v17 =	vshrl.u32 v14, $0x18;
	v15 =	vshrl.u32 v12, $0x18;
	[tilespmem:v24+s10+$0x0] =	vst.idx.add.s32.msk $0xffff, v10;
	(pc) =	sbr.rel @p0 .LBB2_5-.Ltmp5, $4  }
0x58: {  	v25 =	vand.u32 $0x80, v20;
	v23 =	vand.u32 $0x80, v21;
	v22 =	vand.u32 $0x80, v19;
	[tilespmem:s16+$0xFFFFFFC0] =	vst v26  }
0x59: {  	v29 =	vand.u32 $0x80, v18;
	v27 =	vand.u32 $0x80, v16;
	v30 =	vand.u32 $0x80, v17;
	[tilespmem:s16+$0xFFFFFFD0] =	vst v28  }
0x5a: {  	v24 =	vor.u32 v1, v22;
	v22 =	vor.u32 v9, v23;
	v28 =	vand.u32 $0x80, v15;
	[tilespmem:s16+$0xFFFFFFE0] =	vst v31  }
0x5b: {  	s18 =	sadd.s32 $0x80, s18;
	v23 =	vor.u32 v6, v30;
	v26 =	vor.u32 v8, v25;
	v25 =	vor.u32 v7, v29;
	[tilespmem:s16+$0xFFFFFFF0] =	vst v32  }
0x5c: {  	v19 =	vand.u32 $0x7F, v19  }
0x5d: {  	v21 =	vand.u32 $0x7F, v21;
	v19 =	vor.u32 v19, v24  }
0x5e: {  	v20 =	vand.u32 $0x7F, v20;
	v21 =	vor.u32 v21, v22  }
0x5f: {  	[tilespmem:s16+$0x0] =	vst v14;
	v14 =	vand.u32 $0x7F, v18;
	v18 =	vor.u32 v20, v26  }
0x60: {  	[tilespmem:s16+$0x10] =	vst v13;
	v13 =	vand.u32 $0x7F, v17;
	v14 =	vor.u32 v14, v25  }
0x61: {  	v17 =	vor.u32 v5, v27;
	v16 =	vand.u32 $0x7F, v16;
	[tilespmem:s16+$0x20] =	vst v12;
	v12 =	vor.u32 v13, v23  }
0x62: {  	v15 =	vand.u32 $0x7F, v15;
	v13 =	vor.u32 v4, v28;
	v16 =	vor.u32 v16, v17;
	[tilespmem:v19+s10+$0x0] =	vst.idx.add.s32.msk $0xffff, v10  }
0x63: {  	v13 =	vor.u32 v15, v13;
	[tilespmem:v21+s10+$0x0] =	vst.idx.add.s32.msk $0xffff, v10  }
0x64: {  	[tilespmem:v18+s10+$0x0] =	vst.idx.add.s32.msk $0xffff, v10  }
0x65: {  	[tilespmem:v14+s10+$0x0] =	vst.idx.add.s32.msk $0xffff, v10  }
0x66: {  	[tilespmem:v12+s10+$0x0] =	vst.idx.add.s32.msk $0xffff, v10  }
0x67: {  	[tilespmem:v16+s10+$0x0] =	vst.idx.add.s32.msk $0xffff, v10  }
0x68: {  	[tilespmem:v13+s10+$0x0] =	vst.idx.add.s32.msk $0xffff, v10  }
0x69: {  	s31 =	sand.u32 $0xFC0, s14;
	v12 =	vld [tilespmem:s15+$0xFFFF8FD0]  }
0x6a: {  	v13 =	vld [tilespmem:s31+$0x11000]  }
0x6b: {  	v14 =	vld [tilespmem:s31+$0x12000]  }
0x6c: {  	v15 =	vld [tilespmem:s31+$0x13000]  }
0x6d: {  	v16 =	vld [tilespmem:s31+$0x14000]  }
0x6e: {  	v17 =	vld [tilespmem:s31+$0x15000]  }
0x6f: {  	v18 =	vld [tilespmem:s31+$0x16000]  }
0x70: {  	v19 =	vld [tilespmem:s31+$0x17000]  }
0x71: {  	v20 =	vld [tilespmem:s15+$0xFFFF8FE0]  }
0x72: {  	v21 =	vld [tilespmem:s15+$0xFFFF9FE0]  }
0x73: {  	v56 =	vld [tilespmem:s15+$0xFFFF8FF0]  }
0x74: {  	v57 =	vld [tilespmem:s15+$0xFFFF9FF0]  }
0x75: {  	v58 =	vld [tilespmem:s15+$0xFFFF9000]  }
0x76: {  	v59 =	vld [tilespmem:s15+$0xFFFFA000]  }
0x77: {  	v60 =	vld [tilespmem:s15+$0xFFFFAFE0]  }
0x78: {  	v61 =	vld [tilespmem:s15+$0xFFFFAFF0]  }
0x79: {  	v62 =	vld [tilespmem:s15+$0xFFFFB000]  }
0x7a: {  	v29 =	vld [tilespmem:s15+$0xFFFFBFE0]  }
0x7b: {  	v30 =	vld [tilespmem:s15+$0xFFFFBFF0]  }
0x7c: {  	v31 =	vld [tilespmem:s15+$0xFFFFC000]  }
0x7d: {  	v32 =	vld [tilespmem:s15+$0xFFFFCFE0];
	v12 =	vadd.s32 v12, v13  }
0x7e: {  	v33 =	vld [tilespmem:s15+$0xFFFFCFF0];
	v12 =	vadd.s32 v14, v12  }
0x7f: {  	v12 =	vadd.s32 v15, v12;
	v15 =	vld [tilespmem:s15+$0xFFFFD000]  }
0x80: {  	v12 =	vadd.s32 v16, v12;
	v16 =	vld [tilespmem:s15+$0xFFFFDFE0]  }
0x81: {  	v12 =	vadd.s32 v17, v12;
	v17 =	vld [tilespmem:s15+$0xFFFFDFF0]  }
0x82: {  	v12 =	vadd.s32 v18, v12;
	v18 =	vld [tilespmem:s15+$0xFFFFE000]  }
0x83: {  	v19 =	vadd.s32 v19, v12;
	v12 =	vadd.s32 v20, v21;
	v20 =	vld [tilespmem:s15+$0xFFFFEFE0]  }
0x84: {  	v13 =	vadd.s32 v56, v57;
	v14 =	vadd.s32 v58, v59;
	v21 =	vadd.s32 v60, v12;
	v12 =	vld [tilespmem:s15+$0xFFFFEFF0]  }
0x85: {  	v22 =	vadd.s32 v61, v13;
	v13 =	vld [tilespmem:s15+$0xFFFFF000];
	v14 =	vadd.s32 v62, v14;
	v21 =	vadd.s32 v29, v21  }
0x86: {  	v22 =	vadd.s32 v30, v22;
	v63 =	vadd.s32 v31, v14;
	v14 =	vld [tilespmem:s15+$0xFFFFFFE0];
	v21 =	vadd.s32 v32, v21  }
0x87: {  	v22 =	vadd.s32 v33, v22;
	v23 =	vadd.s32 v15, v63;
	v15 =	vld [tilespmem:s15+$0xFFFFFFF0];
	v16 =	vadd.s32 v16, v21  }
0x88: {  	s16 =	simm.s32 $0x0;
	s17 =	simm.s32 $0x40;
	s18 =	simm.s32 $0x17070;
	[tilespmem:s15+$0xFFFF8FD0] =	vst v19;
	v19 =	vadd.s32 v17, v22;
	v17 =	vadd.s32 v18, v23;
	v18 =	vadd.s32 v20, v16;
	v16 =	vld [tilespmem:s15+$0x0]  }
.LBB2_7:
0x89: {  	v20 =	vld [tilespmem:s18+$0xFFFF8FD0];
	s19 =	sand.u32 $0xFC0, s17;
	s16 =	sadd.s32 $0x4, s16;
	v12 =	vadd.s32 v12, v19  }
0x8a: {  	v19 =	vld [tilespmem:s19+$0x11000];
	p0 =	slt.u32 s16, $0xFC;
	v13 =	vadd.s32 v13, v17  }
0x8b: {  	v17 =	vld [tilespmem:s19+$0x12000];
	v14 =	vadd.s32 v14, v18  }
0x8c: {  	v18 =	vld [tilespmem:s19+$0x13000];
	[tilespmem:s15+$0xFFFF8FE0] =	vst v14;
	v12 =	vadd.s32 v15, v12  }
0x8d: {  	v14 =	vld [tilespmem:s19+$0x14000];
	[tilespmem:s15+$0xFFFF8FF0] =	vst v12;
	v12 =	vadd.s32 v16, v13  }
0x8e: {  	v13 =	vld [tilespmem:s19+$0x15000];
	[tilespmem:s15+$0xFFFF9000] =	vst v12;
	s15 =	smov.u32 s18  }
0x8f: {  	v12 =	vadd.s32 v20, v19;
	v15 =	vld [tilespmem:s19+$0x16000]  }
0x90: {  	v12 =	vadd.s32 v17, v12;
	v16 =	vld [tilespmem:s19+$0x17000]  }
0x91: {  	v12 =	vadd.s32 v18, v12;
	v17 =	vld [tilespmem:s18+$0xFFFF8FE0]  }
0x92: {  	v12 =	vadd.s32 v14, v12;
	v14 =	vld [tilespmem:s18+$0xFFFF9FE0]  }
0x93: {  	v12 =	vadd.s32 v13, v12;
	v13 =	vld [tilespmem:s18+$0xFFFF8FF0]  }
0x94: {  	v12 =	vadd.s32 v15, v12;
	v15 =	vld [tilespmem:s18+$0xFFFF9FF0]  }
0x95: {  	v12 =	vadd.s32 v16, v12;
	v16 =	vld [tilespmem:s18+$0xFFFF9000]  }
0x96: {  	[tilespmem:s18+$0xFFFF8FD0] =	vst v12;
	v12 =	vld [tilespmem:s18+$0xFFFFA000]  }
0x97: {  	v14 =	vadd.s32 v17, v14;
	v17 =	vld [tilespmem:s18+$0xFFFFAFE0]  }
0x98: {  	v18 =	vld [tilespmem:s18+$0xFFFFAFF0]  }
0x99: {  	v13 =	vadd.s32 v13, v15;
	v15 =	vld [tilespmem:s18+$0xFFFFB000]  }
0x9a: {  	v19 =	vld [tilespmem:s18+$0xFFFFBFE0]  }
0x9b: {  	v20 =	vld [tilespmem:s18+$0xFFFFBFF0];
	v12 =	vadd.s32 v16, v12  }
0x9c: {  	v14 =	vadd.s32 v17, v14;
	v16 =	vld [tilespmem:s18+$0xFFFFC000]  }
0x9d: {  	v17 =	vld [tilespmem:s18+$0xFFFFCFE0];
	v13 =	vadd.s32 v18, v13  }
0x9e: {  	v18 =	vld [tilespmem:s18+$0xFFFFCFF0];
	v12 =	vadd.s32 v15, v12  }
0x9f: {  	v14 =	vadd.s32 v19, v14;
	v15 =	vld [tilespmem:s18+$0xFFFFD000]  }
0xa0: {  	v19 =	vld [tilespmem:s18+$0xFFFFDFE0];
	v13 =	vadd.s32 v20, v13  }
0xa1: {  	v20 =	vld [tilespmem:s18+$0xFFFFDFF0];
	v16 =	vadd.s32 v16, v12  }
0xa2: {  	v14 =	vadd.s32 v17, v14;
	v17 =	vld [tilespmem:s18+$0xFFFFE000]  }
0xa3: {  	v21 =	vld [tilespmem:s18+$0xFFFFEFE0];
	v18 =	vadd.s32 v18, v13  }
.Ltmp6:
0xa4: {  	v12 =	vld [tilespmem:s18+$0xFFFFEFF0];
	v16 =	vadd.s32 v15, v16;
	(pc) =	sbr.rel @p0 .LBB2_7-.Ltmp6, $4  }
0xa5: {  	v22 =	vadd.s32 v19, v14;
	v13 =	vld [tilespmem:s18+$0xFFFFF000]  }
0xa6: {  	v14 =	vld [tilespmem:s18+$0xFFFFFFE0];
	v19 =	vadd.s32 v20, v18  }
0xa7: {  	v15 =	vld [tilespmem:s18+$0xFFFFFFF0];
	v17 =	vadd.s32 v17, v16  }
0xa8: {  	s17 =	sadd.s32 $0x40, s17;
	s18 =	sadd.s32 $0x40, s18;
	v18 =	vadd.s32 v21, v22;
	v16 =	vld [tilespmem:s15+$0x0]  }
0xa9: {  	_ =	sdelay $0x1  }
0xaa: {  	v12 =	vadd.s32 v12, v19;
	v14 =	vadd.s32 v14, v18  }
0xab: {  	v13 =	vadd.s32 v13, v17;
	[tilespmem:s15+$0xFFFF8FE0] =	vst v14;
	v12 =	vadd.s32 v15, v12  }
0xac: {  	[tilespmem:s15+$0xFFFF8FF0] =	vst v12;
	v12 =	vadd.s32 v16, v13  }
0xad: {  	s17 =	simm.s32 $0x0;
	[tilespmem:s15+$0xFFFF9000] =	vst v12  }
0xae: {  	v12 =	vld [tilespmem:s17+$0x100F0]  }
0xaf: {  	v13 =	vld [tilespmem:s17+$0x101F0]  }
0xb0: {  	v14 =	vld [tilespmem:s17+$0x102F0]  }
0xb1: {  	v15 =	vld [tilespmem:s17+$0x103F0]  }
0xb2: {  	v16 =	vld [tilespmem:s17+$0x104F0]  }
0xb3: {  	v17 =	vld [tilespmem:s17+$0x105F0]  }
0xb4: {  	v18 =	vld [tilespmem:s17+$0x106F0];
	v12 =	vadd.s32 v12, v13  }
0xb5: {  	v19 =	vld [tilespmem:s17+$0x107F0];
	v12 =	vadd.s32 v14, v12  }
0xb6: {  	v13 =	vld [tilespmem:s17+$0x108F0];
	v12 =	vadd.s32 v15, v12  }
0xb7: {  	v14 =	vld [tilespmem:s17+$0x109F0];
	v12 =	vadd.s32 v16, v12  }
0xb8: {  	v15 =	vld [tilespmem:s17+$0x10AF0];
	v12 =	vadd.s32 v17, v12  }
0xb9: {  	v16 =	vld [tilespmem:s17+$0x10BF0];
	v12 =	vadd.s32 v18, v12  }
0xba: {  	v17 =	vld [tilespmem:s17+$0x10CF0];
	v12 =	vadd.s32 v19, v12  }
0xbb: {  	v18 =	vld [tilespmem:s17+$0x10DF0];
	v12 =	vadd.s32 v13, v12  }
0xbc: {  	v19 =	vld [tilespmem:s17+$0x10EF0];
	v12 =	vadd.s32 v14, v12  }
0xbd: {  	s15 =	simm.s32 $0xFFFFFFF0;
	v13 =	vld [tilespmem:s17+$0x10FF0];
	v12 =	vadd.s32 v15, v12  }
0xbe: {  	v14 =	vld [tilespmem:s15+$0x100F0];
	v12 =	vadd.s32 v16, v12  }
0xbf: {  	v15 =	vld [tilespmem:s15+$0x101F0];
	v12 =	vadd.s32 v17, v12  }
0xc0: {  	v16 =	vld [tilespmem:s15+$0x102F0];
	v12 =	vadd.s32 v18, v12  }
0xc1: {  	v17 =	vld [tilespmem:s15+$0x103F0];
	v12 =	vadd.s32 v19, v12  }
0xc2: {  	v18 =	vld [tilespmem:s15+$0x104F0];
	v20 =	vadd.s32 v13, v12  }
0xc3: {  	v19 =	vld [tilespmem:s15+$0x105F0];
	(xrf0) =	vadd.scan.msk.s32 $0xffff, v20  }
0xc4: {  	v12 =	vld [tilespmem:s15+$0x106F0];
	v13 =	vadd.s32 v14, v15  }
0xc5: {  	v14 =	vld [tilespmem:s15+$0x107F0];
	v13 =	vadd.s32 v16, v13  }
0xc6: {  	v15 =	vld [tilespmem:s15+$0x108F0];
	v13 =	vadd.s32 v17, v13  }
0xc7: {  	v16 =	vld [tilespmem:s15+$0x109F0];
	v13 =	vadd.s32 v18, v13  }
0xc8: {  	v17 =	vld [tilespmem:s15+$0x10AF0];
	v13 =	vadd.s32 v19, v13  }
0xc9: {  	v18 =	vld [tilespmem:s15+$0x10BF0];
	v13 =	vadd.s32 v12, v13;
	v19, _, _ =	vpop (xrf0)  }
0xca: {  	v12 =	vld [tilespmem:s15+$0x10CF0];
	v14 =	vadd.s32 v14, v13;
	(v2sf) =	vpush v19, $0xF  }
0xcb: {  	v20 =	vadd.s32 s14, v20;
	v13 =	vld [tilespmem:s15+$0x10DF0];
	v15 =	vadd.s32 v15, v14;
	v21 =	vbroadcast v19, $0xF  }
0xcc: {  	v14 =	vld [tilespmem:s15+$0x10EF0];
	v15 =	vadd.s32 v16, v15;
	v20 =	vsub.s32 v20, v19  }
0xcd: {  	s16 =	simm.s32 $0xFFFFFFE0;
	v16 =	vld [tilespmem:s15+$0x10FF0];
	v17 =	vadd.s32 v17, v15;
	v20 =	vadd.s32 v21, v20  }
0xce: {  	s18 =	simm.s32 $0xFFFFFF40;
	v15 =	vld [tilespmem:s16+$0x100F0];
	v17 =	vadd.s32 v18, v17;
	[tilespmem:s17+$0x180F0] =	vst v20  }
.LBB2_9:
0xcf: {  	p0 =	sne.s32 s18, $0xFFFFFC40;
	v18 =	vld [tilespmem:s16+$0x101F0];
	v12 =	vadd.s32 v12, v17  }
0xd0: {  	v17 =	vld [tilespmem:s16+$0x102F0];
	v12 =	vadd.s32 v13, v12  }
0xd1: {  	v13 =	vld [tilespmem:s16+$0x103F0];
	v12 =	vadd.s32 v14, v12  }
0xd2: {  	v14 =	vld [tilespmem:s16+$0x104F0];
	v16 =	vadd.s32 v16, v12  }
0xd3: {  	v12 =	vld [tilespmem:s16+$0x105F0];
	(xrf0) =	vadd.scan.msk.s32 $0xffff, v16  }
0xd4: {  	v15 =	vadd.s32 v15, v18;
	v18 =	vld [tilespmem:s16+$0x106F0]  }
0xd5: {  	v15 =	vadd.s32 v17, v15;
	v17 =	vld [tilespmem:s16+$0x107F0]  }
0xd6: {  	v13 =	vadd.s32 v13, v15;
	v15 =	vld [tilespmem:s16+$0x108F0]  }
0xd7: {  	v13 =	vadd.s32 v14, v13;
	v14 =	vld [tilespmem:s16+$0x109F0]  }
0xd8: {  	v12 =	vadd.s32 v12, v13;
	v19 =	vld [tilespmem:s16+$0x10AF0]  }
0xd9: {  	v12 =	vadd.s32 v18, v12;
	v18 =	vld [tilespmem:s16+$0x10BF0];
	v20, _, _ =	vpop (xrf0);
	s17 =	spop (v2sf)  }
.Ltmp7:
0xda: {  	v13 =	vadd.s32 v17, v12;
	v12 =	vld [tilespmem:s16+$0x10CF0];
	v17 =	vbroadcast v20, $0xF;
	(v2sf) =	vpush v20, $0xF;
	s14 =	sadd.s32 s14, s17;
	(pc) =	sbr.rel @p0 .LBB2_9-.Ltmp7, $4  }
0xdb: {  	v15 =	vadd.s32 v15, v13;
	v13 =	vld [tilespmem:s16+$0x10DF0];
	v16 =	vadd.s32 s14, v16  }
0xdc: {  	v15 =	vadd.s32 v14, v15;
	v14 =	vld [tilespmem:s16+$0x10EF0];
	v20 =	vsub.s32 v16, v20  }
0xdd: {  	s17 =	sshra.s32 s18, $0x2;
	v19 =	vadd.s32 v19, v15;
	v16 =	vld [tilespmem:s16+$0x10FF0];
	v20 =	vadd.s32 v17, v20  }
0xde: {  	s18 =	sadd.s32 $0xFFFFFFC0, s18;
	v15 =	vld [tilespmem:s17+$0x100F0];
	v17 =	vadd.s32 v18, v19;
	[tilespmem:s15+$0x180F0] =	vst v20;
	s15 =	smov.u32 s16;
	s16 =	smov.u32 s17  }
0xdf: {  	v12 =	vadd.s32 v12, v17  }
0xe0: {  	v55 =	vld [tilespmem:s16+$0x101F0];
	v12 =	vadd.s32 v13, v12  }
0xe1: {  	v13 =	vld [tilespmem:s16+$0x102F0];
	v12 =	vadd.s32 v14, v12  }
0xe2: {  	v14 =	vld [tilespmem:s16+$0x103F0];
	v12 =	vadd.s32 v16, v12  }
0xe3: {  	v56 =	vld [tilespmem:s16+$0x104F0];
	(xrf0) =	vadd.scan.msk.s32 $0xffff, v12  }
0xe4: {  	v18 =	vld [tilespmem:s16+$0x105F0]  }
0xe5: {  	v57 =	vld [tilespmem:s16+$0x106F0];
	v15 =	vadd.s32 v15, v55  }
0xe6: {  	v13 =	vadd.s32 v13, v15;
	v15 =	vld [tilespmem:s16+$0x107F0]  }
0xe7: {  	v13 =	vadd.s32 v14, v13;
	v14 =	vld [tilespmem:s16+$0x108F0]  }
0xe8: {  	v58 =	vld [tilespmem:s16+$0x109F0];
	v13 =	vadd.s32 v56, v13  }
0xe9: {  	v59 =	vld [tilespmem:s16+$0x10AF0];
	v13 =	vadd.s32 v18, v13;
	v19, _, _ =	vpop (xrf0)  }
0xea: {  	v60 =	vld [tilespmem:s16+$0x10BF0];
	v13 =	vadd.s32 v57, v13;
	(v2sf) =	vpush v19, $0xF  }
0xeb: {  	v13 =	vadd.s32 v15, v13;
	v15 =	vld [tilespmem:s16+$0x10CF0]  }
0xec: {  	v13 =	vadd.s32 v14, v13;
	v14 =	vld [tilespmem:s16+$0x10DF0]  }
0xed: {  	v61 =	vld [tilespmem:s16+$0x10EF0];
	v13 =	vadd.s32 v58, v13  }
0xee: {  	v62 =	vld [tilespmem:s16+$0x10FF0];
	v13 =	vadd.s32 v59, v13  }
0xef: {  	v13 =	vadd.s32 v60, v13  }
0xf0: {  	v13 =	vadd.s32 v15, v13  }
0xf1: {  	v13 =	vadd.s32 v14, v13  }
0xf2: {  	v13 =	vadd.s32 v61, v13  }
0xf3: {  	v13 =	vadd.s32 v62, v13  }
0xf4: {  	(xrf0) =	vadd.scan.msk.s32 $0xffff, v13;
	_ =	sdelay $0x3  }
0xf5: {  	s17 =	spop (v2sf)  }
0xf6: {  	s14 =	sadd.s32 s14, s17;
	s20 =	spop (v2sf)  }
0xf7: {  	v12 =	vadd.s32 s14, v12;
	v14 =	vbroadcast v19, $0xF;
	v15, _, _ =	vpop (xrf0);
	s14 =	sadd.s32 s14, s20  }
0xf8: {  	v12 =	vsub.s32 v12, v19;
	v63 =	vbroadcast v15, $0xF;
	v13 =	vadd.s32 s14, v13  }
0xf9: {  	v12 =	vadd.s32 v14, v12;
	v13 =	vsub.s32 v13, v15  }
0xfa: {  	[tilespmem:s15+$0x180F0] =	vst v12;
	v12 =	vadd.s32 v63, v13  }
0xfb: {  	s21 =	simm.s32 $0x18000;
	[tilespmem:s16+$0x180F0] =	vst v12  }
0xfc: {  	v12 =	vld [tilespmem:s21+$0x0];
	_ =	sdelay $0x3  }
0xfd: {  	s14 =	simm.s32 $0x0  }
0xfe: {  	vm0 =	vgt.s32 v12, $0x3F;
	v12 =	vadd.s32 s14, v11  }
0xff: {  	v12 =	vnsel vm0, $0x80000000, v12  }
0x100: {  	(xrf0) =	vmax.scan.msk.u32 $0xffff, v12;
	_ =	sdelay $0x4  }
0x101: {  	s22 =	simm.s32 $0x18010  }
0x102: {  	s23 =	simm.s32 $0x18020;
	(v2sf) =	vpush v15, $0xF;
	v13 =	vld [tilespmem:s22+$0x0];
	v12, _, _ =	vpop (xrf0)  }
0x103: {  	(v2sf) =	vpush v12, $0xF;
	v12 =	vld [tilespmem:s23+$0x0];
	_ =	sdelay $0x2  }
0x104: {  	s24 =	simm.s32 $0x10  }
0x105: {  	s25 =	simm.s32 $0x20;
	vm0 =	vgt.s32 v13, $0x3F;
	v13 =	vadd.s32 s24, v11  }
0x106: {  	v13 =	vnsel vm0, $0x80000000, v13;
	vm0 =	vgt.s32 v12, $0x3F;
	v12 =	vadd.s32 s25, v11  }
0x107: {  	(xrf0) =	vmax.scan.msk.u32 $0xffff, v13;
	v12 =	vnsel vm0, $0x80000000, v12  }
0x108: {  	(xrf0) =	vmax.scan.msk.u32 $0xffff, v12;
	_ =	sdelay $0x3  }
0x109: {  	s26 =	simm.s32 $0x18030  }
0x10a: {  	v13 =	vld [tilespmem:s26+$0x0];
	v14, _, _ =	vpop (xrf0)  }
0x10b: {  	(v2sf) =	vpush v14, $0xF;
	v14, _, _ =	vpop (xrf0)  }
0x10c: {  	s30 =	spop (v2sf);
	(v2sf) =	vpush v14, $0xF;
	_ =	sdelay $0x1  }
0x10d: {  	s28 =	simm.s32 $0x18040;
	s29 =	simm.s32 $0x30  }
0x10e: {  	vm0 =	vgt.s32 v13, $0x3F;
	v13 =	vadd.s32 s29, v11;
	v12 =	vld [tilespmem:s28+$0x0]  }
0x10f: {  	v13 =	vnsel vm0, $0x80000000, v13  }
0x110: {  	(xrf0) =	vmax.scan.msk.u32 $0xffff, v13;
	_ =	sdelay $0x1  }
0x111: {  	s31 =	simm.s32 $0x40  }
0x112: {  	s15 =	simm.s32 $0x50;
	s16 =	simm.s32 $0x18050;
	vm0 =	vgt.s32 v12, $0x3F;
	v12 =	vadd.s32 s31, v11;
	s17 =	spop (v2sf)  }
.LBB2_11:
0x113: {  	s18 =	smov.u32 s14;
	p0 =	sne.s32 s15, $0xF0  }
0x114: {  	v14 =	vnsel vm0, $0x80000000, v12;
	s14 =	sxor.u32 $0x80000000, s17;
	s17 =	smov.u32 s15;
	s15 =	sadd.s32 $0x10, s15;
	v13 =	vld [tilespmem:s16+$0x0]  }
.Ltmp8:
0x115: {  	p1 =	sgt.s32 s18, s14;
	(xrf0) =	vmax.scan.msk.u32 $0xffff, v14;
	v12, _, _ =	vpop (xrf0);
	(pc) =	sbr.rel @p0 .LBB2_11-.Ltmp8, $2  }
0x116: {  	s14 =	smov.u32 @p1 s18;
	(v2sf) =	vpush v12, $0xF;
	_ =	sdelay $0x2  }
0x117: {  	s16 =	sadd.s32 $0x10, s16;
	v12 =	vadd.s32 s17, v11;
	vm0 =	vgt.s32 v13, $0x3F;
	s17 =	spop (v2sf)  }
0x118: {  	v12 =	vnsel vm0, $0x80000000, v12  }
0x119: {  	(xrf0) =	vmax.scan.msk.u32 $0xffff, v12;
	_ =	sdelay $0x3  }
0x11a: {  	v12, _, _ =	vpop (xrf0)  }
0x11b: {  	(v2sf) =	vpush v12, $0xF  }
0x11c: {  	v12, _, _ =	vpop (xrf0)  }
0x11d: {  	(v2sf) =	vpush v12, $0xF;
	_ =	sdelay $0x7  }
0x11e: {  	s15 =	sxor.u32 $0x80000000, s17  }
0x11f: {  	s16 =	spop (v2sf);
	p0 =	sgt.s32 s14, s15  }
0x120: {  	s15 =	smov.u32 @p0 s14;
	s14 =	sxor.u32 $0x80000000, s16  }
0x121: {  	p0 =	sgt.s32 s15, s14;
	s28 =	spop (v2sf)  }
0x122: {  	s14 =	smov.u32 @p0 s15;
	s15 =	sxor.u32 $0x80000000, s28  }
0x123: {  	p0 =	sgt.s32 s14, s15;
	s29 =	spop (v2sf)  }
0x124: {  	s30 =	simm.s32 $0x18000;
	s15 =	smov.u32 @p0 s14;
	s14 =	sxor.u32 $0x80000000, s29  }
0x125: {  	p4 =	por $0x0, $0x0;
	v13 =	vld [tilespmem:s30+$0x0];
	p0 =	sgt.s32 s15, s14;
	s31 =	spop (v2sf)  }
.Ltmp9:
0x126: {  	s14 =	smov.u32 @p0 s15;
	s15 =	sxor.u32 $0x80000000, s31;
	(pc) =	sbr.rel @p4 .LBB2_13-.Ltmp9, $4  }
0x127: {  	p0 =	sgt.s32 s14, s15  }
0x128: {  	s16 =	simm.s32 $0x0;
	s15 =	smov.u32 @p0 s14  }
0x129: {  	s17 =	simm.s32 $0x18010;
	p1 =	por $0x0, $0x0;
	p2 =	por $0x0, $0x0;
	v14 =	vor.u32 s16, v0;
	v12 =	vmov s15  }
0x12a: {  	p3 =	por $0x0, $0x0;
	v13 =	vxor.u32 $0x80000000, v13;
	s14 =	simm.s32 $0x10;
	p0 =	por $0x0, $0x0;
	vm0 =	veq.s32 v14, v12  }
0x12b: {  	v14 =	vld [tilespmem:s17+$0x0];
	p4 =	por $0x0, $0x0  }
.Ltmp10:
0x12c: {  	_ = 	snop;
	(pc) =	sbr.rel @p4 .LBB2_15-.Ltmp10, $3  }
0x12d: {  	_ =	sdelay $0x1  }
0x12e: {  	v13 =	vnsel vm0, $0x80000000, v13;
	v15 =	vor.u32 s14, v0  }
0x12f: {  	s14 =	simm.s32 $0x20;
	s17 =	simm.s32 $0x18020;
	p0 =	por $0x1, $0x1;
	(xrf0) =	vmax.scan.msk.u32 $0xffff, v13;
	vm0 =	veq.s32 v15, v12;
	v13 =	vxor.u32 $0x80000000, v14  }
0x130: {  	_ = 	snop  }
0x131: {  	v14 =	vld [tilespmem:s17+$0x0];
	p4 =	por $0x0, $0x0  }
.Ltmp11:
0x132: {  	_ = 	snop;
	(pc) =	sbr.rel @p4 .LBB2_17-.Ltmp11, $3  }
0x133: {  	_ =	sdelay $0x1  }
0x134: {  	v13 =	vnsel vm0, $0x80000000, v13;
	v16 =	vor.u32 s14, v0;
	v15, _, _ =	vpop (xrf0)  }
0x135: {  	s14 =	simm.s32 $0x30;
	s17 =	simm.s32 $0x18030;
	p1 =	por $0x1, $0x1;
	vm0 =	veq.s32 v16, v12;
	(xrf0) =	vmax.scan.msk.u32 $0xffff, v13;
	v13 =	vxor.u32 $0x80000000, v14;
	(v2sf) =	vpush v15, $0xF  }
0x136: {  	_ =	sdelay $0x4  }
0x137: {  	v15, _, _ =	vpop (xrf0)  }
0x138: {  	(v2sf) =	vpush v15, $0xF;
	_ =	sdelay $0x2  }
0x139: {  	v14 =	vld [tilespmem:s17+$0x0];
	p4 =	por $0x0, $0x0  }
.Ltmp12:
0x13a: {  	_ = 	snop;
	(pc) =	sbr.rel @p4 .LBB2_19-.Ltmp12, $3  }
0x13b: {  	_ =	sdelay $0x1  }
0x13c: {  	v13 =	vnsel vm0, $0x80000000, v13;
	v16 =	vor.u32 s14, v0  }
0x13d: {  	s14 =	simm.s32 $0x40;
	s17 =	simm.s32 $0x18040;
	p2 =	por $0x1, $0x1;
	vm0 =	veq.s32 v16, v12;
	(xrf0) =	vmax.scan.msk.u32 $0xffff, v13;
	v13 =	vxor.u32 $0x80000000, v14  }
0x13e: {  	_ =	sdelay $0x4  }
0x13f: {  	v15, _, _ =	vpop (xrf0)  }
0x140: {  	(v2sf) =	vpush v15, $0xF;
	_ =	sdelay $0x2  }
0x141: {  	v14 =	vld [tilespmem:s17+$0x0];
	p4 =	por $0x0, $0x0  }
.Ltmp13:
0x142: {  	v13 =	vnsel vm0, $0x80000000, v13;
	(pc) =	sbr.rel @p4 .LBB2_21-.Ltmp13, $3  }
0x143: {  	(xrf0) =	vmax.scan.msk.u32 $0xffff, v13;
	_ =	sdelay $0x1  }
0x144: {  	s18 =	simm.s32 $0x50;
	v16 =	vor.u32 s14, v0;
	s19 =	simm.s32 $0x18050  }
0x145: {  	s17 =	spop (v2sf);
	p3 =	por $0x1, $0x1;
	s14 =	simm.s32 $0x0;
	vm0 =	veq.s32 v16, v12;
	v13 =	vxor.u32 $0x80000000, v14  }
.LBB2_22:
0x146: {  	s20 =	smov.u32 s14;
	p4 =	seq.s32 s18, $0xF0  }
0x147: {  	v15 =	vnsel vm0, $0x80000000, v13;
	s14 =	sxor.u32 $0x80000000, s17;
	s17 =	smov.u32 s18;
	s18 =	sadd.s32 $0x10, s18;
	v14 =	vld [tilespmem:s19+$0x0]  }
.Ltmp14:
0x148: {  	p5 =	sgt.s32 s20, s14;
	(xrf0) =	vmax.scan.msk.u32 $0xffff, v15;
	v13, _, _ =	vpop (xrf0);
	(pc) =	sbr.rel @!p4 .LBB2_22-.Ltmp14, $3  }
0x149: {  	s14 =	smov.u32 @p5 s20;
	(v2sf) =	vpush v13, $0xF;
	_ =	sdelay $0x1  }
0x14a: {  	v13 =	vor.u32 s17, v0  }
0x14b: {  	s19 =	sadd.s32 $0x10, s19;
	vm0 =	veq.s32 v13, v12;
	v13 =	vxor.u32 $0x80000000, v14;
	s17 =	spop (v2sf)  }
0x14c: {  	_ = 	snop  }
.LBB2_24:
0x14d: {  	v12 =	vnsel vm0, $0x80000000, v13;
	_ =	sdelay $0x1  }
0x14e: {  	(xrf0) =	vmax.scan.msk.u32 $0xffff, v12  }
0x14f: {  	v12, _, _ =	vpop @p0 (xrf0)  }
0x150: {  	(v2sf) =	vpush @p0 v12, $0xF;
	_ =	sdelay $0x3  }
0x151: {  	v63, _, _ =	vpop (xrf0)  }
0x152: {  	s17 =	sxor.u32 @p3 $0x80000000, s17;
	(v2sf) =	vpush v63, $0xF  }
0x153: {  	p4 =	sgt.s32 @p3 s14, s17  }
0x154: {  	s18 =	spop @p2 (v2sf);
	p4 =	por !p4, !p3  }
0x155: {  	s14 =	smov.u32 @p4 s17;
	s17 =	smov.u32 @p2 s18;
	s18 =	simm.s32 $0x0  }
0x156: {  	s18 =	smov.u32 @p3 s14;
	s14 =	sxor.u32 @p2 $0x80000000, s17  }
0x157: {  	p3 =	sgt.s32 @p2 s18, s14  }
0x158: {  	p3 =	por !p3, !p2;
	s17 =	spop @p1 (v2sf)  }
0x159: {  	s18 =	smov.u32 @p3 s14;
	s14 =	smov.u32 @p1 s17;
	s17 =	simm.s32 $0x0  }
0x15a: {  	s17 =	smov.u32 @p2 s18;
	s14 =	sxor.u32 @p1 $0x80000000, s14  }
0x15b: {  	p2 =	sgt.s32 @p1 s17, s14  }
0x15c: {  	p2 =	por !p2, !p1;
	s18 =	spop @p0 (v2sf)  }
0x15d: {  	s17 =	smov.u32 @p2 s14;
	s14 =	smov.u32 @p0 s18;
	s18 =	simm.s32 $0x0  }
0x15e: {  	s18 =	smov.u32 @p1 s17;
	s14 =	sxor.u32 @p0 $0x80000000, s14  }
0x15f: {  	p1 =	sgt.s32 @p0 s18, s14  }
0x160: {  	p1 =	por !p1, !p0  }
0x161: {  	s31 =	spop (v2sf);
	s18 =	smov.u32 @p1 s14  }
0x162: {  	s14 =	sxor.u32 $0x80000000, s31;
	s16 =	smov.u32 @p0 s18  }
0x163: {  	p0 =	sgt.s32 s16, s14  }
0x164: {  	s14 =	smov.u32 @p0 s16;
	s16 =	simm.s32 $0x10040  }
0x165: {  	[tilespmem:s16+$0xFFFFFFC0] =	vst v2  }
0x166: {  	[tilespmem:s16+$0x30] =	vst v2  }
0x167: {  	[tilespmem:s16+$0x20] =	vst v2  }
0x168: {  	[tilespmem:s16+$0x10] =	vst v2  }
0x169: {  	[tilespmem:s16+$0x0] =	vst v2  }
0x16a: {  	[tilespmem:s16+$0xFFFFFFF0] =	vst v2  }
0x16b: {  	s17 =	simm.s32 $0x0;
	[tilespmem:s16+$0xFFFFFFE0] =	vst v2  }
.LBB2_25:
0x16c: {  	s17 =	sadd.s32 $0x8, s17;
	[tilespmem:s16+$0xFFFFFFD0] =	vst v2;
	s16 =	sadd.s32 $0x80, s16  }
0x16d: {  	[tilespmem:s16+$0xFFFFFFC0] =	vst v2;
	p0 =	slt.u32 s17, $0x7F8  }
0x16e: {  	[tilespmem:s16+$0x30] =	vst v2  }
.Ltmp15:
0x16f: {  	[tilespmem:s16+$0x20] =	vst v2;
	(pc) =	sbr.rel @p0 .LBB2_25-.Ltmp15, $4  }
0x170: {  	[tilespmem:s16+$0x10] =	vst v2  }
0x171: {  	[tilespmem:s16+$0x0] =	vst v2  }
0x172: {  	[tilespmem:s16+$0xFFFFFFF0] =	vst v2  }
0x173: {  	[tilespmem:s16+$0xFFFFFFE0] =	vst v2  }
0x174: {  	[tilespmem:s16+$0xFFFFFFD0] =	vst v2;
	s31 =	simm.s32 $0x8040  }
0x175: {  	v13 =	vld [tilespmem:s31+$0xFFFFFFC0]  }
0x176: {  	v15 =	vld [tilespmem:s31+$0x30]  }
0x177: {  	v14 =	vld [tilespmem:s31+$0xFFFFFFF0];
	_ =	sdelay $0x1  }
0x178: {  	s15 =	sadd.s32 $0xFFFFFFFF, s15  }
0x179: {  	v12 =	vmov s15;
	v19 =	vld [tilespmem:s31+$0xFFFFFFE0];
	v16 =	vshrl.u32 v13, $0x18;
	v13 =	vshrl.u32 v13, $0x10  }
0x17a: {  	v17 =	vld [tilespmem:s31+$0x0];
	v18 =	vshrl.u32 v15, $0x10;
	vm0 =	veq.s32 v16, v12;
	v13 =	vand.u32 $0xFF, v13  }
0x17b: {  	v16 =	vshrl.u32 v14, $0x10;
	v14 =	vshrl.u32 v14, $0x18;
	v20 =	vor.u32 v1, v13  }
0x17c: {  	v15 =	vshrl.u32 v15, $0x18;
	v16 =	vand.u32 $0xFF, v16;
	v13 =	vld [tilespmem:s31+$0x20];
	vm1 =	veq.s32 v14, v12  }
0x17d: {  	v21 =	vand.u32 $0xFF, v18;
	vm2 =	veq.s32 v15, v12;
	v14 =	vld [tilespmem:s31+$0xFFFFFFD0];
	v16 =	vor.u32 v7, v16  }
0x17e: {  	v15 =	vor.u32 v3, v21  }
0x17f: {  	v22 =	vshrl.u32 v17, $0x10;
	v18 =	vshrl.u32 v19, $0x10;
	v21 =	vshrl.u32 v17, $0x18;
	v17 =	vld [tilespmem:s31+$0x10]  }
0x180: {  	s16 =	simm.s32 $0x0;
	s18 =	simm.s32 $0x80C0;
	v19 =	vshrl.u32 v19, $0x18;
	[tilespmem:v20+s10+$0x0] =	vst.idx.add.s32.msk vm0, v10;
	vm0 =	veq.s32 v21, v12;
	v20 =	vand.u32 $0xFF, v22  }
.LBB2_27:
0x181: {  	v21 =	vld [tilespmem:s18+$0xFFFFFFF0];
	s16 =	sadd.s32 $0x8, s16;
	vm5 =	veq.s32 v19, v12;
	v18 =	vand.u32 $0xFF, v18;
	v19 =	vor.u32 v6, v20  }
0x182: {  	v20 =	vshrl.u32 v14, $0x18;
	p0 =	slt.u32 s16, $0x7F8;
	v18 =	vor.u32 v8, v18;
	[tilespmem:v16+s10+$0x0] =	vst.idx.add.s32.msk vm1, v10;
	v16 =	vshrl.u32 v13, $0x18  }
0x183: {  	vm4 =	veq.s32 v20, v12;
	v13 =	vshrl.u32 v13, $0x10;
	vm3 =	veq.s32 v16, v12;
	[tilespmem:v15+s10+$0x0] =	vst.idx.add.s32.msk vm2, v10  }
0x184: {  	v14 =	vshrl.u32 v14, $0x10;
	v13 =	vand.u32 $0xFF, v13;
	v15 =	vld [tilespmem:s18+$0xFFFFFFC0];
	v16 =	vshrl.u32 v17, $0x10  }
0x185: {  	v14 =	vand.u32 $0xFF, v14;
	v17 =	vshrl.u32 v17, $0x18;
	v22 =	vor.u32 v4, v13;
	v20 =	vld [tilespmem:s18+$0x30]  }
0x186: {  	vm6 =	veq.s32 v17, v12;
	v16 =	vand.u32 $0xFF, v16;
	v23 =	vshrl.u32 v21, $0x10;
	v13 =	vld [tilespmem:s18+$0x20]  }
0x187: {  	v24 =	vor.u32 v9, v14;
	v25 =	vor.u32 v5, v16;
	v17 =	vld [tilespmem:s18+$0xFFFFFFE0]  }
0x188: {  	[tilespmem:v18+s10+$0x0] =	vst.idx.add.s32.msk vm5, v10  }
0x189: {  	v14 =	vshrl.u32 v15, $0x18;
	v15 =	vshrl.u32 v15, $0x10;
	[tilespmem:v19+s10+$0x0] =	vst.idx.add.s32.msk vm0, v10  }
0x18a: {  	vm0 =	veq.s32 v14, v12;
	v14 =	vand.u32 $0xFF, v15;
	v15 =	vshrl.u32 v21, $0x18;
	v21 =	vld [tilespmem:s18+$0x0]  }
0x18b: {  	v16 =	vand.u32 $0xFF, v23;
	v18 =	vshrl.u32 v20, $0x10;
	v26 =	vor.u32 v1, v14;
	v14 =	vld [tilespmem:s18+$0xFFFFFFD0]  }
.Ltmp16:
0x18c: {  	vm1 =	veq.s32 v15, v12;
	v15 =	vshrl.u32 v20, $0x18;
	v19 =	vand.u32 $0xFF, v18;
	[tilespmem:v24+s10+$0x0] =	vst.idx.add.s32.msk vm4, v10;
	(pc) =	sbr.rel @p0 .LBB2_27-.Ltmp16, $4  }
0x18d: {  	v16 =	vor.u32 v7, v16;
	vm2 =	veq.s32 v15, v12;
	[tilespmem:v22+s10+$0x0] =	vst.idx.add.s32.msk vm3, v10  }
0x18e: {  	v18 =	vshrl.u32 v17, $0x10;
	v15 =	vor.u32 v3, v19;
	[tilespmem:v25+s10+$0x0] =	vst.idx.add.s32.msk vm6, v10  }
0x18f: {  	v19 =	vshrl.u32 v17, $0x18;
	v20 =	vshrl.u32 v21, $0x18;
	v21 =	vshrl.u32 v21, $0x10;
	v17 =	vld [tilespmem:s18+$0x10]  }
0x190: {  	s17 =	simm.s32 $0x17030;
	s18 =	sadd.s32 $0x80, s18;
	[tilespmem:v26+s10+$0x0] =	vst.idx.add.s32.msk vm0, v10;
	vm0 =	veq.s32 v20, v12;
	v20 =	vand.u32 $0xFF, v21  }
0x191: {  	vm3 =	veq.s32 v19, v12;
	v18 =	vand.u32 $0xFF, v18;
	v19 =	vor.u32 v6, v20  }
0x192: {  	v20 =	vshrl.u32 v14, $0x18;
	v21 =	vshrl.u32 v13, $0x18;
	v14 =	vshrl.u32 v14, $0x10  }
0x193: {  	v13 =	vshrl.u32 v13, $0x10;
	v18 =	vor.u32 v8, v18;
	vm4 =	veq.s32 v20, v12  }
0x194: {  	vm5 =	veq.s32 v21, v12;
	v14 =	vand.u32 $0xFF, v14;
	v13 =	vand.u32 $0xFF, v13  }
0x195: {  	v14 =	vor.u32 v9, v14;
	v20 =	vshrl.u32 v17, $0x10;
	v17 =	vshrl.u32 v17, $0x18  }
0x196: {  	[tilespmem:v16+s10+$0x0] =	vst.idx.add.s32.msk vm1, v10;
	v13 =	vor.u32 v4, v13;
	vm15 =	veq.s32 v17, v12;
	v12 =	vand.u32 $0xFF, v20  }
0x197: {  	[tilespmem:v15+s10+$0x0] =	vst.idx.add.s32.msk vm2, v10;
	v12 =	vor.u32 v5, v12  }
0x198: {  	[tilespmem:v19+s10+$0x0] =	vst.idx.add.s32.msk vm0, v10  }
0x199: {  	[tilespmem:v18+s10+$0x0] =	vst.idx.add.s32.msk vm3, v10  }
0x19a: {  	[tilespmem:v14+s10+$0x0] =	vst.idx.add.s32.msk vm4, v10  }
0x19b: {  	[tilespmem:v13+s10+$0x0] =	vst.idx.add.s32.msk vm5, v10  }
0x19c: {  	s16 =	simm.s32 $0x0;
	[tilespmem:v12+s10+$0x0] =	vst.idx.add.s32.msk vm15, v10  }
0x19d: {  	s18 =	sand.u32 $0xFC0, s16;
	v12 =	vld [tilespmem:s17+$0xFFFF8FD0]  }
0x19e: {  	v13 =	vld [tilespmem:s18+$0x11000]  }
0x19f: {  	v14 =	vld [tilespmem:s18+$0x12000]  }
0x1a0: {  	v15 =	vld [tilespmem:s18+$0x13000]  }
0x1a1: {  	v16 =	vld [tilespmem:s18+$0x14000]  }
0x1a2: {  	v17 =	vld [tilespmem:s18+$0x15000]  }
0x1a3: {  	v18 =	vld [tilespmem:s18+$0x16000]  }
0x1a4: {  	v19 =	vld [tilespmem:s18+$0x17000]  }
0x1a5: {  	v20 =	vld [tilespmem:s17+$0xFFFF8FE0]  }
0x1a6: {  	v61 =	vld [tilespmem:s17+$0xFFFF9FE0]  }
0x1a7: {  	v22 =	vld [tilespmem:s17+$0xFFFF8FF0]  }
0x1a8: {  	v23 =	vld [tilespmem:s17+$0xFFFF9FF0]  }
0x1a9: {  	v24 =	vld [tilespmem:s17+$0xFFFF9000]  }
0x1aa: {  	v25 =	vld [tilespmem:s17+$0xFFFFA000]  }
0x1ab: {  	v26 =	vld [tilespmem:s17+$0xFFFFAFE0]  }
0x1ac: {  	v27 =	vld [tilespmem:s17+$0xFFFFAFF0]  }
0x1ad: {  	v28 =	vld [tilespmem:s17+$0xFFFFB000]  }
0x1ae: {  	v29 =	vld [tilespmem:s17+$0xFFFFBFE0]  }
0x1af: {  	v30 =	vld [tilespmem:s17+$0xFFFFBFF0]  }
0x1b0: {  	v31 =	vld [tilespmem:s17+$0xFFFFC000]  }
0x1b1: {  	v32 =	vld [tilespmem:s17+$0xFFFFCFE0];
	v12 =	vadd.s32 v12, v13  }
0x1b2: {  	v33 =	vld [tilespmem:s17+$0xFFFFCFF0];
	v12 =	vadd.s32 v14, v12  }
0x1b3: {  	v34 =	vld [tilespmem:s17+$0xFFFFE000];
	v12 =	vadd.s32 v15, v12  }
0x1b4: {  	v15 =	vld [tilespmem:s17+$0xFFFFD000];
	v12 =	vadd.s32 v16, v12  }
0x1b5: {  	v16 =	vld [tilespmem:s17+$0xFFFFDFE0];
	v12 =	vadd.s32 v17, v12  }
0x1b6: {  	v17 =	vld [tilespmem:s17+$0xFFFFDFF0];
	v12 =	vadd.s32 v18, v12  }
0x1b7: {  	v18 =	vadd.s32 v19, v12;
	v12 =	vadd.s32 v20, v61;
	v19 =	vld [tilespmem:s17+$0xFFFFEFE0]  }
0x1b8: {  	v13 =	vadd.s32 v22, v23;
	v14 =	vadd.s32 v24, v25;
	v20 =	vadd.s32 v26, v12;
	v12 =	vld [tilespmem:s17+$0xFFFFEFF0]  }
0x1b9: {  	v62 =	vadd.s32 v27, v13;
	v13 =	vld [tilespmem:s17+$0xFFFFF000];
	v14 =	vadd.s32 v28, v14;
	v20 =	vadd.s32 v29, v20  }
0x1ba: {  	v21 =	vadd.s32 v30, v62;
	v63 =	vadd.s32 v31, v14;
	v14 =	vld [tilespmem:s17+$0xFFFFFFE0];
	v20 =	vadd.s32 v32, v20  }
0x1bb: {  	v21 =	vadd.s32 v33, v21;
	v22 =	vadd.s32 v15, v63;
	v15 =	vld [tilespmem:s17+$0xFFFFFFF0];
	v16 =	vadd.s32 v16, v20  }
0x1bc: {  	s19 =	simm.s32 $0x40;
	s20 =	simm.s32 $0x17070;
	s18 =	simm.s32 $0x0;
	[tilespmem:s17+$0xFFFF8FD0] =	vst v18;
	v18 =	vadd.s32 v17, v21;
	v17 =	vadd.s32 v34, v22;
	v19 =	vadd.s32 v19, v16;
	v16 =	vld [tilespmem:s17+$0x0]  }
.LBB2_29:
0x1bd: {  	v20 =	vld [tilespmem:s20+$0xFFFF8FD0];
	s21 =	sand.u32 $0xFC0, s19;
	s18 =	sadd.s32 $0x4, s18;
	v12 =	vadd.s32 v12, v18  }
0x1be: {  	v18 =	vld [tilespmem:s21+$0x11000];
	p0 =	slt.u32 s18, $0xFC;
	v13 =	vadd.s32 v13, v17  }
0x1bf: {  	v17 =	vld [tilespmem:s21+$0x12000];
	v14 =	vadd.s32 v14, v19  }
0x1c0: {  	v19 =	vld [tilespmem:s21+$0x13000];
	[tilespmem:s17+$0xFFFF8FE0] =	vst v14;
	v12 =	vadd.s32 v15, v12  }
0x1c1: {  	v14 =	vld [tilespmem:s21+$0x14000];
	[tilespmem:s17+$0xFFFF8FF0] =	vst v12;
	v12 =	vadd.s32 v16, v13  }
0x1c2: {  	v13 =	vld [tilespmem:s21+$0x15000];
	[tilespmem:s17+$0xFFFF9000] =	vst v12;
	s17 =	smov.u32 s20  }
0x1c3: {  	v12 =	vadd.s32 v20, v18;
	v15 =	vld [tilespmem:s21+$0x16000]  }
0x1c4: {  	v12 =	vadd.s32 v17, v12;
	v16 =	vld [tilespmem:s21+$0x17000]  }
0x1c5: {  	v12 =	vadd.s32 v19, v12;
	v17 =	vld [tilespmem:s20+$0xFFFF8FE0]  }
0x1c6: {  	v12 =	vadd.s32 v14, v12;
	v14 =	vld [tilespmem:s20+$0xFFFF9FE0]  }
0x1c7: {  	v12 =	vadd.s32 v13, v12;
	v13 =	vld [tilespmem:s20+$0xFFFF8FF0]  }
0x1c8: {  	v12 =	vadd.s32 v15, v12;
	v15 =	vld [tilespmem:s20+$0xFFFF9FF0]  }
0x1c9: {  	v12 =	vadd.s32 v16, v12;
	v16 =	vld [tilespmem:s20+$0xFFFF9000]  }
0x1ca: {  	[tilespmem:s20+$0xFFFF8FD0] =	vst v12;
	v12 =	vld [tilespmem:s20+$0xFFFFA000]  }
0x1cb: {  	v14 =	vadd.s32 v17, v14;
	v17 =	vld [tilespmem:s20+$0xFFFFAFE0]  }
0x1cc: {  	v18 =	vld [tilespmem:s20+$0xFFFFAFF0]  }
0x1cd: {  	v13 =	vadd.s32 v13, v15;
	v15 =	vld [tilespmem:s20+$0xFFFFB000]  }
0x1ce: {  	v19 =	vld [tilespmem:s20+$0xFFFFBFE0]  }
0x1cf: {  	v20 =	vld [tilespmem:s20+$0xFFFFBFF0];
	v12 =	vadd.s32 v16, v12  }
0x1d0: {  	v14 =	vadd.s32 v17, v14;
	v16 =	vld [tilespmem:s20+$0xFFFFC000]  }
0x1d1: {  	v17 =	vld [tilespmem:s20+$0xFFFFCFE0];
	v13 =	vadd.s32 v18, v13  }
0x1d2: {  	v18 =	vld [tilespmem:s20+$0xFFFFCFF0];
	v12 =	vadd.s32 v15, v12  }
0x1d3: {  	v14 =	vadd.s32 v19, v14;
	v15 =	vld [tilespmem:s20+$0xFFFFD000]  }
0x1d4: {  	v19 =	vld [tilespmem:s20+$0xFFFFDFE0];
	v13 =	vadd.s32 v20, v13  }
0x1d5: {  	v20 =	vld [tilespmem:s20+$0xFFFFDFF0];
	v16 =	vadd.s32 v16, v12  }
0x1d6: {  	v14 =	vadd.s32 v17, v14;
	v17 =	vld [tilespmem:s20+$0xFFFFE000]  }
0x1d7: {  	v21 =	vld [tilespmem:s20+$0xFFFFEFE0];
	v18 =	vadd.s32 v18, v13  }
.Ltmp17:
0x1d8: {  	v12 =	vld [tilespmem:s20+$0xFFFFEFF0];
	v16 =	vadd.s32 v15, v16;
	(pc) =	sbr.rel @p0 .LBB2_29-.Ltmp17, $4  }
0x1d9: {  	v19 =	vadd.s32 v19, v14;
	v13 =	vld [tilespmem:s20+$0xFFFFF000]  }
0x1da: {  	v14 =	vld [tilespmem:s20+$0xFFFFFFE0];
	v18 =	vadd.s32 v20, v18  }
0x1db: {  	v15 =	vld [tilespmem:s20+$0xFFFFFFF0];
	v17 =	vadd.s32 v17, v16  }
0x1dc: {  	s19 =	sadd.s32 $0x40, s19;
	s20 =	sadd.s32 $0x40, s20;
	v19 =	vadd.s32 v21, v19;
	v16 =	vld [tilespmem:s17+$0x0]  }
0x1dd: {  	_ =	sdelay $0x1  }
0x1de: {  	v12 =	vadd.s32 v12, v18;
	v14 =	vadd.s32 v14, v19  }
0x1df: {  	v13 =	vadd.s32 v13, v17;
	[tilespmem:s17+$0xFFFF8FE0] =	vst v14;
	v12 =	vadd.s32 v15, v12  }
0x1e0: {  	[tilespmem:s17+$0xFFFF8FF0] =	vst v12;
	v12 =	vadd.s32 v16, v13  }
0x1e1: {  	s19 =	simm.s32 $0x0;
	[tilespmem:s17+$0xFFFF9000] =	vst v12  }
0x1e2: {  	v12 =	vld [tilespmem:s19+$0x100F0]  }
0x1e3: {  	v13 =	vld [tilespmem:s19+$0x101F0]  }
0x1e4: {  	v14 =	vld [tilespmem:s19+$0x102F0]  }
0x1e5: {  	v15 =	vld [tilespmem:s19+$0x103F0]  }
0x1e6: {  	v16 =	vld [tilespmem:s19+$0x104F0]  }
0x1e7: {  	v17 =	vld [tilespmem:s19+$0x105F0]  }
0x1e8: {  	v18 =	vld [tilespmem:s19+$0x106F0];
	v12 =	vadd.s32 v12, v13  }
0x1e9: {  	v19 =	vld [tilespmem:s19+$0x107F0];
	v12 =	vadd.s32 v14, v12  }
0x1ea: {  	v13 =	vld [tilespmem:s19+$0x108F0];
	v12 =	vadd.s32 v15, v12  }
0x1eb: {  	v14 =	vld [tilespmem:s19+$0x109F0];
	v12 =	vadd.s32 v16, v12  }
0x1ec: {  	v15 =	vld [tilespmem:s19+$0x10AF0];
	v12 =	vadd.s32 v17, v12  }
0x1ed: {  	v16 =	vld [tilespmem:s19+$0x10BF0];
	v12 =	vadd.s32 v18, v12  }
0x1ee: {  	v17 =	vld [tilespmem:s19+$0x10CF0];
	v12 =	vadd.s32 v19, v12  }
0x1ef: {  	v18 =	vld [tilespmem:s19+$0x10DF0];
	v12 =	vadd.s32 v13, v12  }
0x1f0: {  	v19 =	vld [tilespmem:s19+$0x10EF0];
	v12 =	vadd.s32 v14, v12  }
0x1f1: {  	s17 =	simm.s32 $0xFFFFFFF0;
	v13 =	vld [tilespmem:s19+$0x10FF0];
	v12 =	vadd.s32 v15, v12  }
0x1f2: {  	v14 =	vld [tilespmem:s17+$0x100F0];
	v12 =	vadd.s32 v16, v12  }
0x1f3: {  	v15 =	vld [tilespmem:s17+$0x101F0];
	v12 =	vadd.s32 v17, v12  }
0x1f4: {  	v16 =	vld [tilespmem:s17+$0x102F0];
	v12 =	vadd.s32 v18, v12  }
0x1f5: {  	v17 =	vld [tilespmem:s17+$0x103F0];
	v12 =	vadd.s32 v19, v12  }
0x1f6: {  	v18 =	vld [tilespmem:s17+$0x104F0];
	v20 =	vadd.s32 v13, v12  }
0x1f7: {  	v19 =	vld [tilespmem:s17+$0x105F0];
	(xrf0) =	vadd.scan.msk.s32 $0xffff, v20  }
0x1f8: {  	v12 =	vld [tilespmem:s17+$0x106F0];
	v13 =	vadd.s32 v14, v15  }
0x1f9: {  	v14 =	vld [tilespmem:s17+$0x107F0];
	v13 =	vadd.s32 v16, v13  }
0x1fa: {  	v15 =	vld [tilespmem:s17+$0x108F0];
	v13 =	vadd.s32 v17, v13  }
0x1fb: {  	v16 =	vld [tilespmem:s17+$0x109F0];
	v13 =	vadd.s32 v18, v13  }
0x1fc: {  	v17 =	vld [tilespmem:s17+$0x10AF0];
	v13 =	vadd.s32 v19, v13  }
0x1fd: {  	v18 =	vld [tilespmem:s17+$0x10BF0];
	v13 =	vadd.s32 v12, v13;
	v19, _, _ =	vpop (xrf0)  }
0x1fe: {  	v12 =	vld [tilespmem:s17+$0x10CF0];
	v14 =	vadd.s32 v14, v13;
	(v2sf) =	vpush v19, $0xF  }
0x1ff: {  	v20 =	vadd.s32 s16, v20;
	v13 =	vld [tilespmem:s17+$0x10DF0];
	v15 =	vadd.s32 v15, v14;
	v21 =	vbroadcast v19, $0xF  }
0x200: {  	v14 =	vld [tilespmem:s17+$0x10EF0];
	v16 =	vadd.s32 v16, v15;
	v20 =	vsub.s32 v20, v19  }
0x201: {  	s18 =	simm.s32 $0xFFFFFFE0;
	v15 =	vld [tilespmem:s17+$0x10FF0];
	v17 =	vadd.s32 v17, v16;
	v20 =	vadd.s32 v21, v20  }
0x202: {  	s20 =	simm.s32 $0xFFFFFF40;
	v16 =	vld [tilespmem:s18+$0x100F0];
	v17 =	vadd.s32 v18, v17;
	[tilespmem:s19+$0x180F0] =	vst v20  }
.LBB2_31:
0x203: {  	p0 =	seq.s32 s20, $0xFFFFFC40;
	v18 =	vld [tilespmem:s18+$0x101F0];
	v12 =	vadd.s32 v12, v17  }
0x204: {  	v17 =	vld [tilespmem:s18+$0x102F0];
	v12 =	vadd.s32 v13, v12  }
0x205: {  	v13 =	vld [tilespmem:s18+$0x103F0];
	v12 =	vadd.s32 v14, v12  }
0x206: {  	v14 =	vld [tilespmem:s18+$0x104F0];
	v15 =	vadd.s32 v15, v12  }
0x207: {  	v12 =	vld [tilespmem:s18+$0x105F0];
	(xrf0) =	vadd.scan.msk.s32 $0xffff, v15  }
0x208: {  	v16 =	vadd.s32 v16, v18;
	v18 =	vld [tilespmem:s18+$0x106F0]  }
0x209: {  	v16 =	vadd.s32 v17, v16;
	v17 =	vld [tilespmem:s18+$0x107F0]  }
0x20a: {  	v13 =	vadd.s32 v13, v16;
	v16 =	vld [tilespmem:s18+$0x108F0]  }
0x20b: {  	v13 =	vadd.s32 v14, v13;
	v14 =	vld [tilespmem:s18+$0x109F0]  }
0x20c: {  	v12 =	vadd.s32 v12, v13;
	v19 =	vld [tilespmem:s18+$0x10AF0]  }
0x20d: {  	v12 =	vadd.s32 v18, v12;
	v18 =	vld [tilespmem:s18+$0x10BF0];
	v20, _, _ =	vpop (xrf0);
	s19 =	spop (v2sf)  }
.Ltmp18:
0x20e: {  	v13 =	vadd.s32 v17, v12;
	v12 =	vld [tilespmem:s18+$0x10CF0];
	v17 =	vbroadcast v20, $0xF;
	(v2sf) =	vpush v20, $0xF;
	s16 =	sadd.s32 s16, s19;
	(pc) =	sbr.rel @!p0 .LBB2_31-.Ltmp18, $4  }
0x20f: {  	v16 =	vadd.s32 v16, v13;
	v13 =	vld [tilespmem:s18+$0x10DF0];
	v15 =	vadd.s32 s16, v15  }
0x210: {  	v16 =	vadd.s32 v14, v16;
	v14 =	vld [tilespmem:s18+$0x10EF0];
	v20 =	vsub.s32 v15, v20  }
0x211: {  	s19 =	sshra.s32 s20, $0x2;
	v19 =	vadd.s32 v19, v16;
	v15 =	vld [tilespmem:s18+$0x10FF0];
	v20 =	vadd.s32 v17, v20  }
0x212: {  	s20 =	sadd.s32 $0xFFFFFFC0, s20;
	v16 =	vld [tilespmem:s19+$0x100F0];
	v17 =	vadd.s32 v18, v19;
	[tilespmem:s17+$0x180F0] =	vst v20;
	s17 =	smov.u32 s18;
	s18 =	smov.u32 s19  }
0x213: {  	v18 =	vld [tilespmem:s18+$0x101F0]  }
0x214: {  	v19 =	vld [tilespmem:s18+$0x102F0]  }
0x215: {  	v20 =	vld [tilespmem:s18+$0x103F0]  }
0x216: {  	v21 =	vld [tilespmem:s18+$0x104F0]  }
0x217: {  	v22 =	vld [tilespmem:s18+$0x105F0]  }
0x218: {  	v55 =	vld [tilespmem:s18+$0x106F0];
	v16 =	vadd.s32 v16, v18  }
0x219: {  	v56 =	vld [tilespmem:s18+$0x107F0];
	v16 =	vadd.s32 v19, v16  }
0x21a: {  	v57 =	vld [tilespmem:s18+$0x108F0];
	v16 =	vadd.s32 v20, v16  }
0x21b: {  	v58 =	vld [tilespmem:s18+$0x109F0];
	v12 =	vadd.s32 v12, v17;
	v16 =	vadd.s32 v21, v16  }
0x21c: {  	v59 =	vld [tilespmem:s18+$0x10AF0];
	v12 =	vadd.s32 v13, v12;
	v16 =	vadd.s32 v22, v16  }
0x21d: {  	v60 =	vld [tilespmem:s18+$0x10BF0];
	v12 =	vadd.s32 v14, v12;
	v16 =	vadd.s32 v55, v16  }
0x21e: {  	v61 =	vld [tilespmem:s18+$0x10CF0];
	v12 =	vadd.s32 v15, v12;
	v16 =	vadd.s32 v56, v16  }
0x21f: {  	v62 =	vld [tilespmem:s18+$0x10DF0];
	(xrf0) =	vadd.scan.msk.s32 $0xffff, v12;
	v13 =	vadd.s32 v57, v16  }
0x220: {  	v14 =	vld [tilespmem:s18+$0x10EF0];
	v13 =	vadd.s32 v58, v13  }
0x221: {  	v13 =	vadd.s32 v59, v13  }
0x222: {  	v13 =	vadd.s32 v60, v13  }
0x223: {  	v13 =	vadd.s32 v61, v13  }
0x224: {  	v13 =	vadd.s32 v62, v13  }
0x225: {  	v13 =	vadd.s32 v14, v13;
	v14, _, _ =	vpop (xrf0)  }
0x226: {  	(v2sf) =	vpush v14, $0xF;
	_ =	sdelay $0x3  }
0x227: {  	v15 =	vld [tilespmem:s18+$0x10FF0];
	_ =	sdelay $0x4  }
0x228: {  	v13 =	vadd.s32 v15, v13  }
0x229: {  	(xrf0) =	vadd.scan.msk.s32 $0xffff, v13;
	_ =	sdelay $0x3  }
0x22a: {  	s19 =	spop (v2sf)  }
0x22b: {  	s16 =	sadd.s32 s16, s19;
	s20 =	spop (v2sf)  }
0x22c: {  	v12 =	vadd.s32 s16, v12;
	v63 =	vbroadcast v14, $0xF;
	v15, _, _ =	vpop (xrf0);
	s16 =	sadd.s32 s16, s20  }
0x22d: {  	v12 =	vsub.s32 v12, v14;
	v14 =	vbroadcast v15, $0xF;
	v13 =	vadd.s32 s16, v13  }
0x22e: {  	v12 =	vadd.s32 v63, v12;
	v13 =	vsub.s32 v13, v15  }
0x22f: {  	[tilespmem:s17+$0x180F0] =	vst v12;
	v12 =	vadd.s32 v14, v13  }
0x230: {  	s22 =	simm.s32 $0x18000;
	(v2sf) =	vpush v15, $0xF;
	[tilespmem:s18+$0x180F0] =	vst v12  }
0x231: {  	v13 =	vld [tilespmem:s22+$0x0];
	_ =	sdelay $0x2  }
0x232: {  	s14 =	ssub.s32 $0x40, s14  }
0x233: {  	s16 =	simm.s32 $0x0;
	v12 =	vmov s14  }
0x234: {  	vm0 =	vlt.s32 v13, v12;
	v13 =	vadd.s32 s16, v11  }
0x235: {  	v13 =	vsel vm0, $0x80000000, v13  }
0x236: {  	(xrf0) =	vmax.scan.msk.u32 $0xffff, v13;
	_ =	sdelay $0x4  }
0x237: {  	s23 =	simm.s32 $0x18010  }
0x238: {  	s24 =	simm.s32 $0x18020;
	v14 =	vld [tilespmem:s23+$0x0];
	v13, _, _ =	vpop (xrf0)  }
0x239: {  	s21 =	spop (v2sf);
	(v2sf) =	vpush v13, $0xF;
	v13 =	vld [tilespmem:s24+$0x0];
	_ =	sdelay $0x2  }
0x23a: {  	s25 =	simm.s32 $0x10  }
0x23b: {  	s26 =	simm.s32 $0x20;
	vm0 =	vlt.s32 v14, v12;
	v14 =	vadd.s32 s25, v11  }
0x23c: {  	v14 =	vsel vm0, $0x80000000, v14;
	vm0 =	vlt.s32 v13, v12;
	v13 =	vadd.s32 s26, v11  }
0x23d: {  	(xrf0) =	vmax.scan.msk.u32 $0xffff, v14;
	v13 =	vsel vm0, $0x80000000, v13  }
0x23e: {  	(xrf0) =	vmax.scan.msk.u32 $0xffff, v13;
	_ =	sdelay $0x3  }
0x23f: {  	s28 =	simm.s32 $0x18030  }
0x240: {  	v14 =	vld [tilespmem:s28+$0x0];
	v15, _, _ =	vpop (xrf0)  }
0x241: {  	(v2sf) =	vpush v15, $0xF;
	v15, _, _ =	vpop (xrf0)  }
0x242: {  	(v2sf) =	vpush v15, $0xF;
	_ =	sdelay $0x1  }
0x243: {  	s29 =	simm.s32 $0x18040;
	s30 =	simm.s32 $0x30  }
0x244: {  	vm0 =	vlt.s32 v14, v12;
	v14 =	vadd.s32 s30, v11;
	v13 =	vld [tilespmem:s29+$0x0]  }
0x245: {  	v14 =	vsel vm0, $0x80000000, v14  }
0x246: {  	(xrf0) =	vmax.scan.msk.u32 $0xffff, v14;
	_ =	sdelay $0x1  }
0x247: {  	s31 =	simm.s32 $0x40  }
0x248: {  	s17 =	simm.s32 $0x50;
	s18 =	simm.s32 $0x18050;
	vm0 =	vlt.s32 v13, v12;
	v13 =	vadd.s32 s31, v11;
	s19 =	spop (v2sf)  }
.LBB2_33:
0x249: {  	s20 =	smov.u32 s16;
	p0 =	sne.s32 s17, $0xF0  }
0x24a: {  	v15 =	vsel vm0, $0x80000000, v13;
	s16 =	sxor.u32 $0x80000000, s19;
	s19 =	smov.u32 s17;
	s17 =	sadd.s32 $0x10, s17;
	v14 =	vld [tilespmem:s18+$0x0]  }
.Ltmp19:
0x24b: {  	p1 =	sgt.s32 s20, s16;
	(xrf0) =	vmax.scan.msk.u32 $0xffff, v15;
	v13, _, _ =	vpop (xrf0);
	(pc) =	sbr.rel @p0 .LBB2_33-.Ltmp19, $2  }
0x24c: {  	s16 =	smov.u32 @p1 s20;
	(v2sf) =	vpush v13, $0xF;
	_ =	sdelay $0x2  }
0x24d: {  	s18 =	sadd.s32 $0x10, s18;
	v13 =	vadd.s32 s19, v11;
	vm0 =	vlt.s32 v14, v12;
	s19 =	spop (v2sf)  }
0x24e: {  	v12 =	vsel vm0, $0x80000000, v13  }
0x24f: {  	(xrf0) =	vmax.scan.msk.u32 $0xffff, v12;
	_ =	sdelay $0x3  }
0x250: {  	v12, _, _ =	vpop (xrf0)  }
0x251: {  	(v2sf) =	vpush v12, $0xF  }
0x252: {  	v12, _, _ =	vpop (xrf0)  }
0x253: {  	(v2sf) =	vpush v12, $0xF;
	_ =	sdelay $0x7  }
0x254: {  	s17 =	sxor.u32 $0x80000000, s19  }
0x255: {  	s18 =	spop (v2sf);
	p0 =	sgt.s32 s16, s17  }
0x256: {  	s17 =	smov.u32 @p0 s16;
	s16 =	sxor.u32 $0x80000000, s18  }
0x257: {  	p0 =	sgt.s32 s17, s16;
	s28 =	spop (v2sf)  }
0x258: {  	s16 =	smov.u32 @p0 s17;
	s17 =	sxor.u32 $0x80000000, s28  }
0x259: {  	p0 =	sgt.s32 s16, s17;
	s29 =	spop (v2sf)  }
0x25a: {  	s30 =	simm.s32 $0x18000;
	s17 =	smov.u32 @p0 s16;
	s16 =	sxor.u32 $0x80000000, s29  }
0x25b: {  	p4 =	por $0x0, $0x0;
	v13 =	vld [tilespmem:s30+$0x0];
	p0 =	sgt.s32 s17, s16;
	s31 =	spop (v2sf)  }
.Ltmp20:
0x25c: {  	s16 =	smov.u32 @p0 s17;
	s17 =	sxor.u32 $0x80000000, s31;
	(pc) =	sbr.rel @p4 .LBB2_35-.Ltmp20, $4  }
0x25d: {  	p0 =	sgt.s32 s16, s17  }
0x25e: {  	s18 =	simm.s32 $0x0;
	s17 =	smov.u32 @p0 s16  }
0x25f: {  	s19 =	simm.s32 $0x18010;
	p1 =	por $0x0, $0x0;
	p2 =	por $0x0, $0x0;
	v14 =	vor.u32 s18, v0;
	v12 =	vmov s17  }
0x260: {  	p3 =	por $0x0, $0x0;
	v13 =	vxor.u32 $0x80000000, v13;
	s16 =	simm.s32 $0x10;
	p0 =	por $0x0, $0x0;
	vm0 =	veq.s32 v14, v12  }
0x261: {  	v14 =	vld [tilespmem:s19+$0x0];
	p4 =	por $0x0, $0x0  }
.Ltmp21:
0x262: {  	_ = 	snop;
	(pc) =	sbr.rel @p4 .LBB2_37-.Ltmp21, $3  }
0x263: {  	_ =	sdelay $0x1  }
0x264: {  	v13 =	vnsel vm0, $0x80000000, v13;
	v15 =	vor.u32 s16, v0  }
0x265: {  	s16 =	simm.s32 $0x20;
	s19 =	simm.s32 $0x18020;
	p0 =	por $0x1, $0x1;
	(xrf0) =	vmax.scan.msk.u32 $0xffff, v13;
	vm0 =	veq.s32 v15, v12;
	v13 =	vxor.u32 $0x80000000, v14  }
0x266: {  	_ = 	snop  }
0x267: {  	v14 =	vld [tilespmem:s19+$0x0];
	p4 =	por $0x0, $0x0  }
.Ltmp22:
0x268: {  	_ = 	snop;
	(pc) =	sbr.rel @p4 .LBB2_39-.Ltmp22, $3  }
0x269: {  	_ =	sdelay $0x1  }
0x26a: {  	v13 =	vnsel vm0, $0x80000000, v13;
	v16 =	vor.u32 s16, v0;
	v15, _, _ =	vpop (xrf0)  }
0x26b: {  	s16 =	simm.s32 $0x30;
	s19 =	simm.s32 $0x18030;
	p1 =	por $0x1, $0x1;
	vm0 =	veq.s32 v16, v12;
	(xrf0) =	vmax.scan.msk.u32 $0xffff, v13;
	v13 =	vxor.u32 $0x80000000, v14;
	(v2sf) =	vpush v15, $0xF  }
0x26c: {  	_ =	sdelay $0x4  }
0x26d: {  	v15, _, _ =	vpop (xrf0)  }
0x26e: {  	(v2sf) =	vpush v15, $0xF;
	_ =	sdelay $0x2  }
0x26f: {  	v14 =	vld [tilespmem:s19+$0x0];
	p4 =	por $0x0, $0x0  }
.Ltmp23:
0x270: {  	_ = 	snop;
	(pc) =	sbr.rel @p4 .LBB2_41-.Ltmp23, $3  }
0x271: {  	_ =	sdelay $0x1  }
0x272: {  	v13 =	vnsel vm0, $0x80000000, v13;
	v16 =	vor.u32 s16, v0  }
0x273: {  	s16 =	simm.s32 $0x40;
	s19 =	simm.s32 $0x18040;
	p2 =	por $0x1, $0x1;
	vm0 =	veq.s32 v16, v12;
	(xrf0) =	vmax.scan.msk.u32 $0xffff, v13;
	v13 =	vxor.u32 $0x80000000, v14  }
0x274: {  	_ =	sdelay $0x4  }
0x275: {  	v15, _, _ =	vpop (xrf0)  }
0x276: {  	(v2sf) =	vpush v15, $0xF;
	_ =	sdelay $0x2  }
0x277: {  	v14 =	vld [tilespmem:s19+$0x0];
	p4 =	por $0x0, $0x0  }
.Ltmp24:
0x278: {  	v13 =	vnsel vm0, $0x80000000, v13;
	(pc) =	sbr.rel @p4 .LBB2_43-.Ltmp24, $3  }
0x279: {  	(xrf0) =	vmax.scan.msk.u32 $0xffff, v13;
	_ =	sdelay $0x1  }
0x27a: {  	s20 =	simm.s32 $0x50;
	v16 =	vor.u32 s16, v0;
	s21 =	simm.s32 $0x18050  }
0x27b: {  	s19 =	spop (v2sf);
	p3 =	por $0x1, $0x1;
	s16 =	simm.s32 $0x0;
	vm0 =	veq.s32 v16, v12;
	v13 =	vxor.u32 $0x80000000, v14  }
.LBB2_44:
0x27c: {  	s22 =	smov.u32 s16;
	p4 =	seq.s32 s20, $0xF0  }
0x27d: {  	v15 =	vnsel vm0, $0x80000000, v13;
	s16 =	sxor.u32 $0x80000000, s19;
	s19 =	smov.u32 s20;
	s20 =	sadd.s32 $0x10, s20;
	v14 =	vld [tilespmem:s21+$0x0]  }
.Ltmp25:
0x27e: {  	p5 =	sgt.s32 s22, s16;
	(xrf0) =	vmax.scan.msk.u32 $0xffff, v15;
	v13, _, _ =	vpop (xrf0);
	(pc) =	sbr.rel @!p4 .LBB2_44-.Ltmp25, $3  }
0x27f: {  	s16 =	smov.u32 @p5 s22;
	(v2sf) =	vpush v13, $0xF;
	_ =	sdelay $0x1  }
0x280: {  	v13 =	vor.u32 s19, v0  }
0x281: {  	s21 =	sadd.s32 $0x10, s21;
	vm0 =	veq.s32 v13, v12;
	v13 =	vxor.u32 $0x80000000, v14;
	s19 =	spop (v2sf)  }
0x282: {  	_ = 	snop  }
.LBB2_46:
0x283: {  	v12 =	vnsel vm0, $0x80000000, v13;
	_ =	sdelay $0x1  }
0x284: {  	(xrf0) =	vmax.scan.msk.u32 $0xffff, v12  }
0x285: {  	v12, _, _ =	vpop @p0 (xrf0)  }
0x286: {  	(v2sf) =	vpush @p0 v12, $0xF;
	_ =	sdelay $0x3  }
0x287: {  	v63, _, _ =	vpop (xrf0)  }
0x288: {  	s19 =	sxor.u32 @p3 $0x80000000, s19;
	(v2sf) =	vpush v63, $0xF  }
0x289: {  	p4 =	sgt.s32 @p3 s16, s19  }
0x28a: {  	s20 =	spop @p2 (v2sf);
	p4 =	por !p4, !p3  }
0x28b: {  	s16 =	smov.u32 @p4 s19;
	s19 =	smov.u32 @p2 s20;
	s20 =	simm.s32 $0x0  }
0x28c: {  	s20 =	smov.u32 @p3 s16;
	s16 =	sxor.u32 @p2 $0x80000000, s19  }
0x28d: {  	p3 =	sgt.s32 @p2 s20, s16  }
0x28e: {  	p3 =	por !p3, !p2;
	s19 =	spop @p1 (v2sf)  }
0x28f: {  	s20 =	smov.u32 @p3 s16;
	s16 =	smov.u32 @p1 s19;
	s19 =	simm.s32 $0x0  }
0x290: {  	s19 =	smov.u32 @p2 s20;
	s16 =	sxor.u32 @p1 $0x80000000, s16  }
0x291: {  	p2 =	sgt.s32 @p1 s19, s16  }
0x292: {  	p2 =	por !p2, !p1;
	s20 =	spop @p0 (v2sf)  }
0x293: {  	s19 =	smov.u32 @p2 s16;
	s16 =	smov.u32 @p0 s20;
	s20 =	simm.s32 $0x0  }
0x294: {  	s20 =	smov.u32 @p1 s19;
	s16 =	sxor.u32 @p0 $0x80000000, s16  }
0x295: {  	p1 =	sgt.s32 @p0 s20, s16  }
0x296: {  	p1 =	por !p1, !p0  }
0x297: {  	s31 =	spop (v2sf);
	s20 =	smov.u32 @p1 s16  }
0x298: {  	s16 =	sxor.u32 $0x80000000, s31;
	s18 =	smov.u32 @p0 s20  }
0x299: {  	p0 =	sgt.s32 s18, s16  }
0x29a: {  	s16 =	smov.u32 @p0 s18;
	s18 =	simm.s32 $0x10040  }
0x29b: {  	[tilespmem:s18+$0xFFFFFFC0] =	vst v2  }
0x29c: {  	[tilespmem:s18+$0x30] =	vst v2  }
0x29d: {  	[tilespmem:s18+$0x20] =	vst v2  }
0x29e: {  	[tilespmem:s18+$0x10] =	vst v2  }
0x29f: {  	[tilespmem:s18+$0x0] =	vst v2  }
0x2a0: {  	[tilespmem:s18+$0xFFFFFFF0] =	vst v2  }
0x2a1: {  	s19 =	simm.s32 $0x0;
	[tilespmem:s18+$0xFFFFFFE0] =	vst v2  }
.LBB2_47:
0x2a2: {  	s19 =	sadd.s32 $0x8, s19;
	[tilespmem:s18+$0xFFFFFFD0] =	vst v2;
	s18 =	sadd.s32 $0x80, s18  }
0x2a3: {  	[tilespmem:s18+$0xFFFFFFC0] =	vst v2;
	p0 =	slt.u32 s19, $0x7F8  }
0x2a4: {  	[tilespmem:s18+$0x30] =	vst v2  }
.Ltmp26:
0x2a5: {  	[tilespmem:s18+$0x20] =	vst v2;
	(pc) =	sbr.rel @p0 .LBB2_47-.Ltmp26, $4  }
0x2a6: {  	[tilespmem:s18+$0x10] =	vst v2  }
0x2a7: {  	[tilespmem:s18+$0x0] =	vst v2  }
0x2a8: {  	[tilespmem:s18+$0xFFFFFFF0] =	vst v2  }
0x2a9: {  	[tilespmem:s18+$0xFFFFFFE0] =	vst v2  }
0x2aa: {  	[tilespmem:s18+$0xFFFFFFD0] =	vst v2;
	s31 =	simm.s32 $0x8040  }
0x2ab: {  	v13 =	vld [tilespmem:s31+$0xFFFFFFC0]  }
0x2ac: {  	v15 =	vld [tilespmem:s31+$0x30]  }
0x2ad: {  	v14 =	vld [tilespmem:s31+$0xFFFFFFF0]  }
0x2ae: {  	s17 =	sadd.s32 $0xFFFFFFFF, s17;
	s15 =	sshll.u32 s15, $0x8  }
0x2af: {  	s15 =	sor.u32 s15, s17  }
0x2b0: {  	v19 =	vld [tilespmem:s31+$0xFFFFFFE0];
	v12 =	vmov s15;
	v16 =	vshrl.u32 v13, $0x10;
	v13 =	vshrl.u32 v13, $0x8  }
0x2b1: {  	v17 =	vld [tilespmem:s31+$0x0];
	v18 =	vshrl.u32 v15, $0x8;
	vm0 =	veq.s32 v16, v12;
	v13 =	vand.u32 $0xFF, v13  }
0x2b2: {  	v16 =	vshrl.u32 v14, $0x8;
	v14 =	vshrl.u32 v14, $0x10;
	v20 =	vor.u32 v1, v13  }
0x2b3: {  	v15 =	vshrl.u32 v15, $0x10;
	v16 =	vand.u32 $0xFF, v16;
	v13 =	vld [tilespmem:s31+$0x20];
	vm1 =	veq.s32 v14, v12  }
0x2b4: {  	v21 =	vand.u32 $0xFF, v18;
	vm2 =	veq.s32 v15, v12;
	v14 =	vld [tilespmem:s31+$0xFFFFFFD0];
	v16 =	vor.u32 v7, v16  }
0x2b5: {  	v15 =	vor.u32 v3, v21  }
0x2b6: {  	v22 =	vshrl.u32 v17, $0x8;
	v18 =	vshrl.u32 v19, $0x8;
	v21 =	vshrl.u32 v17, $0x10;
	v17 =	vld [tilespmem:s31+$0x10]  }
0x2b7: {  	s19 =	simm.s32 $0x80C0;
	s17 =	simm.s32 $0x0;
	v19 =	vshrl.u32 v19, $0x10;
	[tilespmem:v20+s10+$0x0] =	vst.idx.add.s32.msk vm0, v10;
	vm0 =	veq.s32 v21, v12;
	v20 =	vand.u32 $0xFF, v22  }
.LBB2_49:
0x2b8: {  	v21 =	vld [tilespmem:s19+$0xFFFFFFF0];
	s17 =	sadd.s32 $0x8, s17;
	vm5 =	veq.s32 v19, v12;
	v18 =	vand.u32 $0xFF, v18;
	v19 =	vor.u32 v6, v20  }
0x2b9: {  	v20 =	vshrl.u32 v14, $0x10;
	p0 =	slt.u32 s17, $0x7F8;
	v18 =	vor.u32 v8, v18;
	[tilespmem:v16+s10+$0x0] =	vst.idx.add.s32.msk vm1, v10;
	v16 =	vshrl.u32 v13, $0x10  }
0x2ba: {  	vm4 =	veq.s32 v20, v12;
	v13 =	vshrl.u32 v13, $0x8;
	vm3 =	veq.s32 v16, v12;
	[tilespmem:v15+s10+$0x0] =	vst.idx.add.s32.msk vm2, v10  }
0x2bb: {  	v14 =	vshrl.u32 v14, $0x8;
	v13 =	vand.u32 $0xFF, v13;
	v15 =	vld [tilespmem:s19+$0xFFFFFFC0];
	v16 =	vshrl.u32 v17, $0x8  }
0x2bc: {  	v14 =	vand.u32 $0xFF, v14;
	v17 =	vshrl.u32 v17, $0x10;
	v22 =	vor.u32 v4, v13;
	v20 =	vld [tilespmem:s19+$0x30]  }
0x2bd: {  	vm6 =	veq.s32 v17, v12;
	v16 =	vand.u32 $0xFF, v16;
	v23 =	vshrl.u32 v21, $0x8;
	v13 =	vld [tilespmem:s19+$0x20]  }
0x2be: {  	v24 =	vor.u32 v9, v14;
	v25 =	vor.u32 v5, v16;
	v17 =	vld [tilespmem:s19+$0xFFFFFFE0]  }
0x2bf: {  	[tilespmem:v18+s10+$0x0] =	vst.idx.add.s32.msk vm5, v10  }
0x2c0: {  	v14 =	vshrl.u32 v15, $0x10;
	v15 =	vshrl.u32 v15, $0x8;
	[tilespmem:v19+s10+$0x0] =	vst.idx.add.s32.msk vm0, v10  }
0x2c1: {  	vm0 =	veq.s32 v14, v12;
	v14 =	vand.u32 $0xFF, v15;
	v15 =	vshrl.u32 v21, $0x10;
	v21 =	vld [tilespmem:s19+$0x0]  }
0x2c2: {  	v16 =	vand.u32 $0xFF, v23;
	v18 =	vshrl.u32 v20, $0x8;
	v26 =	vor.u32 v1, v14;
	v14 =	vld [tilespmem:s19+$0xFFFFFFD0]  }
.Ltmp27:
0x2c3: {  	vm1 =	veq.s32 v15, v12;
	v15 =	vshrl.u32 v20, $0x10;
	v19 =	vand.u32 $0xFF, v18;
	[tilespmem:v24+s10+$0x0] =	vst.idx.add.s32.msk vm4, v10;
	(pc) =	sbr.rel @p0 .LBB2_49-.Ltmp27, $4  }
0x2c4: {  	v16 =	vor.u32 v7, v16;
	vm2 =	veq.s32 v15, v12;
	[tilespmem:v22+s10+$0x0] =	vst.idx.add.s32.msk vm3, v10  }
0x2c5: {  	v18 =	vshrl.u32 v17, $0x8;
	v15 =	vor.u32 v3, v19;
	[tilespmem:v25+s10+$0x0] =	vst.idx.add.s32.msk vm6, v10  }
0x2c6: {  	v19 =	vshrl.u32 v17, $0x10;
	v20 =	vshrl.u32 v21, $0x10;
	v21 =	vshrl.u32 v21, $0x8;
	v17 =	vld [tilespmem:s19+$0x10]  }
0x2c7: {  	s18 =	simm.s32 $0x17030;
	s19 =	sadd.s32 $0x80, s19;
	[tilespmem:v26+s10+$0x0] =	vst.idx.add.s32.msk vm0, v10;
	vm0 =	veq.s32 v20, v12;
	v20 =	vand.u32 $0xFF, v21  }
0x2c8: {  	vm3 =	veq.s32 v19, v12;
	v18 =	vand.u32 $0xFF, v18;
	v19 =	vor.u32 v6, v20  }
0x2c9: {  	v20 =	vshrl.u32 v14, $0x10;
	v21 =	vshrl.u32 v13, $0x10;
	v14 =	vshrl.u32 v14, $0x8  }
0x2ca: {  	v13 =	vshrl.u32 v13, $0x8;
	v18 =	vor.u32 v8, v18;
	vm4 =	veq.s32 v20, v12  }
0x2cb: {  	vm5 =	veq.s32 v21, v12;
	v14 =	vand.u32 $0xFF, v14;
	v13 =	vand.u32 $0xFF, v13  }
0x2cc: {  	v14 =	vor.u32 v9, v14;
	v20 =	vshrl.u32 v17, $0x8;
	v17 =	vshrl.u32 v17, $0x10  }
0x2cd: {  	[tilespmem:v16+s10+$0x0] =	vst.idx.add.s32.msk vm1, v10;
	v13 =	vor.u32 v4, v13;
	vm15 =	veq.s32 v17, v12;
	v12 =	vand.u32 $0xFF, v20  }
0x2ce: {  	[tilespmem:v15+s10+$0x0] =	vst.idx.add.s32.msk vm2, v10;
	v12 =	vor.u32 v5, v12  }
0x2cf: {  	[tilespmem:v19+s10+$0x0] =	vst.idx.add.s32.msk vm0, v10  }
0x2d0: {  	[tilespmem:v18+s10+$0x0] =	vst.idx.add.s32.msk vm3, v10  }
0x2d1: {  	[tilespmem:v14+s10+$0x0] =	vst.idx.add.s32.msk vm4, v10  }
0x2d2: {  	[tilespmem:v13+s10+$0x0] =	vst.idx.add.s32.msk vm5, v10  }
0x2d3: {  	s17 =	simm.s32 $0x0;
	[tilespmem:v12+s10+$0x0] =	vst.idx.add.s32.msk vm15, v10  }
0x2d4: {  	s19 =	sand.u32 $0xFC0, s17;
	v12 =	vld [tilespmem:s18+$0xFFFF8FD0]  }
0x2d5: {  	v13 =	vld [tilespmem:s19+$0x11000]  }
0x2d6: {  	v14 =	vld [tilespmem:s19+$0x12000]  }
0x2d7: {  	v15 =	vld [tilespmem:s19+$0x13000]  }
0x2d8: {  	v16 =	vld [tilespmem:s19+$0x14000]  }
0x2d9: {  	v17 =	vld [tilespmem:s19+$0x15000]  }
0x2da: {  	v18 =	vld [tilespmem:s19+$0x16000]  }
0x2db: {  	v19 =	vld [tilespmem:s19+$0x17000]  }
0x2dc: {  	v20 =	vld [tilespmem:s18+$0xFFFF8FE0]  }
0x2dd: {  	v61 =	vld [tilespmem:s18+$0xFFFF9FE0]  }
0x2de: {  	v22 =	vld [tilespmem:s18+$0xFFFF8FF0]  }
0x2df: {  	v23 =	vld [tilespmem:s18+$0xFFFF9FF0]  }
0x2e0: {  	v24 =	vld [tilespmem:s18+$0xFFFF9000]  }
0x2e1: {  	v25 =	vld [tilespmem:s18+$0xFFFFA000]  }
0x2e2: {  	v26 =	vld [tilespmem:s18+$0xFFFFAFE0]  }
0x2e3: {  	v27 =	vld [tilespmem:s18+$0xFFFFAFF0]  }
0x2e4: {  	v28 =	vld [tilespmem:s18+$0xFFFFB000]  }
0x2e5: {  	v29 =	vld [tilespmem:s18+$0xFFFFBFE0]  }
0x2e6: {  	v30 =	vld [tilespmem:s18+$0xFFFFBFF0]  }
0x2e7: {  	v31 =	vld [tilespmem:s18+$0xFFFFC000]  }
0x2e8: {  	v32 =	vld [tilespmem:s18+$0xFFFFCFE0];
	v12 =	vadd.s32 v12, v13  }
0x2e9: {  	v33 =	vld [tilespmem:s18+$0xFFFFCFF0];
	v12 =	vadd.s32 v14, v12  }
0x2ea: {  	v34 =	vld [tilespmem:s18+$0xFFFFE000];
	v12 =	vadd.s32 v15, v12  }
0x2eb: {  	v15 =	vld [tilespmem:s18+$0xFFFFD000];
	v12 =	vadd.s32 v16, v12  }
0x2ec: {  	v16 =	vld [tilespmem:s18+$0xFFFFDFE0];
	v12 =	vadd.s32 v17, v12  }
0x2ed: {  	v17 =	vld [tilespmem:s18+$0xFFFFDFF0];
	v12 =	vadd.s32 v18, v12  }
0x2ee: {  	v18 =	vadd.s32 v19, v12;
	v12 =	vadd.s32 v20, v61;
	v19 =	vld [tilespmem:s18+$0xFFFFEFE0]  }
0x2ef: {  	v13 =	vadd.s32 v22, v23;
	v14 =	vadd.s32 v24, v25;
	v20 =	vadd.s32 v26, v12;
	v12 =	vld [tilespmem:s18+$0xFFFFEFF0]  }
0x2f0: {  	v62 =	vadd.s32 v27, v13;
	v13 =	vld [tilespmem:s18+$0xFFFFF000];
	v14 =	vadd.s32 v28, v14;
	v20 =	vadd.s32 v29, v20  }
0x2f1: {  	v21 =	vadd.s32 v30, v62;
	v63 =	vadd.s32 v31, v14;
	v14 =	vld [tilespmem:s18+$0xFFFFFFE0];
	v20 =	vadd.s32 v32, v20  }
0x2f2: {  	v21 =	vadd.s32 v33, v21;
	v22 =	vadd.s32 v15, v63;
	v15 =	vld [tilespmem:s18+$0xFFFFFFF0];
	v16 =	vadd.s32 v16, v20  }
0x2f3: {  	s20 =	simm.s32 $0x40;
	s21 =	simm.s32 $0x17070;
	s19 =	simm.s32 $0x0;
	[tilespmem:s18+$0xFFFF8FD0] =	vst v18;
	v18 =	vadd.s32 v17, v21;
	v17 =	vadd.s32 v34, v22;
	v19 =	vadd.s32 v19, v16;
	v16 =	vld [tilespmem:s18+$0x0]  }
.LBB2_51:
0x2f4: {  	v20 =	vld [tilespmem:s21+$0xFFFF8FD0];
	s22 =	sand.u32 $0xFC0, s20;
	s19 =	sadd.s32 $0x4, s19;
	v12 =	vadd.s32 v12, v18  }
0x2f5: {  	v18 =	vld [tilespmem:s22+$0x11000];
	p0 =	slt.u32 s19, $0xFC;
	v13 =	vadd.s32 v13, v17  }
0x2f6: {  	v17 =	vld [tilespmem:s22+$0x12000];
	v14 =	vadd.s32 v14, v19  }
0x2f7: {  	v19 =	vld [tilespmem:s22+$0x13000];
	[tilespmem:s18+$0xFFFF8FE0] =	vst v14;
	v12 =	vadd.s32 v15, v12  }
0x2f8: {  	v14 =	vld [tilespmem:s22+$0x14000];
	[tilespmem:s18+$0xFFFF8FF0] =	vst v12;
	v12 =	vadd.s32 v16, v13  }
0x2f9: {  	v13 =	vld [tilespmem:s22+$0x15000];
	[tilespmem:s18+$0xFFFF9000] =	vst v12;
	s18 =	smov.u32 s21  }
0x2fa: {  	v12 =	vadd.s32 v20, v18;
	v15 =	vld [tilespmem:s22+$0x16000]  }
0x2fb: {  	v12 =	vadd.s32 v17, v12;
	v16 =	vld [tilespmem:s22+$0x17000]  }
0x2fc: {  	v12 =	vadd.s32 v19, v12;
	v17 =	vld [tilespmem:s21+$0xFFFF8FE0]  }
0x2fd: {  	v12 =	vadd.s32 v14, v12;
	v14 =	vld [tilespmem:s21+$0xFFFF9FE0]  }
0x2fe: {  	v12 =	vadd.s32 v13, v12;
	v13 =	vld [tilespmem:s21+$0xFFFF8FF0]  }
0x2ff: {  	v12 =	vadd.s32 v15, v12;
	v15 =	vld [tilespmem:s21+$0xFFFF9FF0]  }
0x300: {  	v12 =	vadd.s32 v16, v12;
	v16 =	vld [tilespmem:s21+$0xFFFF9000]  }
0x301: {  	[tilespmem:s21+$0xFFFF8FD0] =	vst v12;
	v12 =	vld [tilespmem:s21+$0xFFFFA000]  }
0x302: {  	v14 =	vadd.s32 v17, v14;
	v17 =	vld [tilespmem:s21+$0xFFFFAFE0]  }
0x303: {  	v18 =	vld [tilespmem:s21+$0xFFFFAFF0]  }
0x304: {  	v13 =	vadd.s32 v13, v15;
	v15 =	vld [tilespmem:s21+$0xFFFFB000]  }
0x305: {  	v19 =	vld [tilespmem:s21+$0xFFFFBFE0]  }
0x306: {  	v20 =	vld [tilespmem:s21+$0xFFFFBFF0];
	v12 =	vadd.s32 v16, v12  }
0x307: {  	v14 =	vadd.s32 v17, v14;
	v16 =	vld [tilespmem:s21+$0xFFFFC000]  }
0x308: {  	v17 =	vld [tilespmem:s21+$0xFFFFCFE0];
	v13 =	vadd.s32 v18, v13  }
0x309: {  	v18 =	vld [tilespmem:s21+$0xFFFFCFF0];
	v12 =	vadd.s32 v15, v12  }
0x30a: {  	v14 =	vadd.s32 v19, v14;
	v15 =	vld [tilespmem:s21+$0xFFFFD000]  }
0x30b: {  	v19 =	vld [tilespmem:s21+$0xFFFFDFE0];
	v13 =	vadd.s32 v20, v13  }
0x30c: {  	v20 =	vld [tilespmem:s21+$0xFFFFDFF0];
	v16 =	vadd.s32 v16, v12  }
0x30d: {  	v14 =	vadd.s32 v17, v14;
	v17 =	vld [tilespmem:s21+$0xFFFFE000]  }
0x30e: {  	v21 =	vld [tilespmem:s21+$0xFFFFEFE0];
	v18 =	vadd.s32 v18, v13  }
.Ltmp28:
0x30f: {  	v12 =	vld [tilespmem:s21+$0xFFFFEFF0];
	v16 =	vadd.s32 v15, v16;
	(pc) =	sbr.rel @p0 .LBB2_51-.Ltmp28, $4  }
0x310: {  	v19 =	vadd.s32 v19, v14;
	v13 =	vld [tilespmem:s21+$0xFFFFF000]  }
0x311: {  	v14 =	vld [tilespmem:s21+$0xFFFFFFE0];
	v18 =	vadd.s32 v20, v18  }
0x312: {  	v15 =	vld [tilespmem:s21+$0xFFFFFFF0];
	v17 =	vadd.s32 v17, v16  }
0x313: {  	s20 =	sadd.s32 $0x40, s20;
	s21 =	sadd.s32 $0x40, s21;
	v19 =	vadd.s32 v21, v19;
	v16 =	vld [tilespmem:s18+$0x0]  }
0x314: {  	_ =	sdelay $0x1  }
0x315: {  	v12 =	vadd.s32 v12, v18;
	v14 =	vadd.s32 v14, v19  }
0x316: {  	v13 =	vadd.s32 v13, v17;
	[tilespmem:s18+$0xFFFF8FE0] =	vst v14;
	v12 =	vadd.s32 v15, v12  }
0x317: {  	[tilespmem:s18+$0xFFFF8FF0] =	vst v12;
	v12 =	vadd.s32 v16, v13  }
0x318: {  	s20 =	simm.s32 $0x0;
	[tilespmem:s18+$0xFFFF9000] =	vst v12  }
0x319: {  	v12 =	vld [tilespmem:s20+$0x100F0]  }
0x31a: {  	v13 =	vld [tilespmem:s20+$0x101F0]  }
0x31b: {  	v14 =	vld [tilespmem:s20+$0x102F0]  }
0x31c: {  	v15 =	vld [tilespmem:s20+$0x103F0]  }
0x31d: {  	v16 =	vld [tilespmem:s20+$0x104F0]  }
0x31e: {  	v17 =	vld [tilespmem:s20+$0x105F0]  }
0x31f: {  	v18 =	vld [tilespmem:s20+$0x106F0];
	v12 =	vadd.s32 v12, v13  }
0x320: {  	v19 =	vld [tilespmem:s20+$0x107F0];
	v12 =	vadd.s32 v14, v12  }
0x321: {  	v13 =	vld [tilespmem:s20+$0x108F0];
	v12 =	vadd.s32 v15, v12  }
0x322: {  	v14 =	vld [tilespmem:s20+$0x109F0];
	v12 =	vadd.s32 v16, v12  }
0x323: {  	v15 =	vld [tilespmem:s20+$0x10AF0];
	v12 =	vadd.s32 v17, v12  }
0x324: {  	v16 =	vld [tilespmem:s20+$0x10BF0];
	v12 =	vadd.s32 v18, v12  }
0x325: {  	v17 =	vld [tilespmem:s20+$0x10CF0];
	v12 =	vadd.s32 v19, v12  }
0x326: {  	v18 =	vld [tilespmem:s20+$0x10DF0];
	v12 =	vadd.s32 v13, v12  }
0x327: {  	v19 =	vld [tilespmem:s20+$0x10EF0];
	v12 =	vadd.s32 v14, v12  }
0x328: {  	s18 =	simm.s32 $0xFFFFFFF0;
	v13 =	vld [tilespmem:s20+$0x10FF0];
	v12 =	vadd.s32 v15, v12  }
0x329: {  	v14 =	vld [tilespmem:s18+$0x100F0];
	v12 =	vadd.s32 v16, v12  }
0x32a: {  	v15 =	vld [tilespmem:s18+$0x101F0];
	v12 =	vadd.s32 v17, v12  }
0x32b: {  	v16 =	vld [tilespmem:s18+$0x102F0];
	v12 =	vadd.s32 v18, v12  }
0x32c: {  	v17 =	vld [tilespmem:s18+$0x103F0];
	v12 =	vadd.s32 v19, v12  }
0x32d: {  	v18 =	vld [tilespmem:s18+$0x104F0];
	v20 =	vadd.s32 v13, v12  }
0x32e: {  	v19 =	vld [tilespmem:s18+$0x105F0];
	(xrf0) =	vadd.scan.msk.s32 $0xffff, v20  }
0x32f: {  	v12 =	vld [tilespmem:s18+$0x106F0];
	v13 =	vadd.s32 v14, v15  }
0x330: {  	v14 =	vld [tilespmem:s18+$0x107F0];
	v13 =	vadd.s32 v16, v13  }
0x331: {  	v15 =	vld [tilespmem:s18+$0x108F0];
	v13 =	vadd.s32 v17, v13  }
0x332: {  	v16 =	vld [tilespmem:s18+$0x109F0];
	v13 =	vadd.s32 v18, v13  }
0x333: {  	v17 =	vld [tilespmem:s18+$0x10AF0];
	v13 =	vadd.s32 v19, v13  }
0x334: {  	v18 =	vld [tilespmem:s18+$0x10BF0];
	v13 =	vadd.s32 v12, v13;
	v19, _, _ =	vpop (xrf0)  }
0x335: {  	v12 =	vld [tilespmem:s18+$0x10CF0];
	v14 =	vadd.s32 v14, v13;
	(v2sf) =	vpush v19, $0xF  }
0x336: {  	v20 =	vadd.s32 s17, v20;
	v13 =	vld [tilespmem:s18+$0x10DF0];
	v15 =	vadd.s32 v15, v14;
	v21 =	vbroadcast v19, $0xF  }
0x337: {  	v14 =	vld [tilespmem:s18+$0x10EF0];
	v16 =	vadd.s32 v16, v15;
	v20 =	vsub.s32 v20, v19  }
0x338: {  	s19 =	simm.s32 $0xFFFFFFE0;
	v15 =	vld [tilespmem:s18+$0x10FF0];
	v17 =	vadd.s32 v17, v16;
	v20 =	vadd.s32 v21, v20  }
0x339: {  	s21 =	simm.s32 $0xFFFFFF40;
	v16 =	vld [tilespmem:s19+$0x100F0];
	v17 =	vadd.s32 v18, v17;
	[tilespmem:s20+$0x180F0] =	vst v20  }
.LBB2_53:
0x33a: {  	p0 =	seq.s32 s21, $0xFFFFFC40;
	v18 =	vld [tilespmem:s19+$0x101F0];
	v12 =	vadd.s32 v12, v17  }
0x33b: {  	v17 =	vld [tilespmem:s19+$0x102F0];
	v12 =	vadd.s32 v13, v12  }
0x33c: {  	v13 =	vld [tilespmem:s19+$0x103F0];
	v12 =	vadd.s32 v14, v12  }
0x33d: {  	v14 =	vld [tilespmem:s19+$0x104F0];
	v15 =	vadd.s32 v15, v12  }
0x33e: {  	v12 =	vld [tilespmem:s19+$0x105F0];
	(xrf0) =	vadd.scan.msk.s32 $0xffff, v15  }
0x33f: {  	v16 =	vadd.s32 v16, v18;
	v18 =	vld [tilespmem:s19+$0x106F0]  }
0x340: {  	v16 =	vadd.s32 v17, v16;
	v17 =	vld [tilespmem:s19+$0x107F0]  }
0x341: {  	v13 =	vadd.s32 v13, v16;
	v16 =	vld [tilespmem:s19+$0x108F0]  }
0x342: {  	v13 =	vadd.s32 v14, v13;
	v14 =	vld [tilespmem:s19+$0x109F0]  }
0x343: {  	v12 =	vadd.s32 v12, v13;
	v19 =	vld [tilespmem:s19+$0x10AF0]  }
0x344: {  	v12 =	vadd.s32 v18, v12;
	v18 =	vld [tilespmem:s19+$0x10BF0];
	v20, _, _ =	vpop (xrf0);
	s20 =	spop (v2sf)  }
.Ltmp29:
0x345: {  	v13 =	vadd.s32 v17, v12;
	v12 =	vld [tilespmem:s19+$0x10CF0];
	v17 =	vbroadcast v20, $0xF;
	(v2sf) =	vpush v20, $0xF;
	s17 =	sadd.s32 s17, s20;
	(pc) =	sbr.rel @!p0 .LBB2_53-.Ltmp29, $4  }
0x346: {  	v16 =	vadd.s32 v16, v13;
	v13 =	vld [tilespmem:s19+$0x10DF0];
	v15 =	vadd.s32 s17, v15  }
0x347: {  	v16 =	vadd.s32 v14, v16;
	v14 =	vld [tilespmem:s19+$0x10EF0];
	v20 =	vsub.s32 v15, v20  }
0x348: {  	s20 =	sshra.s32 s21, $0x2;
	v19 =	vadd.s32 v19, v16;
	v15 =	vld [tilespmem:s19+$0x10FF0];
	v20 =	vadd.s32 v17, v20  }
0x349: {  	s21 =	sadd.s32 $0xFFFFFFC0, s21;
	v16 =	vld [tilespmem:s20+$0x100F0];
	v17 =	vadd.s32 v18, v19;
	[tilespmem:s18+$0x180F0] =	vst v20;
	s18 =	smov.u32 s19;
	s19 =	smov.u32 s20  }
0x34a: {  	v18 =	vld [tilespmem:s19+$0x101F0]  }
0x34b: {  	v19 =	vld [tilespmem:s19+$0x102F0]  }
0x34c: {  	v20 =	vld [tilespmem:s19+$0x103F0]  }
0x34d: {  	v21 =	vld [tilespmem:s19+$0x104F0]  }
0x34e: {  	v22 =	vld [tilespmem:s19+$0x105F0]  }
0x34f: {  	v55 =	vld [tilespmem:s19+$0x106F0];
	v16 =	vadd.s32 v16, v18  }
0x350: {  	v56 =	vld [tilespmem:s19+$0x107F0];
	v16 =	vadd.s32 v19, v16  }
0x351: {  	v57 =	vld [tilespmem:s19+$0x108F0];
	v16 =	vadd.s32 v20, v16  }
0x352: {  	v58 =	vld [tilespmem:s19+$0x109F0];
	v12 =	vadd.s32 v12, v17;
	v16 =	vadd.s32 v21, v16  }
0x353: {  	v59 =	vld [tilespmem:s19+$0x10AF0];
	v12 =	vadd.s32 v13, v12;
	v16 =	vadd.s32 v22, v16  }
0x354: {  	v60 =	vld [tilespmem:s19+$0x10BF0];
	v12 =	vadd.s32 v14, v12;
	v16 =	vadd.s32 v55, v16  }
0x355: {  	v61 =	vld [tilespmem:s19+$0x10CF0];
	v12 =	vadd.s32 v15, v12;
	v16 =	vadd.s32 v56, v16  }
0x356: {  	v62 =	vld [tilespmem:s19+$0x10DF0];
	(xrf0) =	vadd.scan.msk.s32 $0xffff, v12;
	v13 =	vadd.s32 v57, v16  }
0x357: {  	v14 =	vld [tilespmem:s19+$0x10EF0];
	v13 =	vadd.s32 v58, v13  }
0x358: {  	v13 =	vadd.s32 v59, v13  }
0x359: {  	v13 =	vadd.s32 v60, v13  }
0x35a: {  	v13 =	vadd.s32 v61, v13  }
0x35b: {  	v13 =	vadd.s32 v62, v13  }
0x35c: {  	v13 =	vadd.s32 v14, v13;
	v14, _, _ =	vpop (xrf0)  }
0x35d: {  	(v2sf) =	vpush v14, $0xF;
	_ =	sdelay $0x3  }
0x35e: {  	v15 =	vld [tilespmem:s19+$0x10FF0];
	_ =	sdelay $0x4  }
0x35f: {  	v13 =	vadd.s32 v15, v13  }
0x360: {  	(xrf0) =	vadd.scan.msk.s32 $0xffff, v13;
	_ =	sdelay $0x3  }
0x361: {  	s20 =	spop (v2sf)  }
0x362: {  	s17 =	sadd.s32 s17, s20;
	s21 =	spop (v2sf)  }
0x363: {  	v12 =	vadd.s32 s17, v12;
	v63 =	vbroadcast v14, $0xF;
	v15, _, _ =	vpop (xrf0);
	s17 =	sadd.s32 s17, s21  }
0x364: {  	v12 =	vsub.s32 v12, v14;
	v14 =	vbroadcast v15, $0xF;
	v13 =	vadd.s32 s17, v13  }
0x365: {  	v12 =	vadd.s32 v63, v12;
	v13 =	vsub.s32 v13, v15  }
0x366: {  	[tilespmem:s18+$0x180F0] =	vst v12;
	v12 =	vadd.s32 v14, v13  }
0x367: {  	(v2sf) =	vpush v15, $0xF;
	s17 =	simm.s32 $0x18000;
	[tilespmem:s19+$0x180F0] =	vst v12  }
0x368: {  	v13 =	vld [tilespmem:s17+$0x0];
	_ =	sdelay $0x2  }
0x369: {  	s14 =	ssub.s32 s14, s16  }
0x36a: {  	s16 =	simm.s32 $0x0;
	v12 =	vmov s14  }
0x36b: {  	vm0 =	vlt.s32 v13, v12;
	v13 =	vadd.s32 s16, v11  }
0x36c: {  	v13 =	vsel vm0, $0x80000000, v13  }
0x36d: {  	(xrf0) =	vmax.scan.msk.u32 $0xffff, v13;
	_ =	sdelay $0x4  }
0x36e: {  	s23 =	simm.s32 $0x18010  }
0x36f: {  	s24 =	simm.s32 $0x18020;
	v14 =	vld [tilespmem:s23+$0x0];
	v13, _, _ =	vpop (xrf0)  }
0x370: {  	s22 =	spop (v2sf);
	(v2sf) =	vpush v13, $0xF;
	v13 =	vld [tilespmem:s24+$0x0];
	_ =	sdelay $0x2  }
0x371: {  	s25 =	simm.s32 $0x10  }
0x372: {  	s26 =	simm.s32 $0x20;
	vm0 =	vlt.s32 v14, v12;
	v14 =	vadd.s32 s25, v11  }
0x373: {  	v14 =	vsel vm0, $0x80000000, v14;
	vm0 =	vlt.s32 v13, v12;
	v13 =	vadd.s32 s26, v11  }
0x374: {  	(xrf0) =	vmax.scan.msk.u32 $0xffff, v14;
	v13 =	vsel vm0, $0x80000000, v13  }
0x375: {  	(xrf0) =	vmax.scan.msk.u32 $0xffff, v13;
	_ =	sdelay $0x3  }
0x376: {  	s28 =	simm.s32 $0x18030  }
0x377: {  	v14 =	vld [tilespmem:s28+$0x0];
	v15, _, _ =	vpop (xrf0)  }
0x378: {  	(v2sf) =	vpush v15, $0xF;
	v15, _, _ =	vpop (xrf0)  }
0x379: {  	(v2sf) =	vpush v15, $0xF;
	_ =	sdelay $0x1  }
0x37a: {  	s29 =	simm.s32 $0x18040;
	s30 =	simm.s32 $0x30  }
0x37b: {  	vm0 =	vlt.s32 v14, v12;
	v14 =	vadd.s32 s30, v11;
	v13 =	vld [tilespmem:s29+$0x0]  }
0x37c: {  	v14 =	vsel vm0, $0x80000000, v14  }
0x37d: {  	(xrf0) =	vmax.scan.msk.u32 $0xffff, v14;
	_ =	sdelay $0x1  }
0x37e: {  	s31 =	simm.s32 $0x40  }
0x37f: {  	s18 =	simm.s32 $0x18050;
	s17 =	simm.s32 $0x50;
	vm0 =	vlt.s32 v13, v12;
	v13 =	vadd.s32 s31, v11;
	s19 =	spop (v2sf)  }
.LBB2_55:
0x380: {  	s20 =	smov.u32 s16;
	p0 =	sne.s32 s17, $0xF0  }
0x381: {  	v15 =	vsel vm0, $0x80000000, v13;
	s16 =	sxor.u32 $0x80000000, s19;
	s19 =	smov.u32 s17;
	s17 =	sadd.s32 $0x10, s17;
	v14 =	vld [tilespmem:s18+$0x0]  }
.Ltmp30:
0x382: {  	p1 =	sgt.s32 s20, s16;
	(xrf0) =	vmax.scan.msk.u32 $0xffff, v15;
	v13, _, _ =	vpop (xrf0);
	(pc) =	sbr.rel @p0 .LBB2_55-.Ltmp30, $2  }
0x383: {  	s16 =	smov.u32 @p1 s20;
	(v2sf) =	vpush v13, $0xF;
	_ =	sdelay $0x2  }
0x384: {  	s18 =	sadd.s32 $0x10, s18;
	v13 =	vadd.s32 s19, v11;
	vm0 =	vlt.s32 v14, v12;
	s19 =	spop (v2sf)  }
0x385: {  	v12 =	vsel vm0, $0x80000000, v13  }
0x386: {  	(xrf0) =	vmax.scan.msk.u32 $0xffff, v12;
	_ =	sdelay $0x3  }
0x387: {  	v12, _, _ =	vpop (xrf0)  }
0x388: {  	(v2sf) =	vpush v12, $0xF  }
0x389: {  	v12, _, _ =	vpop (xrf0)  }
0x38a: {  	(v2sf) =	vpush v12, $0xF;
	_ =	sdelay $0x7  }
0x38b: {  	s17 =	sxor.u32 $0x80000000, s19  }
0x38c: {  	s18 =	spop (v2sf);
	p0 =	sgt.s32 s16, s17  }
0x38d: {  	s17 =	smov.u32 @p0 s16;
	s16 =	sxor.u32 $0x80000000, s18  }
0x38e: {  	p0 =	sgt.s32 s17, s16;
	s28 =	spop (v2sf)  }
0x38f: {  	s16 =	smov.u32 @p0 s17;
	s17 =	sxor.u32 $0x80000000, s28  }
0x390: {  	p0 =	sgt.s32 s16, s17;
	s29 =	spop (v2sf)  }
0x391: {  	s30 =	simm.s32 $0x18000;
	s17 =	smov.u32 @p0 s16;
	s16 =	sxor.u32 $0x80000000, s29  }
0x392: {  	p4 =	por $0x0, $0x0;
	v13 =	vld [tilespmem:s30+$0x0];
	p0 =	sgt.s32 s17, s16;
	s31 =	spop (v2sf)  }
.Ltmp31:
0x393: {  	s16 =	smov.u32 @p0 s17;
	s17 =	sxor.u32 $0x80000000, s31;
	(pc) =	sbr.rel @p4 .LBB2_57-.Ltmp31, $4  }
0x394: {  	p0 =	sgt.s32 s16, s17  }
0x395: {  	s18 =	simm.s32 $0x0;
	s17 =	smov.u32 @p0 s16  }
0x396: {  	s19 =	simm.s32 $0x18010;
	p1 =	por $0x0, $0x0;
	p2 =	por $0x0, $0x0;
	v14 =	vor.u32 s18, v0;
	v12 =	vmov s17  }
0x397: {  	p3 =	por $0x0, $0x0;
	v13 =	vxor.u32 $0x80000000, v13;
	s16 =	simm.s32 $0x10;
	p0 =	por $0x0, $0x0;
	vm0 =	veq.s32 v14, v12  }
0x398: {  	v14 =	vld [tilespmem:s19+$0x0];
	p4 =	por $0x0, $0x0  }
.Ltmp32:
0x399: {  	_ = 	snop;
	(pc) =	sbr.rel @p4 .LBB2_59-.Ltmp32, $3  }
0x39a: {  	_ =	sdelay $0x1  }
0x39b: {  	v13 =	vnsel vm0, $0x80000000, v13;
	v15 =	vor.u32 s16, v0  }
0x39c: {  	s16 =	simm.s32 $0x20;
	s19 =	simm.s32 $0x18020;
	p0 =	por $0x1, $0x1;
	(xrf0) =	vmax.scan.msk.u32 $0xffff, v13;
	vm0 =	veq.s32 v15, v12;
	v13 =	vxor.u32 $0x80000000, v14  }
0x39d: {  	_ = 	snop  }
0x39e: {  	v14 =	vld [tilespmem:s19+$0x0];
	p4 =	por $0x0, $0x0  }
.Ltmp33:
0x39f: {  	_ = 	snop;
	(pc) =	sbr.rel @p4 .LBB2_61-.Ltmp33, $3  }
0x3a0: {  	_ =	sdelay $0x1  }
0x3a1: {  	v13 =	vnsel vm0, $0x80000000, v13;
	v16 =	vor.u32 s16, v0;
	v15, _, _ =	vpop (xrf0)  }
0x3a2: {  	s16 =	simm.s32 $0x30;
	s19 =	simm.s32 $0x18030;
	p1 =	por $0x1, $0x1;
	vm0 =	veq.s32 v16, v12;
	(xrf0) =	vmax.scan.msk.u32 $0xffff, v13;
	v13 =	vxor.u32 $0x80000000, v14;
	(v2sf) =	vpush v15, $0xF  }
0x3a3: {  	_ =	sdelay $0x4  }
0x3a4: {  	v15, _, _ =	vpop (xrf0)  }
0x3a5: {  	(v2sf) =	vpush v15, $0xF;
	_ =	sdelay $0x2  }
0x3a6: {  	v14 =	vld [tilespmem:s19+$0x0];
	p4 =	por $0x0, $0x0  }
.Ltmp34:
0x3a7: {  	_ = 	snop;
	(pc) =	sbr.rel @p4 .LBB2_63-.Ltmp34, $3  }
0x3a8: {  	_ =	sdelay $0x1  }
0x3a9: {  	v13 =	vnsel vm0, $0x80000000, v13;
	v16 =	vor.u32 s16, v0  }
0x3aa: {  	s16 =	simm.s32 $0x40;
	s19 =	simm.s32 $0x18040;
	p2 =	por $0x1, $0x1;
	vm0 =	veq.s32 v16, v12;
	(xrf0) =	vmax.scan.msk.u32 $0xffff, v13;
	v13 =	vxor.u32 $0x80000000, v14  }
0x3ab: {  	_ =	sdelay $0x4  }
0x3ac: {  	v15, _, _ =	vpop (xrf0)  }
0x3ad: {  	(v2sf) =	vpush v15, $0xF;
	_ =	sdelay $0x2  }
0x3ae: {  	v14 =	vld [tilespmem:s19+$0x0];
	p4 =	por $0x0, $0x0  }
.Ltmp35:
0x3af: {  	v13 =	vnsel vm0, $0x80000000, v13;
	(pc) =	sbr.rel @p4 .LBB2_65-.Ltmp35, $3  }
0x3b0: {  	(xrf0) =	vmax.scan.msk.u32 $0xffff, v13;
	_ =	sdelay $0x1  }
0x3b1: {  	s20 =	simm.s32 $0x50;
	v16 =	vor.u32 s16, v0;
	s21 =	simm.s32 $0x18050  }
0x3b2: {  	s19 =	spop (v2sf);
	p3 =	por $0x1, $0x1;
	s16 =	simm.s32 $0x0;
	vm0 =	veq.s32 v16, v12;
	v13 =	vxor.u32 $0x80000000, v14  }
.LBB2_66:
0x3b3: {  	s22 =	smov.u32 s16;
	p4 =	seq.s32 s20, $0xF0  }
0x3b4: {  	v15 =	vnsel vm0, $0x80000000, v13;
	s16 =	sxor.u32 $0x80000000, s19;
	s19 =	smov.u32 s20;
	s20 =	sadd.s32 $0x10, s20;
	v14 =	vld [tilespmem:s21+$0x0]  }
.Ltmp36:
0x3b5: {  	p5 =	sgt.s32 s22, s16;
	(xrf0) =	vmax.scan.msk.u32 $0xffff, v15;
	v13, _, _ =	vpop (xrf0);
	(pc) =	sbr.rel @!p4 .LBB2_66-.Ltmp36, $3  }
0x3b6: {  	s16 =	smov.u32 @p5 s22;
	(v2sf) =	vpush v13, $0xF;
	_ =	sdelay $0x1  }
0x3b7: {  	v13 =	vor.u32 s19, v0  }
0x3b8: {  	s21 =	sadd.s32 $0x10, s21;
	vm0 =	veq.s32 v13, v12;
	v13 =	vxor.u32 $0x80000000, v14;
	s19 =	spop (v2sf)  }
0x3b9: {  	_ = 	snop  }
.LBB2_68:
0x3ba: {  	v12 =	vnsel vm0, $0x80000000, v13;
	_ =	sdelay $0x1  }
0x3bb: {  	(xrf0) =	vmax.scan.msk.u32 $0xffff, v12  }
0x3bc: {  	v12, _, _ =	vpop @p0 (xrf0)  }
0x3bd: {  	(v2sf) =	vpush @p0 v12, $0xF;
	_ =	sdelay $0x3  }
0x3be: {  	v63, _, _ =	vpop (xrf0)  }
0x3bf: {  	s19 =	sxor.u32 @p3 $0x80000000, s19;
	(v2sf) =	vpush v63, $0xF  }
0x3c0: {  	p4 =	sgt.s32 @p3 s16, s19  }
0x3c1: {  	s20 =	spop @p2 (v2sf);
	p4 =	por !p4, !p3  }
0x3c2: {  	s16 =	smov.u32 @p4 s19;
	s19 =	smov.u32 @p2 s20;
	s20 =	simm.s32 $0x0  }
0x3c3: {  	s20 =	smov.u32 @p3 s16;
	s16 =	sxor.u32 @p2 $0x80000000, s19  }
0x3c4: {  	p3 =	sgt.s32 @p2 s20, s16  }
0x3c5: {  	p3 =	por !p3, !p2;
	s19 =	spop @p1 (v2sf)  }
0x3c6: {  	s20 =	smov.u32 @p3 s16;
	s16 =	smov.u32 @p1 s19;
	s19 =	simm.s32 $0x0  }
0x3c7: {  	s19 =	smov.u32 @p2 s20;
	s16 =	sxor.u32 @p1 $0x80000000, s16  }
0x3c8: {  	p2 =	sgt.s32 @p1 s19, s16  }
0x3c9: {  	p2 =	por !p2, !p1;
	s20 =	spop @p0 (v2sf)  }
0x3ca: {  	s19 =	smov.u32 @p2 s16;
	s16 =	smov.u32 @p0 s20;
	s20 =	simm.s32 $0x0  }
0x3cb: {  	s20 =	smov.u32 @p1 s19;
	s16 =	sxor.u32 @p0 $0x80000000, s16  }
0x3cc: {  	p1 =	sgt.s32 @p0 s20, s16  }
0x3cd: {  	p1 =	por !p1, !p0  }
0x3ce: {  	s31 =	spop (v2sf);
	s20 =	smov.u32 @p1 s16  }
0x3cf: {  	s16 =	sxor.u32 $0x80000000, s31;
	s18 =	smov.u32 @p0 s20  }
0x3d0: {  	p0 =	sgt.s32 s18, s16  }
0x3d1: {  	s16 =	smov.u32 @p0 s18;
	s18 =	simm.s32 $0x10040  }
0x3d2: {  	[tilespmem:s18+$0xFFFFFFC0] =	vst v2  }
0x3d3: {  	[tilespmem:s18+$0x30] =	vst v2  }
0x3d4: {  	[tilespmem:s18+$0x20] =	vst v2  }
0x3d5: {  	[tilespmem:s18+$0x10] =	vst v2  }
0x3d6: {  	[tilespmem:s18+$0x0] =	vst v2  }
0x3d7: {  	[tilespmem:s18+$0xFFFFFFF0] =	vst v2  }
0x3d8: {  	s19 =	simm.s32 $0x0;
	[tilespmem:s18+$0xFFFFFFE0] =	vst v2  }
.LBB2_69:
0x3d9: {  	s19 =	sadd.s32 $0x8, s19;
	[tilespmem:s18+$0xFFFFFFD0] =	vst v2;
	s18 =	sadd.s32 $0x80, s18  }
0x3da: {  	[tilespmem:s18+$0xFFFFFFC0] =	vst v2;
	p0 =	slt.u32 s19, $0x7F8  }
0x3db: {  	[tilespmem:s18+$0x30] =	vst v2  }
.Ltmp37:
0x3dc: {  	[tilespmem:s18+$0x20] =	vst v2;
	(pc) =	sbr.rel @p0 .LBB2_69-.Ltmp37, $4  }
0x3dd: {  	[tilespmem:s18+$0x10] =	vst v2  }
0x3de: {  	[tilespmem:s18+$0x0] =	vst v2  }
0x3df: {  	[tilespmem:s18+$0xFFFFFFF0] =	vst v2  }
0x3e0: {  	[tilespmem:s18+$0xFFFFFFE0] =	vst v2  }
0x3e1: {  	[tilespmem:s18+$0xFFFFFFD0] =	vst v2;
	s31 =	simm.s32 $0x8040  }
0x3e2: {  	v13 =	vld [tilespmem:s31+$0xFFFFFFC0]  }
0x3e3: {  	v15 =	vld [tilespmem:s31+$0xFFFFFFE0];
	_ =	sdelay $0x1  }
0x3e4: {  	s17 =	sadd.s32 $0xFFFFFFFF, s17;
	s15 =	sshll.u32 s15, $0x8  }
0x3e5: {  	s15 =	sor.u32 s15, s17;
	v17 =	vld [tilespmem:s31+$0xFFFFFFF0]  }
0x3e6: {  	v19 =	vld [tilespmem:s31+$0x20];
	v12 =	vmov s15;
	v14 =	vshrl.u32 v13, $0x8  }
0x3e7: {  	v13 =	vand.u32 $0xFF, v13;
	v16 =	vshrl.u32 v15, $0x8;
	vm3 =	veq.s32 v14, v12  }
0x3e8: {  	v21 =	vld [tilespmem:s31+$0x30];
	v15 =	vand.u32 $0xFF, v15;
	v20 =	vor.u32 v1, v13;
	vm2 =	veq.s32 v16, v12  }
0x3e9: {  	v13 =	vld [tilespmem:s31+$0xFFFFFFD0];
	v16 =	vor.u32 v8, v15;
	_ =	sdelay $0x1  }
0x3ea: {  	v22 =	vshrl.u32 v19, $0x8;
	v14 =	vand.u32 $0xFF, v17;
	v15 =	vshrl.u32 v17, $0x8;
	v17 =	vld [tilespmem:s31+$0x10]  }
0x3eb: {  	v18 =	vld [tilespmem:s31+$0x0];
	vm1 =	veq.s32 v22, v12;
	vm0 =	veq.s32 v15, v12;
	v15 =	vand.u32 $0xFF, v19  }
0x3ec: {  	s19 =	simm.s32 $0x80C0;
	s17 =	simm.s32 $0x0;
	v19 =	vand.u32 $0xFF, v21;
	v15 =	vor.u32 v4, v15;
	[tilespmem:v20+s10+$0x0] =	vst.idx.add.s32.msk vm3, v10;
	v20 =	vshrl.u32 v21, $0x8  }
.LBB2_71:
0x3ed: {  	s17 =	sadd.s32 $0x8, s17;
	v21 =	vshrl.u32 v13, $0x8;
	[tilespmem:v16+s10+$0x0] =	vst.idx.add.s32.msk vm2, v10;
	vm3 =	veq.s32 v20, v12  }
0x3ee: {  	v13 =	vand.u32 $0xFF, v13;
	v16 =	vor.u32 v7, v14;
	v20 =	vld [tilespmem:s19+$0xFFFFFFF0];
	p0 =	slt.u32 s17, $0x7F8;
	vm4 =	veq.s32 v21, v12  }
0x3ef: {  	v19 =	vor.u32 v3, v19;
	v22 =	vor.u32 v9, v13;
	v21 =	vld [tilespmem:s19+$0xFFFFFFE0];
	v13 =	vshrl.u32 v17, $0x8  }
0x3f0: {  	v23 =	vld [tilespmem:s19+$0xFFFFFFC0];
	v14 =	vshrl.u32 v18, $0x8;
	vm5 =	veq.s32 v13, v12;
	v13 =	vand.u32 $0xFF, v17  }
0x3f1: {  	v24 =	vld [tilespmem:s19+$0x30];
	vm6 =	veq.s32 v14, v12;
	v14 =	vand.u32 $0xFF, v18;
	v17 =	vor.u32 v5, v13  }
0x3f2: {  	v25 =	vld [tilespmem:s19+$0x20];
	v18 =	vor.u32 v6, v14  }
0x3f3: {  	v13 =	vld [tilespmem:s19+$0xFFFFFFD0];
	v14 =	vand.u32 $0xFF, v20  }
0x3f4: {  	[tilespmem:v16+s10+$0x0] =	vst.idx.add.s32.msk vm0, v10  }
0x3f5: {  	v26 =	vshrl.u32 v21, $0x8;
	v21 =	vand.u32 $0xFF, v21;
	v16 =	vshrl.u32 v23, $0x8;
	[tilespmem:v15+s10+$0x0] =	vst.idx.add.s32.msk vm1, v10  }
0x3f6: {  	v15 =	vand.u32 $0xFF, v23;
	vm2 =	veq.s32 v26, v12;
	vm7 =	veq.s32 v16, v12;
	[tilespmem:v17+s10+$0x0] =	vst.idx.add.s32.msk vm5, v10  }
0x3f7: {  	v15 =	vor.u32 v1, v15;
	v16 =	vor.u32 v8, v21;
	[tilespmem:v18+s10+$0x0] =	vst.idx.add.s32.msk vm6, v10  }
.Ltmp38:
0x3f8: {  	v17 =	vshrl.u32 v20, $0x8;
	[tilespmem:v19+s10+$0x0] =	vst.idx.add.s32.msk vm3, v10;
	(pc) =	sbr.rel @p0 .LBB2_71-.Ltmp38, $4  }
0x3f9: {  	vm0 =	veq.s32 v17, v12;
	[tilespmem:v22+s10+$0x0] =	vst.idx.add.s32.msk vm4, v10  }
0x3fa: {  	v19 =	vshrl.u32 v25, $0x8;
	v17 =	vld [tilespmem:s19+$0x10]  }
0x3fb: {  	vm1 =	veq.s32 v19, v12;
	v19 =	vand.u32 $0xFF, v25;
	v18 =	vld [tilespmem:s19+$0x0]  }
0x3fc: {  	s18 =	simm.s32 $0x17030;
	v20 =	vshrl.u32 v24, $0x8;
	s19 =	sadd.s32 $0x80, s19;
	[tilespmem:v15+s10+$0x0] =	vst.idx.add.s32.msk vm7, v10;
	v15 =	vor.u32 v4, v19;
	v19 =	vand.u32 $0xFF, v24  }
0x3fd: {  	_ = 	snop  }
0x3fe: {  	v14 =	vor.u32 v7, v14  }
0x3ff: {  	v60 =	vshrl.u32 v13, $0x8;
	vm5 =	veq.s32 v20, v12;
	v21 =	vshrl.u32 v17, $0x8  }
0x400: {  	vm15 =	veq.s32 v60, v12;
	v17 =	vand.u32 $0xFF, v17;
	vm3 =	veq.s32 v21, v12  }
0x401: {  	v22 =	vshrl.u32 v18, $0x8;
	v18 =	vand.u32 $0xFF, v18;
	v17 =	vor.u32 v5, v17  }
0x402: {  	vm4 =	veq.s32 v22, v12;
	v12 =	vand.u32 $0xFF, v13;
	v13 =	vor.u32 v3, v19  }
0x403: {  	[tilespmem:v16+s10+$0x0] =	vst.idx.add.s32.msk vm2, v10;
	v18 =	vor.u32 v6, v18  }
0x404: {  	[tilespmem:v15+s10+$0x0] =	vst.idx.add.s32.msk vm1, v10;
	v12 =	vor.u32 v9, v12  }
0x405: {  	[tilespmem:v14+s10+$0x0] =	vst.idx.add.s32.msk vm0, v10  }
0x406: {  	[tilespmem:v17+s10+$0x0] =	vst.idx.add.s32.msk vm3, v10  }
0x407: {  	[tilespmem:v13+s10+$0x0] =	vst.idx.add.s32.msk vm5, v10  }
0x408: {  	[tilespmem:v18+s10+$0x0] =	vst.idx.add.s32.msk vm4, v10  }
0x409: {  	s17 =	simm.s32 $0x0;
	[tilespmem:v12+s10+$0x0] =	vst.idx.add.s32.msk vm15, v10  }
0x40a: {  	s19 =	sand.u32 $0xFC0, s17;
	v12 =	vld [tilespmem:s18+$0xFFFF8FD0]  }
0x40b: {  	v13 =	vld [tilespmem:s19+$0x11000]  }
0x40c: {  	v14 =	vld [tilespmem:s19+$0x12000]  }
0x40d: {  	v15 =	vld [tilespmem:s19+$0x13000]  }
0x40e: {  	v16 =	vld [tilespmem:s19+$0x14000]  }
0x40f: {  	v17 =	vld [tilespmem:s19+$0x15000]  }
0x410: {  	v18 =	vld [tilespmem:s19+$0x16000]  }
0x411: {  	v19 =	vld [tilespmem:s19+$0x17000]  }
0x412: {  	v20 =	vld [tilespmem:s18+$0xFFFF8FE0]  }
0x413: {  	v61 =	vld [tilespmem:s18+$0xFFFF9FE0]  }
0x414: {  	v62 =	vld [tilespmem:s18+$0xFFFF8FF0]  }
0x415: {  	v23 =	vld [tilespmem:s18+$0xFFFF9FF0]  }
0x416: {  	v24 =	vld [tilespmem:s18+$0xFFFF9000]  }
0x417: {  	v25 =	vld [tilespmem:s18+$0xFFFFA000]  }
0x418: {  	v26 =	vld [tilespmem:s18+$0xFFFFAFE0]  }
0x419: {  	v27 =	vld [tilespmem:s18+$0xFFFFAFF0]  }
0x41a: {  	v28 =	vld [tilespmem:s18+$0xFFFFB000]  }
0x41b: {  	v29 =	vld [tilespmem:s18+$0xFFFFBFE0]  }
0x41c: {  	v30 =	vld [tilespmem:s18+$0xFFFFBFF0]  }
0x41d: {  	v31 =	vld [tilespmem:s18+$0xFFFFC000]  }
0x41e: {  	v32 =	vld [tilespmem:s18+$0xFFFFCFE0];
	v12 =	vadd.s32 v12, v13  }
0x41f: {  	v33 =	vld [tilespmem:s18+$0xFFFFCFF0];
	v12 =	vadd.s32 v14, v12  }
0x420: {  	v12 =	vadd.s32 v15, v12;
	v15 =	vld [tilespmem:s18+$0xFFFFD000]  }
0x421: {  	v12 =	vadd.s32 v16, v12;
	v16 =	vld [tilespmem:s18+$0xFFFFDFE0]  }
0x422: {  	v12 =	vadd.s32 v17, v12;
	v17 =	vld [tilespmem:s18+$0xFFFFDFF0]  }
0x423: {  	v12 =	vadd.s32 v18, v12;
	v18 =	vld [tilespmem:s18+$0xFFFFE000]  }
0x424: {  	v19 =	vadd.s32 v19, v12;
	v12 =	vadd.s32 v20, v61;
	v20 =	vld [tilespmem:s18+$0xFFFFEFE0]  }
0x425: {  	v13 =	vadd.s32 v62, v23;
	v14 =	vadd.s32 v24, v25;
	v21 =	vadd.s32 v26, v12;
	v12 =	vld [tilespmem:s18+$0xFFFFEFF0]  }
0x426: {  	v22 =	vadd.s32 v27, v13;
	v13 =	vld [tilespmem:s18+$0xFFFFF000];
	v14 =	vadd.s32 v28, v14;
	v21 =	vadd.s32 v29, v21  }
0x427: {  	v22 =	vadd.s32 v30, v22;
	v63 =	vadd.s32 v31, v14;
	v14 =	vld [tilespmem:s18+$0xFFFFFFE0];
	v21 =	vadd.s32 v32, v21  }
0x428: {  	v22 =	vadd.s32 v33, v22;
	v23 =	vadd.s32 v15, v63;
	v15 =	vld [tilespmem:s18+$0xFFFFFFF0];
	v16 =	vadd.s32 v16, v21  }
0x429: {  	s20 =	simm.s32 $0x40;
	s21 =	simm.s32 $0x17070;
	s19 =	simm.s32 $0x0;
	[tilespmem:s18+$0xFFFF8FD0] =	vst v19;
	v19 =	vadd.s32 v17, v22;
	v17 =	vadd.s32 v18, v23;
	v18 =	vadd.s32 v20, v16;
	v16 =	vld [tilespmem:s18+$0x0]  }
.LBB2_73:
0x42a: {  	v20 =	vld [tilespmem:s21+$0xFFFF8FD0];
	s22 =	sand.u32 $0xFC0, s20;
	s19 =	sadd.s32 $0x4, s19;
	v12 =	vadd.s32 v12, v19  }
0x42b: {  	v19 =	vld [tilespmem:s22+$0x11000];
	p0 =	slt.u32 s19, $0xFC;
	v13 =	vadd.s32 v13, v17  }
0x42c: {  	v17 =	vld [tilespmem:s22+$0x12000];
	v14 =	vadd.s32 v14, v18  }
0x42d: {  	v18 =	vld [tilespmem:s22+$0x13000];
	[tilespmem:s18+$0xFFFF8FE0] =	vst v14;
	v12 =	vadd.s32 v15, v12  }
0x42e: {  	v14 =	vld [tilespmem:s22+$0x14000];
	[tilespmem:s18+$0xFFFF8FF0] =	vst v12;
	v12 =	vadd.s32 v16, v13  }
0x42f: {  	v13 =	vld [tilespmem:s22+$0x15000];
	[tilespmem:s18+$0xFFFF9000] =	vst v12;
	s18 =	smov.u32 s21  }
0x430: {  	v12 =	vadd.s32 v20, v19;
	v15 =	vld [tilespmem:s22+$0x16000]  }
0x431: {  	v12 =	vadd.s32 v17, v12;
	v16 =	vld [tilespmem:s22+$0x17000]  }
0x432: {  	v12 =	vadd.s32 v18, v12;
	v17 =	vld [tilespmem:s21+$0xFFFF8FE0]  }
0x433: {  	v12 =	vadd.s32 v14, v12;
	v14 =	vld [tilespmem:s21+$0xFFFF9FE0]  }
0x434: {  	v12 =	vadd.s32 v13, v12;
	v13 =	vld [tilespmem:s21+$0xFFFF8FF0]  }
0x435: {  	v12 =	vadd.s32 v15, v12;
	v15 =	vld [tilespmem:s21+$0xFFFF9FF0]  }
0x436: {  	v12 =	vadd.s32 v16, v12;
	v16 =	vld [tilespmem:s21+$0xFFFF9000]  }
0x437: {  	[tilespmem:s21+$0xFFFF8FD0] =	vst v12;
	v12 =	vld [tilespmem:s21+$0xFFFFA000]  }
0x438: {  	v14 =	vadd.s32 v17, v14;
	v17 =	vld [tilespmem:s21+$0xFFFFAFE0]  }
0x439: {  	v18 =	vld [tilespmem:s21+$0xFFFFAFF0]  }
0x43a: {  	v13 =	vadd.s32 v13, v15;
	v15 =	vld [tilespmem:s21+$0xFFFFB000]  }
0x43b: {  	v19 =	vld [tilespmem:s21+$0xFFFFBFE0]  }
0x43c: {  	v20 =	vld [tilespmem:s21+$0xFFFFBFF0];
	v12 =	vadd.s32 v16, v12  }
0x43d: {  	v14 =	vadd.s32 v17, v14;
	v16 =	vld [tilespmem:s21+$0xFFFFC000]  }
0x43e: {  	v17 =	vld [tilespmem:s21+$0xFFFFCFE0];
	v13 =	vadd.s32 v18, v13  }
0x43f: {  	v18 =	vld [tilespmem:s21+$0xFFFFCFF0];
	v12 =	vadd.s32 v15, v12  }
0x440: {  	v14 =	vadd.s32 v19, v14;
	v15 =	vld [tilespmem:s21+$0xFFFFD000]  }
0x441: {  	v19 =	vld [tilespmem:s21+$0xFFFFDFE0];
	v13 =	vadd.s32 v20, v13  }
0x442: {  	v20 =	vld [tilespmem:s21+$0xFFFFDFF0];
	v16 =	vadd.s32 v16, v12  }
0x443: {  	v14 =	vadd.s32 v17, v14;
	v17 =	vld [tilespmem:s21+$0xFFFFE000]  }
0x444: {  	v21 =	vld [tilespmem:s21+$0xFFFFEFE0];
	v18 =	vadd.s32 v18, v13  }
.Ltmp39:
0x445: {  	v12 =	vld [tilespmem:s21+$0xFFFFEFF0];
	v16 =	vadd.s32 v15, v16;
	(pc) =	sbr.rel @p0 .LBB2_73-.Ltmp39, $4  }
0x446: {  	v22 =	vadd.s32 v19, v14;
	v13 =	vld [tilespmem:s21+$0xFFFFF000]  }
0x447: {  	v14 =	vld [tilespmem:s21+$0xFFFFFFE0];
	v19 =	vadd.s32 v20, v18  }
0x448: {  	v15 =	vld [tilespmem:s21+$0xFFFFFFF0];
	v17 =	vadd.s32 v17, v16  }
0x449: {  	s20 =	sadd.s32 $0x40, s20;
	s21 =	sadd.s32 $0x40, s21;
	v18 =	vadd.s32 v21, v22;
	v16 =	vld [tilespmem:s18+$0x0]  }
0x44a: {  	_ =	sdelay $0x1  }
0x44b: {  	v12 =	vadd.s32 v12, v19;
	v14 =	vadd.s32 v14, v18  }
0x44c: {  	v13 =	vadd.s32 v13, v17;
	[tilespmem:s18+$0xFFFF8FE0] =	vst v14;
	v12 =	vadd.s32 v15, v12  }
0x44d: {  	[tilespmem:s18+$0xFFFF8FF0] =	vst v12;
	v12 =	vadd.s32 v16, v13  }
0x44e: {  	s20 =	simm.s32 $0x0;
	[tilespmem:s18+$0xFFFF9000] =	vst v12  }
0x44f: {  	v12 =	vld [tilespmem:s20+$0x100F0]  }
0x450: {  	v13 =	vld [tilespmem:s20+$0x101F0]  }
0x451: {  	v14 =	vld [tilespmem:s20+$0x102F0]  }
0x452: {  	v15 =	vld [tilespmem:s20+$0x103F0]  }
0x453: {  	v16 =	vld [tilespmem:s20+$0x104F0]  }
0x454: {  	v17 =	vld [tilespmem:s20+$0x105F0]  }
0x455: {  	v18 =	vld [tilespmem:s20+$0x106F0];
	v12 =	vadd.s32 v12, v13  }
0x456: {  	v19 =	vld [tilespmem:s20+$0x107F0];
	v12 =	vadd.s32 v14, v12  }
0x457: {  	v13 =	vld [tilespmem:s20+$0x108F0];
	v12 =	vadd.s32 v15, v12  }
0x458: {  	v14 =	vld [tilespmem:s20+$0x109F0];
	v12 =	vadd.s32 v16, v12  }
0x459: {  	v15 =	vld [tilespmem:s20+$0x10AF0];
	v12 =	vadd.s32 v17, v12  }
0x45a: {  	v16 =	vld [tilespmem:s20+$0x10BF0];
	v12 =	vadd.s32 v18, v12  }
0x45b: {  	v17 =	vld [tilespmem:s20+$0x10CF0];
	v12 =	vadd.s32 v19, v12  }
0x45c: {  	v18 =	vld [tilespmem:s20+$0x10DF0];
	v12 =	vadd.s32 v13, v12  }
0x45d: {  	v19 =	vld [tilespmem:s20+$0x10EF0];
	v12 =	vadd.s32 v14, v12  }
0x45e: {  	s18 =	simm.s32 $0xFFFFFFF0;
	v13 =	vld [tilespmem:s20+$0x10FF0];
	v12 =	vadd.s32 v15, v12  }
0x45f: {  	v14 =	vld [tilespmem:s18+$0x100F0];
	v12 =	vadd.s32 v16, v12  }
0x460: {  	v15 =	vld [tilespmem:s18+$0x101F0];
	v12 =	vadd.s32 v17, v12  }
0x461: {  	v16 =	vld [tilespmem:s18+$0x102F0];
	v12 =	vadd.s32 v18, v12  }
0x462: {  	v17 =	vld [tilespmem:s18+$0x103F0];
	v12 =	vadd.s32 v19, v12  }
0x463: {  	v18 =	vld [tilespmem:s18+$0x104F0];
	v20 =	vadd.s32 v13, v12  }
0x464: {  	v19 =	vld [tilespmem:s18+$0x105F0];
	(xrf0) =	vadd.scan.msk.s32 $0xffff, v20  }
0x465: {  	v12 =	vld [tilespmem:s18+$0x106F0];
	v13 =	vadd.s32 v14, v15  }
0x466: {  	v14 =	vld [tilespmem:s18+$0x107F0];
	v13 =	vadd.s32 v16, v13  }
0x467: {  	v15 =	vld [tilespmem:s18+$0x108F0];
	v13 =	vadd.s32 v17, v13  }
0x468: {  	v16 =	vld [tilespmem:s18+$0x109F0];
	v13 =	vadd.s32 v18, v13  }
0x469: {  	v17 =	vld [tilespmem:s18+$0x10AF0];
	v13 =	vadd.s32 v19, v13  }
0x46a: {  	v18 =	vld [tilespmem:s18+$0x10BF0];
	v13 =	vadd.s32 v12, v13;
	v19, _, _ =	vpop (xrf0)  }
0x46b: {  	v12 =	vld [tilespmem:s18+$0x10CF0];
	v14 =	vadd.s32 v14, v13;
	(v2sf) =	vpush v19, $0xF  }
0x46c: {  	v20 =	vadd.s32 s17, v20;
	v13 =	vld [tilespmem:s18+$0x10DF0];
	v15 =	vadd.s32 v15, v14;
	v21 =	vbroadcast v19, $0xF  }
0x46d: {  	v14 =	vld [tilespmem:s18+$0x10EF0];
	v16 =	vadd.s32 v16, v15;
	v20 =	vsub.s32 v20, v19  }
0x46e: {  	s19 =	simm.s32 $0xFFFFFFE0;
	v15 =	vld [tilespmem:s18+$0x10FF0];
	v17 =	vadd.s32 v17, v16;
	v20 =	vadd.s32 v21, v20  }
0x46f: {  	s21 =	simm.s32 $0xFFFFFF40;
	v16 =	vld [tilespmem:s19+$0x100F0];
	v17 =	vadd.s32 v18, v17;
	[tilespmem:s20+$0x180F0] =	vst v20  }
.LBB2_75:
0x470: {  	p0 =	seq.s32 s21, $0xFFFFFC40;
	v18 =	vld [tilespmem:s19+$0x101F0];
	v12 =	vadd.s32 v12, v17  }
0x471: {  	v17 =	vld [tilespmem:s19+$0x102F0];
	v12 =	vadd.s32 v13, v12  }
0x472: {  	v13 =	vld [tilespmem:s19+$0x103F0];
	v12 =	vadd.s32 v14, v12  }
0x473: {  	v14 =	vld [tilespmem:s19+$0x104F0];
	v15 =	vadd.s32 v15, v12  }
0x474: {  	v12 =	vld [tilespmem:s19+$0x105F0];
	(xrf0) =	vadd.scan.msk.s32 $0xffff, v15  }
0x475: {  	v16 =	vadd.s32 v16, v18;
	v18 =	vld [tilespmem:s19+$0x106F0]  }
0x476: {  	v16 =	vadd.s32 v17, v16;
	v17 =	vld [tilespmem:s19+$0x107F0]  }
0x477: {  	v13 =	vadd.s32 v13, v16;
	v16 =	vld [tilespmem:s19+$0x108F0]  }
0x478: {  	v13 =	vadd.s32 v14, v13;
	v14 =	vld [tilespmem:s19+$0x109F0]  }
0x479: {  	v12 =	vadd.s32 v12, v13;
	v19 =	vld [tilespmem:s19+$0x10AF0]  }
0x47a: {  	v12 =	vadd.s32 v18, v12;
	v18 =	vld [tilespmem:s19+$0x10BF0];
	v20, _, _ =	vpop (xrf0);
	s20 =	spop (v2sf)  }
.Ltmp40:
0x47b: {  	v13 =	vadd.s32 v17, v12;
	v12 =	vld [tilespmem:s19+$0x10CF0];
	v17 =	vbroadcast v20, $0xF;
	(v2sf) =	vpush v20, $0xF;
	s17 =	sadd.s32 s17, s20;
	(pc) =	sbr.rel @!p0 .LBB2_75-.Ltmp40, $4  }
0x47c: {  	v16 =	vadd.s32 v16, v13;
	v13 =	vld [tilespmem:s19+$0x10DF0];
	v15 =	vadd.s32 s17, v15  }
0x47d: {  	v16 =	vadd.s32 v14, v16;
	v14 =	vld [tilespmem:s19+$0x10EF0];
	v20 =	vsub.s32 v15, v20  }
0x47e: {  	s20 =	sshra.s32 s21, $0x2;
	v19 =	vadd.s32 v19, v16;
	v15 =	vld [tilespmem:s19+$0x10FF0];
	v20 =	vadd.s32 v17, v20  }
0x47f: {  	s21 =	sadd.s32 $0xFFFFFFC0, s21;
	v16 =	vld [tilespmem:s20+$0x100F0];
	v17 =	vadd.s32 v18, v19;
	[tilespmem:s18+$0x180F0] =	vst v20;
	s18 =	smov.u32 s19;
	s19 =	smov.u32 s20  }
0x480: {  	v18 =	vld [tilespmem:s19+$0x101F0]  }
0x481: {  	v19 =	vld [tilespmem:s19+$0x102F0]  }
0x482: {  	v20 =	vld [tilespmem:s19+$0x103F0]  }
0x483: {  	v21 =	vld [tilespmem:s19+$0x104F0]  }
0x484: {  	v22 =	vld [tilespmem:s19+$0x105F0]  }
0x485: {  	v55 =	vld [tilespmem:s19+$0x106F0];
	v16 =	vadd.s32 v16, v18  }
0x486: {  	v56 =	vld [tilespmem:s19+$0x107F0];
	v16 =	vadd.s32 v19, v16  }
0x487: {  	v57 =	vld [tilespmem:s19+$0x108F0];
	v16 =	vadd.s32 v20, v16  }
0x488: {  	v58 =	vld [tilespmem:s19+$0x109F0];
	v12 =	vadd.s32 v12, v17;
	v16 =	vadd.s32 v21, v16  }
0x489: {  	v59 =	vld [tilespmem:s19+$0x10AF0];
	v12 =	vadd.s32 v13, v12;
	v16 =	vadd.s32 v22, v16  }
0x48a: {  	v60 =	vld [tilespmem:s19+$0x10BF0];
	v12 =	vadd.s32 v14, v12;
	v16 =	vadd.s32 v55, v16  }
0x48b: {  	v61 =	vld [tilespmem:s19+$0x10CF0];
	v12 =	vadd.s32 v15, v12;
	v16 =	vadd.s32 v56, v16  }
0x48c: {  	v62 =	vld [tilespmem:s19+$0x10DF0];
	(xrf0) =	vadd.scan.msk.s32 $0xffff, v12;
	v13 =	vadd.s32 v57, v16  }
0x48d: {  	v14 =	vld [tilespmem:s19+$0x10EF0];
	v13 =	vadd.s32 v58, v13  }
0x48e: {  	v13 =	vadd.s32 v59, v13  }
0x48f: {  	v13 =	vadd.s32 v60, v13  }
0x490: {  	v13 =	vadd.s32 v61, v13  }
0x491: {  	v13 =	vadd.s32 v62, v13  }
0x492: {  	v13 =	vadd.s32 v14, v13;
	v14, _, _ =	vpop (xrf0)  }
0x493: {  	(v2sf) =	vpush v14, $0xF;
	_ =	sdelay $0x3  }
0x494: {  	v15 =	vld [tilespmem:s19+$0x10FF0];
	_ =	sdelay $0x4  }
0x495: {  	v13 =	vadd.s32 v15, v13  }
0x496: {  	(xrf0) =	vadd.scan.msk.s32 $0xffff, v13;
	_ =	sdelay $0x3  }
0x497: {  	s20 =	spop (v2sf)  }
0x498: {  	s17 =	sadd.s32 s17, s20;
	s21 =	spop (v2sf)  }
0x499: {  	v12 =	vadd.s32 s17, v12;
	v63 =	vbroadcast v14, $0xF;
	v15, _, _ =	vpop (xrf0);
	s17 =	sadd.s32 s17, s21  }
0x49a: {  	v12 =	vsub.s32 v12, v14;
	v14 =	vbroadcast v15, $0xF;
	v13 =	vadd.s32 s17, v13  }
0x49b: {  	v12 =	vadd.s32 v63, v12;
	v13 =	vsub.s32 v13, v15  }
0x49c: {  	[tilespmem:s18+$0x180F0] =	vst v12;
	v12 =	vadd.s32 v14, v13  }
0x49d: {  	(v2sf) =	vpush v15, $0xF;
	s17 =	simm.s32 $0x18000;
	[tilespmem:s19+$0x180F0] =	vst v12  }
0x49e: {  	v13 =	vld [tilespmem:s17+$0x0];
	_ =	sdelay $0x2  }
0x49f: {  	s14 =	ssub.s32 s14, s16  }
0x4a0: {  	s16 =	simm.s32 $0x0;
	v12 =	vmov s14  }
0x4a1: {  	vm0 =	vlt.s32 v13, v12;
	v13 =	vadd.s32 s16, v11  }
0x4a2: {  	v13 =	vsel vm0, $0x80000000, v13  }
0x4a3: {  	(xrf0) =	vmax.scan.msk.u32 $0xffff, v13;
	_ =	sdelay $0x4  }
0x4a4: {  	s23 =	simm.s32 $0x18010  }
0x4a5: {  	s24 =	simm.s32 $0x18020;
	v14 =	vld [tilespmem:s23+$0x0];
	v13, _, _ =	vpop (xrf0)  }
0x4a6: {  	s22 =	spop (v2sf);
	(v2sf) =	vpush v13, $0xF;
	v13 =	vld [tilespmem:s24+$0x0];
	_ =	sdelay $0x2  }
0x4a7: {  	s25 =	simm.s32 $0x10  }
0x4a8: {  	s26 =	simm.s32 $0x20;
	vm0 =	vlt.s32 v14, v12;
	v14 =	vadd.s32 s25, v11  }
0x4a9: {  	v14 =	vsel vm0, $0x80000000, v14;
	vm0 =	vlt.s32 v13, v12;
	v13 =	vadd.s32 s26, v11  }
0x4aa: {  	(xrf0) =	vmax.scan.msk.u32 $0xffff, v14;
	v13 =	vsel vm0, $0x80000000, v13  }
0x4ab: {  	(xrf0) =	vmax.scan.msk.u32 $0xffff, v13;
	_ =	sdelay $0x3  }
0x4ac: {  	s28 =	simm.s32 $0x18030  }
0x4ad: {  	v14 =	vld [tilespmem:s28+$0x0];
	v15, _, _ =	vpop (xrf0)  }
0x4ae: {  	(v2sf) =	vpush v15, $0xF;
	v15, _, _ =	vpop (xrf0)  }
0x4af: {  	(v2sf) =	vpush v15, $0xF;
	_ =	sdelay $0x1  }
0x4b0: {  	s29 =	simm.s32 $0x18040;
	s30 =	simm.s32 $0x30  }
0x4b1: {  	vm0 =	vlt.s32 v14, v12;
	v14 =	vadd.s32 s30, v11;
	v13 =	vld [tilespmem:s29+$0x0]  }
0x4b2: {  	v14 =	vsel vm0, $0x80000000, v14  }
0x4b3: {  	(xrf0) =	vmax.scan.msk.u32 $0xffff, v14;
	_ =	sdelay $0x1  }
0x4b4: {  	s31 =	simm.s32 $0x40  }
0x4b5: {  	s18 =	simm.s32 $0x18050;
	s17 =	simm.s32 $0x50;
	vm0 =	vlt.s32 v13, v12;
	v13 =	vadd.s32 s31, v11;
	s19 =	spop (v2sf)  }
.LBB2_77:
0x4b6: {  	s20 =	smov.u32 s16;
	p0 =	sne.s32 s17, $0xF0  }
0x4b7: {  	v15 =	vsel vm0, $0x80000000, v13;
	s16 =	sxor.u32 $0x80000000, s19;
	s19 =	smov.u32 s17;
	s17 =	sadd.s32 $0x10, s17;
	v14 =	vld [tilespmem:s18+$0x0]  }
.Ltmp41:
0x4b8: {  	p1 =	sgt.s32 s20, s16;
	(xrf0) =	vmax.scan.msk.u32 $0xffff, v15;
	v13, _, _ =	vpop (xrf0);
	(pc) =	sbr.rel @p0 .LBB2_77-.Ltmp41, $2  }
0x4b9: {  	s16 =	smov.u32 @p1 s20;
	(v2sf) =	vpush v13, $0xF;
	_ =	sdelay $0x2  }
0x4ba: {  	s18 =	sadd.s32 $0x10, s18;
	v13 =	vadd.s32 s19, v11;
	vm0 =	vlt.s32 v14, v12;
	s19 =	spop (v2sf)  }
0x4bb: {  	v12 =	vsel vm0, $0x80000000, v13  }
0x4bc: {  	(xrf0) =	vmax.scan.msk.u32 $0xffff, v12;
	_ =	sdelay $0x3  }
0x4bd: {  	v12, _, _ =	vpop (xrf0)  }
0x4be: {  	(v2sf) =	vpush v12, $0xF  }
0x4bf: {  	v12, _, _ =	vpop (xrf0)  }
0x4c0: {  	(v2sf) =	vpush v12, $0xF;
	_ =	sdelay $0x7  }
0x4c1: {  	s17 =	sxor.u32 $0x80000000, s19  }
0x4c2: {  	s18 =	spop (v2sf);
	p0 =	sgt.s32 s16, s17  }
0x4c3: {  	s17 =	smov.u32 @p0 s16;
	s16 =	sxor.u32 $0x80000000, s18  }
0x4c4: {  	p0 =	sgt.s32 s17, s16;
	s19 =	spop (v2sf)  }
0x4c5: {  	s16 =	smov.u32 @p0 s17;
	s17 =	sxor.u32 $0x80000000, s19  }
0x4c6: {  	p0 =	sgt.s32 s16, s17;
	s20 =	spop (v2sf)  }
0x4c7: {  	s21 =	simm.s32 $0x18000;
	s17 =	smov.u32 @p0 s16;
	s16 =	sxor.u32 $0x80000000, s20  }
0x4c8: {  	v13 =	vld [tilespmem:s21+$0x0];
	p0 =	sgt.s32 s17, s16;
	s22 =	spop (v2sf)  }
0x4c9: {  	s16 =	smov.u32 @p0 s17;
	s18 =	sxor.u32 $0x80000000, s22  }
0x4ca: {  	p0 =	sgt.s32 s16, s18  }
0x4cb: {  	s17 =	simm.s32 $0x0;
	s18 =	smov.u32 @p0 s16  }
0x4cc: {  	v14 =	vor.u32 s17, v0;
	v12 =	vmov s18  }
0x4cd: {  	v15 =	vxor.u32 $0x80000000, v13;
	vm0 =	veq.s32 v14, v12  }
0x4ce: {  	v13 =	vnsel vm0, $0x80000000, v15  }
0x4cf: {  	(xrf0) =	vmax.scan.msk.u32 $0xffff, v13;
	_ =	sdelay $0x3  }
0x4d0: {  	s23 =	simm.s32 $0x18010  }
0x4d1: {  	v16 =	vld [tilespmem:s23+$0x0]  }
0x4d2: {  	s24 =	simm.s32 $0x18020;
	s16 =	sadd.s32 $0xFFFFFFFF, s18;
	v13, _, _ =	vpop (xrf0)  }
0x4d3: {  	v17 =	vld [tilespmem:s24+$0x0];
	(v2sf) =	vpush v13, $0xF;
	v13 =	vmov s16  }
0x4d4: {  	s25 =	simm.s32 $0x10;
	vm0 =	veq.s32 v14, v13  }
0x4d5: {  	v14 =	vor.u32 s25, v0;
	v15 =	vnsel vm0, $0x80000000, v15  }
0x4d6: {  	s26 =	simm.s32 $0x20;
	v16 =	vxor.u32 $0x80000000, v16;
	vm0 =	veq.s32 v14, v12;
	vm1 =	veq.s32 v14, v13;
	(xrf0) =	vmax.scan.msk.u32 $0xffff, v15  }
0x4d7: {  	v14 =	vnsel vm0, $0x80000000, v16;
	v15 =	vor.u32 s26, v0;
	v16 =	vnsel vm1, $0x80000000, v16  }
0x4d8: {  	s28 =	simm.s32 $0x18030;
	(xrf0) =	vmax.scan.msk.u32 $0xffff, v14;
	vm0 =	veq.s32 v15, v12;
	v14 =	vxor.u32 $0x80000000, v17;
	vm1 =	veq.s32 v15, v13  }
0x4d9: {  	(xrf0) =	vmax.scan.msk.u32 $0xffff, v16;
	v15 =	vnsel vm0, $0x80000000, v14;
	v16 =	vld [tilespmem:s28+$0x0];
	v14 =	vnsel vm1, $0x80000000, v14;
	_ =	sdelay $0x1  }
0x4da: {  	(xrf0) =	vmax.scan.msk.u32 $0xffff, v15  }
0x4db: {  	s30 =	simm.s32 $0x30;
	(xrf0) =	vmax.scan.msk.u32 $0xffff, v14;
	v14, _, _ =	vpop (xrf0)  }
0x4dc: {  	(v2sf) =	vpush v14, $0xF;
	v14 =	vor.u32 s30, v0  }
0x4dd: {  	v16 =	vxor.u32 $0x80000000, v16;
	vm0 =	veq.s32 v14, v12  }
0x4de: {  	v15, _, _ =	vpop (xrf0);
	vm1 =	veq.s32 v14, v13;
	v14 =	vnsel vm0, $0x80000000, v16  }
0x4df: {  	(v2sf) =	vpush v15, $0xF;
	v15, _, _ =	vpop (xrf0)  }
0x4e0: {  	(v2sf) =	vpush v15, $0xF;
	v15, _, _ =	vpop (xrf0)  }
0x4e1: {  	(xrf0) =	vmax.scan.msk.u32 $0xffff, v14;
	(v2sf) =	vpush v15, $0xF;
	v14, _, _ =	vpop (xrf0)  }
0x4e2: {  	(v2sf) =	vpush v14, $0xF;
	_ =	sdelay $0x1  }
0x4e3: {  	s29 =	simm.s32 $0x18040  }
0x4e4: {  	v17 =	vld [tilespmem:s29+$0x0];
	_ =	sdelay $0x1  }
0x4e5: {  	v16 =	vnsel vm1, $0x80000000, v16  }
0x4e6: {  	s31 =	simm.s32 $0x40;
	(xrf0) =	vmax.scan.msk.u32 $0xffff, v16  }
0x4e7: {  	s19 =	simm.s32 $0x0;
	v15 =	vor.u32 s31, v0  }
0x4e8: {  	s20 =	simm.s32 $0x18050;
	s18 =	simm.s32 $0x50;
	vm0 =	veq.s32 v15, v12;
	s21 =	spop (v2sf);
	v14 =	vxor.u32 $0x80000000, v17  }
.LBB2_79:
0x4e9: {  	s22 =	smov.u32 s19;
	s23 =	smov.u32 s17;
	s17 =	sxor.u32 $0x80000000, s21  }
0x4ea: {  	vm1 =	veq.s32 v15, v13;
	v17 =	vnsel vm0, $0x80000000, v14;
	s21 =	smov.u32 s18;
	p0 =	sne.s32 s18, $0xF0;
	v16 =	vld [tilespmem:s20+$0x0];
	s19 =	spop (v2sf)  }
.Ltmp42:
0x4eb: {  	s18 =	sadd.s32 $0x10, s18;
	v18 =	vnsel vm1, $0x80000000, v14;
	(xrf0) =	vmax.scan.msk.u32 $0xffff, v17;
	v15, _, _ =	vpop (xrf0);
	s19 =	sxor.u32 $0x80000000, s19;
	(pc) =	sbr.rel @p0 .LBB2_79-.Ltmp42, $4  }
0x4ec: {  	p1 =	sgt.s32 s23, s17;
	(xrf0) =	vmax.scan.msk.u32 $0xffff, v18;
	(v2sf) =	vpush v15, $0xF;
	v14, _, _ =	vpop (xrf0);
	p2 =	sgt.s32 s22, s19  }
0x4ed: {  	s17 =	smov.u32 @p1 s23;
	(v2sf) =	vpush v14, $0xF;
	s19 =	smov.u32 @p2 s22  }
0x4ee: {  	v15 =	vor.u32 s21, v0  }
0x4ef: {  	s20 =	sadd.s32 $0x10, s20;
	vm0 =	veq.s32 v15, v12;
	v14 =	vxor.u32 $0x80000000, v16;
	s21 =	spop (v2sf)  }
0x4f0: {  	vm1 =	veq.s32 v15, v13;
	v12 =	vnsel vm0, $0x80000000, v14  }
0x4f1: {  	v13 =	vnsel vm1, $0x80000000, v14;
	(xrf0) =	vmax.scan.msk.u32 $0xffff, v12  }
0x4f2: {  	(xrf0) =	vmax.scan.msk.u32 $0xffff, v13;
	_ =	sdelay $0x2  }
0x4f3: {  	v12, _, _ =	vpop (xrf0)  }
0x4f4: {  	(v2sf) =	vpush v12, $0xF;
	v12, _, _ =	vpop (xrf0)  }
0x4f5: {  	(v2sf) =	vpush v12, $0xF;
	v12, _, _ =	vpop (xrf0)  }
0x4f6: {  	(v2sf) =	vpush v12, $0xF;
	v12, _, _ =	vpop (xrf0)  }
0x4f7: {  	(v2sf) =	vpush v12, $0xF;
	_ =	sdelay $0x4  }
0x4f8: {  	s18 =	spop (v2sf);
	s20 =	sxor.u32 $0x80000000, s21  }
0x4f9: {  	s22 =	spop (v2sf);
	s18 =	sxor.u32 $0x80000000, s18;
	p0 =	sgt.s32 s17, s20  }
0x4fa: {  	s20 =	smov.u32 @p0 s17;
	s23 =	spop (v2sf);
	p0 =	sgt.s32 s19, s18  }
0x4fb: {  	s18 =	smov.u32 @p0 s19;
	s19 =	sxor.u32 $0x80000000, s22;
	s17 =	sxor.u32 $0x80000000, s23  }
0x4fc: {  	p0 =	sgt.s32 s20, s19;
	p1 =	sgt.s32 s18, s17;
	s24 =	spop (v2sf)  }
0x4fd: {  	s19 =	smov.u32 @p0 s20;
	s20 =	sxor.u32 $0x80000000, s24;
	s25 =	spop (v2sf)  }
0x4fe: {  	s17 =	smov.u32 @p1 s18;
	s18 =	sxor.u32 $0x80000000, s25;
	p0 =	sgt.s32 s19, s20  }
0x4ff: {  	p1 =	sgt.s32 s17, s18;
	s20 =	smov.u32 @p0 s19;
	s26 =	spop (v2sf)  }
0x500: {  	s18 =	smov.u32 @p1 s17;
	s17 =	sxor.u32 $0x80000000, s26;
	s28 =	spop (v2sf)  }
0x501: {  	s19 =	sxor.u32 $0x80000000, s28;
	p0 =	sgt.s32 s20, s17;
	s29 =	spop (v2sf)  }
0x502: {  	p1 =	sgt.s32 s18, s19;
	s17 =	smov.u32 @p0 s20;
	s30 =	spop (v2sf)  }
0x503: {  	s19 =	smov.u32 @p1 s18;
	s18 =	sxor.u32 $0x80000000, s29;
	s20 =	sxor.u32 $0x80000000, s30  }
0x504: {  	p0 =	sgt.s32 s17, s18;
	p1 =	sgt.s32 s19, s20  }
0x505: {  	s18 =	smov.u32 @p0 s17;
	s20 =	smov.u32 @p1 s19  }
0x506: {  	s17 =	ssub.s32 s20, s18;
	s18 =	ssub.s32 s14, s18  }
0x507: {  	p0 =	sle.s32 s17, s18  }
.Ltmp43:
0x508: {  	_ = 	snop;
	(pc) =	sbr.rel @p0 .LBB2_81-.Ltmp43, $4  }
0x509: {  	s15 =	sshll.u32 s15, $0x8  }
0x50a: {  	s15 =	sor.u32 s15, s16  }
0x50b: {  	s31 =	sxor.u32 $0x80000000, s15  }
0x50c: {  	v12 =	vmov s31  }
0x50d: {  	s19 =	simm.s32 $0x0  }
0x50e: {  	v13 =	vld [tilespmem:s19+$0x8000];
	_ =	sdelay $0x1  }
0x50f: {  	s17 =	simm.s32 $0x10  }
0x510: {  	v14 =	vld [tilespmem:s17+$0x8000];
	_ =	sdelay $0x1  }
0x511: {  	v19 =	vxor.u32 $0x80000000, v13  }
0x512: {  	vm0 =	veq.s32 v19, v12  }
0x513: {  	v13 =	vsel vm0, $0x1, v2  }
0x514: {  	v17 =	vxor.u32 $0x80000000, v14;
	(xrf0) =	vadd.scan.msk.s32 $0xffff, v13  }
0x515: {  	s16 =	simm.s32 $0x20;
	vm1 =	veq.s32 v17, v12  }
0x516: {  	v14 =	vsel vm1, $0x1, v2;
	v13 =	vld [tilespmem:s16+$0x8000]  }
0x517: {  	(xrf0) =	vadd.scan.msk.s32 $0xffff, v14;
	_ =	sdelay $0x2  }
0x518: {  	v21, _, _ =	vpop (xrf0)  }
0x519: {  	v14 =	vxor.u32 $0x80000000, v13;
	v13 =	vxor.u32 $0x80000000, v21  }
0x51a: {  	vm2 =	veq.s32 v14, v12;
	(xrf0) =	vmax.scan.msk.u32 $0xffff, v13  }
0x51b: {  	v20, _, _ =	vpop (xrf0);
	v13 =	vsel vm2, $0x1, v2  }
0x51c: {  	(xrf0) =	vadd.scan.msk.s32 $0xffff, v13;
	v13 =	vxor.u32 $0x80000000, v20  }
0x51d: {  	(xrf0) =	vmax.scan.msk.u32 $0xffff, v13  }
0x51e: {  	s15 =	simm.s32 $0x30  }
0x51f: {  	v15 =	vld [tilespmem:s15+$0x8000]  }
0x520: {  	v18, _, _ =	vpop (xrf0)  }
0x521: {  	(v2sf) =	vpush v18, $0xF  }
0x522: {  	v18, _, _ =	vpop (xrf0)  }
0x523: {  	v22, _, _ =	vpop (xrf0)  }
0x524: {  	s14 =	simm.s32 $0x40;
	v15 =	vxor.u32 $0x80000000, v15;
	(v2sf) =	vpush v22, $0xF  }
0x525: {  	v16 =	vld [tilespmem:s14+$0x8000];
	vm5 =	veq.s32 v15, v12  }
0x526: {  	v23 =	vsel vm5, $0x1, v2  }
0x527: {  	(xrf0) =	vadd.scan.msk.s32 $0xffff, v23;
	v22 =	vxor.u32 $0x80000000, v18  }
0x528: {  	vm0 =	vmmov vm0;
	vm1 =	vmmov vm1;
	(xrf0) =	vmax.scan.msk.u32 $0xffff, v22  }
0x529: {  	vm0 =	vmmov vm0;
	vm1 =	vmmov vm1  }
0x52a: {  	v16 =	vxor.u32 $0x80000000, v16;
	vm0 =	vmmov vm0;
	vm3 =	vmmov vm1  }
0x52b: {  	vm1 =	vmmov vm5;
	vm4 =	vmmov vm0;
	vm2 =	vmmov vm2  }
0x52c: {  	s20 =	simm.s32 $0x0;
	s21 =	simm.s32 $0x180;
	vm0 =	veq.s32 v16, v12;
	vm2 =	vmmov vm2;
	v13 =	vmov s18;
	s18 =	simm.s32 $0x50;
	v22 =	vld [tilespmem:s19+$0x0]  }
.LBB2_85:
0x52d: {  	p0 =	seq.s32 s21, $0x1FFC0;
	v23 =	vld [tilespmem:s18+$0x8000];
	v24 =	vsel vm0, $0x1, v2;
	v25, _, _ =	vpop (xrf0);
	v26 =	vadd.s32 s20, v21;
	v21 =	vmov v20;
	s22 =	smov.u32 s15;
	s15 =	smov.u32 s14  }
0x52e: {  	v20 =	vmov v18;
	s14 =	smov.u32 s18;
	(xrf0) =	vadd.scan.msk.s32 $0xffff, v24;
	v24 =	vxor.u32 $0x80000000, v25;
	v27, _, _ =	vpop (xrf0);
	vm5 =	vle.s32 v26, v13  }
.Ltmp44:
0x52f: {  	vm6 =	vgt.s32 v19, v12;
	v18 =	vmovc v25;
	(xrf0) =	vmax.scan.msk.u32 $0xffff, v24;
	(v2sf) =	vpush v27, $0xF;
	vm4 =	vmand vm4, vm5;
	(pc) =	sbr.rel @!p0 .LBB2_85-.Ltmp44, $4  }
0x530: {  	v19 =	vmovc v17;
	v17 =	vmovc v14;
	v14 =	vmov v15;
	v15 =	vmov v16;
	vm4 =	vmor vm6, vm4;
	s18 =	spop (v2sf)  }
0x531: {  	v22 =	vnsel vm4, $0x0, v22;
	s18 =	sadd.s32 s18, s20;
	vm4 =	vmmov vm3;
	vm3 =	vmmov vm2  }
0x532: {  	vm2 =	vmmov vm1;
	vm1 =	vmmov vm0;
	v16 =	vxor.u32 $0x80000000, v23;
	[tilespmem:s19+$0x0] =	vst v22;
	s20 =	sadd.s32 $0x80000000, s18;
	s19 =	smov.u32 s17;
	s17 =	smov.u32 s16  }
0x533: {  	s18 =	sshra.s32 s21, $0x2;
	s21 =	sadd.s32 $0x40, s21;
	s16 =	smov.u32 s22;
	vm0 =	veq.s32 v16, v12;
	v22 =	vld [tilespmem:s19+$0x0]  }
0x534: {  	v21 =	vadd.s32 s20, v21  }
0x535: {  	v23 =	vld [tilespmem:s18+$0x8000];
	v24 =	vsel vm0, $0x1, v2;
	v25, _, _ =	vpop (xrf0);
	vm5 =	vle.s32 v21, v13  }
0x536: {  	vm6 =	vgt.s32 v19, v12;
	(xrf0) =	vadd.scan.msk.s32 $0xffff, v24;
	v45 =	vxor.u32 $0x80000000, v25;
	v46, _, _ =	vpop (xrf0);
	vm4 =	vmand vm4, vm5  }
0x537: {  	(xrf0) =	vmax.scan.msk.u32 $0xffff, v45;
	(v2sf) =	vpush v46, $0xF;
	vm4 =	vmor vm6, vm4  }
0x538: {  	s21 =	spop (v2sf);
	v47 =	vnsel vm4, $0x0, v22  }
0x539: {  	s31 =	sadd.s32 s21, s20;
	[tilespmem:s19+$0x0] =	vst v47  }
0x53a: {  	s21 =	sadd.s32 $0x80000000, s31;
	v48 =	vxor.u32 $0x80000000, v23;
	v49 =	vld [tilespmem:s17+$0x0]  }
0x53b: {  	v20 =	vadd.s32 s21, v20;
	vm4 =	veq.s32 v48, v12  }
0x53c: {  	vm3 =	vmmov vm3;
	vm12 =	vle.s32 v20, v13;
	v50 =	vsel vm4, $0x1, v2;
	v51, _, _ =	vpop (xrf0)  }
0x53d: {  	vm13 =	vgt.s32 v17, v12;
	vm3 =	vmand vm3, vm12;
	(xrf0) =	vadd.scan.msk.s32 $0xffff, v50;
	v52 =	vxor.u32 $0x80000000, v51;
	v53, _, _ =	vpop (xrf0)  }
0x53e: {  	vm3 =	vmor vm13, vm3;
	(xrf0) =	vmax.scan.msk.u32 $0xffff, v52;
	(v2sf) =	vpush v53, $0xF  }
0x53f: {  	s22 =	spop (v2sf);
	v54 =	vnsel vm3, $0x0, v49  }
0x540: {  	s19 =	sadd.s32 s22, s21;
	[tilespmem:s17+$0x0] =	vst v54  }
0x541: {  	s23 =	sadd.s32 $0x80000000, s19;
	v17 =	vld [tilespmem:s16+$0x0]  }
0x542: {  	vm2 =	vmmov vm2;
	v18 =	vadd.s32 s23, v18  }
0x543: {  	vm2 =	vmmov vm2;
	v55, _, _ =	vpop (xrf0);
	vm14 =	vle.s32 v18, v13  }
0x544: {  	vm15 =	vgt.s32 v14, v12;
	v56, _, _ =	vpop (xrf0);
	vm2 =	vmand vm2, vm14  }
0x545: {  	v57 =	vxor.u32 $0x80000000, v55;
	(v2sf) =	vpush v56, $0xF;
	vm2 =	vmor vm15, vm2  }
0x546: {  	(xrf0) =	vmax.scan.msk.u32 $0xffff, v57;
	s24 =	spop (v2sf);
	v58 =	vnsel vm2, $0x0, v17  }
0x547: {  	s17 =	sadd.s32 s24, s23;
	[tilespmem:s16+$0x0] =	vst v58  }
0x548: {  	vm1 =	vmmov vm1;
	s25 =	sadd.s32 $0x80000000, s17;
	v14 =	vld [tilespmem:s15+$0x0]  }
0x549: {  	vm1 =	vmmov vm1;
	v59 =	vadd.s32 s25, v25  }
0x54a: {  	vm1 =	vmmov vm1;
	vm8 =	vle.s32 v59, v13  }
0x54b: {  	vm9 =	vgt.s32 v15, v12;
	vm1 =	vmand vm1, vm8  }
0x54c: {  	v60, _, _ =	vpop (xrf0);
	vm1 =	vmor vm9, vm1  }
0x54d: {  	(v2sf) =	vpush v60, $0xF;
	s26 =	spop (v2sf);
	v14 =	vnsel vm1, $0x0, v14  }
0x54e: {  	vm10 =	vmmov vm0;
	s16 =	sadd.s32 s26, s25;
	[tilespmem:s15+$0x0] =	vst v14  }
0x54f: {  	vm0 =	vmmov vm10;
	s28 =	sadd.s32 $0x80000000, s16;
	v14 =	vld [tilespmem:s14+$0x0]  }
0x550: {  	vm0 =	vmmov vm0;
	v61 =	vadd.s32 s28, v51  }
0x551: {  	vm0 =	vmmov vm0;
	vm11 =	vle.s32 v61, v13  }
0x552: {  	vm12 =	vgt.s32 v16, v12;
	vm0 =	vmand vm0, vm11  }
0x553: {  	vm0 =	vmor vm12, vm0  }
0x554: {  	s29 =	spop (v2sf);
	v14 =	vnsel vm0, $0x0, v14  }
0x555: {  	vm13 =	vmmov vm4;
	s15 =	sadd.s32 s29, s28;
	[tilespmem:s14+$0x0] =	vst v14  }
0x556: {  	vm0 =	vmmov vm13;
	s30 =	sadd.s32 $0x80000000, s15;
	v14 =	vld [tilespmem:s18+$0x0]  }
0x557: {  	vm0 =	vmmov vm0;
	v62 =	vadd.s32 s30, v55  }
.Ltmp45:
0x558: {  	vm0 =	vmmov vm0;
	vm14 =	vle.s32 v62, v13;
	(pc) =	sbr.rel .LBB2_87-.Ltmp45, $4  }
0x559: {  	vm15 =	vgt.s32 v48, v12;
	vm0 =	vmand vm0, vm14  }
0x55a: {  	vm0 =	vmor vm15, vm0  }
0x55b: {  	v63 =	vnsel vm0, $0x0, v14  }
0x55c: {  	s31 =	spop (v2sf);
	[tilespmem:s18+$0x0] =	vst v63  }
.LBB2_81:
0x55d: {  	s15 =	simm.s32 $0x8040  }
0x55e: {  	v13 =	vld [tilespmem:s15+$0x30]  }
0x55f: {  	s14 =	simm.s32 $0x40;
	v14 =	vld [tilespmem:s15+$0xFFFFFFD0]  }
0x560: {  	v16 =	vld [tilespmem:s14+$0x30]  }
0x561: {  	v15 =	vld [tilespmem:s15+$0xFFFFFFE0]  }
0x562: {  	v17 =	vld [tilespmem:s15+$0xFFFFFFF0]  }
0x563: {  	v18 =	vld [tilespmem:s15+$0x0]  }
0x564: {  	v19 =	vld [tilespmem:s15+$0x10]  }
0x565: {  	v20 =	vld [tilespmem:s15+$0x20]  }
0x566: {  	v21 =	vld [tilespmem:s15+$0xFFFFFFC0]  }
0x567: {  	v22 =	vld [tilespmem:s14+$0xFFFFFFC0];
	v13 =	vxor.u32 $0x80000000, v13  }
0x568: {  	v23 =	vld [tilespmem:s14+$0xFFFFFFD0];
	v14 =	vxor.u32 $0x80000000, v14;
	vm4 =	vlt.s32 v13, v12;
	v13 =	vxor.u32 $0x80000000, v15  }
0x569: {  	vm5 =	vlt.s32 v14, v12;
	v14 =	vxor.u32 $0x80000000, v17;
	vm0 =	vlt.s32 v13, v12;
	v13 =	vld [tilespmem:s14+$0xFFFFFFE0]  }
0x56a: {  	v15 =	vxor.u32 $0x80000000, v18;
	v17 =	vxor.u32 $0x80000000, v19;
	vm1 =	vlt.s32 v14, v12;
	v14 =	vld [tilespmem:s14+$0xFFFFFFF0]  }
0x56b: {  	vm3 =	vlt.s32 v15, v12;
	vm2 =	vlt.s32 v17, v12;
	v17 =	vxor.u32 $0x80000000, v21;
	v15 =	vld [tilespmem:s14+$0x0]  }
0x56c: {  	v19 =	vxor.u32 $0x80000000, v20;
	v18 =	vsel vm4, $0x0, v16;
	v16 =	vld [tilespmem:s14+$0x10];
	vm6 =	vlt.s32 v17, v12  }
0x56d: {  	s16 =	simm.s32 $0x0;
	s17 =	simm.s32 $0x80C0;
	s15 =	simm.s32 $0x40;
	vm4 =	vlt.s32 v19, v12;
	[tilespmem:s14+$0x30] =	vst v18;
	v18 =	vsel vm5, $0x0, v23;
	v17 =	vld [tilespmem:s14+$0x20];
	v19 =	vsel vm6, $0x0, v22  }
.LBB2_82:
0x56e: {  	v20 =	vld [tilespmem:s17+$0x30];
	s16 =	sadd.s32 $0x8, s16;
	[tilespmem:s14+$0xFFFFFFC0] =	vst v19;
	v13 =	vsel vm0, $0x0, v13  }
0x56f: {  	s14 =	sadd.s32 $0x80, s14;
	v19 =	vld [tilespmem:s17+$0xFFFFFFD0];
	p0 =	slt.u32 s16, $0x7F8;
	[tilespmem:s15+$0xFFFFFFD0] =	vst v18;
	v14 =	vsel vm1, $0x0, v14  }
0x570: {  	v18 =	vld [tilespmem:s14+$0x30];
	[tilespmem:s15+$0xFFFFFFE0] =	vst v13;
	v13 =	vsel vm3, $0x0, v15  }
0x571: {  	v15 =	vld [tilespmem:s17+$0xFFFFFFE0];
	[tilespmem:s15+$0xFFFFFFF0] =	vst v14;
	v14 =	vsel vm2, $0x0, v16  }
0x572: {  	v16 =	vld [tilespmem:s17+$0xFFFFFFF0];
	[tilespmem:s15+$0x0] =	vst v13;
	v13 =	vsel vm4, $0x0, v17  }
0x573: {  	v17 =	vld [tilespmem:s17+$0x0];
	v20 =	vxor.u32 $0x80000000, v20;
	[tilespmem:s15+$0x10] =	vst v14  }
0x574: {  	v14 =	vxor.u32 $0x80000000, v19;
	v19 =	vld [tilespmem:s17+$0x10];
	vm0 =	vlt.s32 v20, v12;
	[tilespmem:s15+$0x20] =	vst v13;
	s15 =	smov.u32 s14  }
0x575: {  	vm5 =	vlt.s32 v14, v12;
	v20 =	vld [tilespmem:s17+$0x20];
	v13 =	vsel vm0, $0x0, v18  }
0x576: {  	v18 =	vld [tilespmem:s17+$0xFFFFFFC0];
	v14 =	vxor.u32 $0x80000000, v15;
	[tilespmem:s14+$0x30] =	vst v13  }
0x577: {  	v21 =	vld [tilespmem:s14+$0xFFFFFFC0];
	vm0 =	vlt.s32 v14, v12;
	v13 =	vxor.u32 $0x80000000, v16  }
0x578: {  	v22 =	vld [tilespmem:s14+$0xFFFFFFD0];
	vm1 =	vlt.s32 v13, v12;
	v14 =	vxor.u32 $0x80000000, v17  }
.Ltmp46:
0x579: {  	v13 =	vld [tilespmem:s14+$0xFFFFFFE0];
	vm3 =	vlt.s32 v14, v12;
	v15 =	vxor.u32 $0x80000000, v19;
	(pc) =	sbr.rel @p0 .LBB2_82-.Ltmp46, $4  }
0x57a: {  	v14 =	vld [tilespmem:s14+$0xFFFFFFF0];
	vm2 =	vlt.s32 v15, v12;
	v16 =	vxor.u32 $0x80000000, v20  }
0x57b: {  	v17 =	vxor.u32 $0x80000000, v18;
	v15 =	vld [tilespmem:s14+$0x0];
	vm4 =	vlt.s32 v16, v12  }
0x57c: {  	vm6 =	vlt.s32 v17, v12;
	v16 =	vld [tilespmem:s14+$0x10]  }
0x57d: {  	s17 =	sadd.s32 $0x80, s17;
	v19 =	vsel vm6, $0x0, v21;
	v18 =	vsel vm5, $0x0, v22;
	v17 =	vld [tilespmem:s14+$0x20]  }
0x57e: {  	[tilespmem:s14+$0xFFFFFFC0] =	vst v19  }
0x57f: {  	v12 =	vsel vm0, $0x0, v13;
	[tilespmem:s15+$0xFFFFFFD0] =	vst v18  }
.Ltmp47:
0x580: {  	v60 =	vsel vm1, $0x0, v14;
	[tilespmem:s15+$0xFFFFFFE0] =	vst v12;
	(pc) =	sbr.rel .LBB2_87-.Ltmp47, $4  }
0x581: {  	v61 =	vsel vm3, $0x0, v15;
	[tilespmem:s15+$0xFFFFFFF0] =	vst v60  }
0x582: {  	v62 =	vsel vm2, $0x0, v16;
	[tilespmem:s15+$0x0] =	vst v61  }
0x583: {  	v63 =	vsel vm4, $0x0, v17;
	[tilespmem:s15+$0x10] =	vst v62  }
0x584: {  	[tilespmem:s15+$0x20] =	vst v63  }
.LBB2_13:
.Ltmp48:
0x585: {  	(pc) =	sbr.rel .LBB2_24-.Ltmp48, $2  }
0x586: {  	_ =	sdelay $0x2  }
0x587: {  	s14 =	simm.s32 $0x0  }
.LBB2_35:
.Ltmp49:
0x588: {  	(pc) =	sbr.rel .LBB2_46-.Ltmp49, $2  }
0x589: {  	_ =	sdelay $0x2  }
0x58a: {  	s16 =	simm.s32 $0x0  }
.LBB2_57:
.Ltmp50:
0x58b: {  	(pc) =	sbr.rel .LBB2_68-.Ltmp50, $2  }
0x58c: {  	_ =	sdelay $0x2  }
0x58d: {  	s16 =	simm.s32 $0x0  }
.LBB2_15:
.Ltmp51:
0x58e: {  	(pc) =	sbr.rel .LBB2_24-.Ltmp51, $2  }
0x58f: {  	_ =	sdelay $0x2  }
0x590: {  	s14 =	simm.s32 $0x0  }
.LBB2_37:
.Ltmp52:
0x591: {  	(pc) =	sbr.rel .LBB2_46-.Ltmp52, $2  }
0x592: {  	_ =	sdelay $0x2  }
0x593: {  	s16 =	simm.s32 $0x0  }
.LBB2_59:
.Ltmp53:
0x594: {  	(pc) =	sbr.rel .LBB2_68-.Ltmp53, $2  }
0x595: {  	_ =	sdelay $0x2  }
0x596: {  	s16 =	simm.s32 $0x0  }
.LBB2_17:
.Ltmp54:
0x597: {  	(pc) =	sbr.rel .LBB2_24-.Ltmp54, $2  }
0x598: {  	_ =	sdelay $0x2  }
0x599: {  	s14 =	simm.s32 $0x0  }
.LBB2_39:
.Ltmp55:
0x59a: {  	(pc) =	sbr.rel .LBB2_46-.Ltmp55, $2  }
0x59b: {  	_ =	sdelay $0x2  }
0x59c: {  	s16 =	simm.s32 $0x0  }
.LBB2_61:
.Ltmp56:
0x59d: {  	(pc) =	sbr.rel .LBB2_68-.Ltmp56, $2  }
0x59e: {  	_ =	sdelay $0x2  }
0x59f: {  	s16 =	simm.s32 $0x0  }
.LBB2_19:
.Ltmp57:
0x5a0: {  	(pc) =	sbr.rel .LBB2_24-.Ltmp57, $2  }
0x5a1: {  	_ =	sdelay $0x2  }
0x5a2: {  	s14 =	simm.s32 $0x0  }
.LBB2_41:
.Ltmp58:
0x5a3: {  	(pc) =	sbr.rel .LBB2_46-.Ltmp58, $2  }
0x5a4: {  	_ =	sdelay $0x2  }
0x5a5: {  	s16 =	simm.s32 $0x0  }
.LBB2_63:
.Ltmp59:
0x5a6: {  	(pc) =	sbr.rel .LBB2_68-.Ltmp59, $2  }
0x5a7: {  	_ =	sdelay $0x2  }
0x5a8: {  	s16 =	simm.s32 $0x0  }
.LBB2_21:
.Ltmp60:
0x5a9: {  	(pc) =	sbr.rel .LBB2_24-.Ltmp60, $2  }
0x5aa: {  	_ =	sdelay $0x2  }
0x5ab: {  	s14 =	simm.s32 $0x0  }
.LBB2_43:
.Ltmp61:
0x5ac: {  	(pc) =	sbr.rel .LBB2_46-.Ltmp61, $2  }
0x5ad: {  	_ =	sdelay $0x2  }
0x5ae: {  	s16 =	simm.s32 $0x0  }
.LBB2_65:
.Ltmp62:
0x5af: {  	(pc) =	sbr.rel .LBB2_68-.Ltmp62, $2  }
0x5b0: {  	_ =	sdelay $0x2  }
0x5b1: {  	s16 =	simm.s32 $0x0  }
.LBB2_89:
0x5b2: {  	_ =	sfence.sel $0x180000  }
0x5b3: {  	[bflag:$0x0] =	sbarrier.arrive $0xFFFF  }
0x5b4: {  	p0 =	sne.s32 s3, $0x0;
	_ =	strace $0x90000047  }
0x5b5: {  	s0 =	sadd.s32 @!p0 $0x100000, s0;
	[bflag:$0x2] =	sbarrier.arrive $0xFFFF  }
0x5b6: {  	[sflag:s0] =	ssyncadd.tile.s32 @!p0 $0x1;
	_ =	shalt  }
.Lfunc_end2:
_tile_overlayer_lowered:
.L_overlay_start_2:
0x5b7: {  	(tag) =	ssettag $0x2  }
0x5b8: {  	s0 =	rddreg [dreg:$0x0];
	s2 =	stileid.u32  }
0x5b9: {  	s1 =	rddreg [dreg:$0x1];
	p0 =	sne.s32 s2, $0x0  }
0x5ba: {  	s3 =	rddreg [dreg:$0x2];
	[bflag:$0x3] =	sbarrier.arrive $0xFFFF;
	s2 =	simm.s32 @!p0 $0x1C01  }
0x5bb: {  	[timem:s3], [sflag:s2] =	dma.local @!p0 [hbm:s0], s1  }
0x5bc: {  	s0 =	simm.s32 @!p0 $0x1  }
0x5bd: {  	_ =	swait.ge @!p0 [sflag:s0], s1  }
0x5be: {  	s1 =	ssub.s32 @!p0 $0x0, s1;
	[sflag:s0] =	ssyncset.done @!p0 $0x0  }
0x5bf: {  	[sflag:s0] =	ssyncadd.s32 @!p0 s1  }
0x5c0: {  	[bflag:$0x3] =	sbarrier.arrive $0xFFFF  }
0x5c1: {  	_ =	shalt  }

</sc_bundles>
